<compile_context>
chip_gen: v7x
topology: tpu7x:2x2x1
jax: 0.10.2.dev20260603
libtpu: 0.0.44.dev20260713+nightly
codegen_flags: <defaults>
</compile_context>

<pallas_src>
import functools

import jax
import jax.numpy as jnp
from jax import lax
from jax.experimental import pallas as pl
from jax.experimental.pallas import tpu as pltpu
from jax.experimental.pallas import tpu_sc as plsc

_NC, _NS = 2, 16
_NW = _NC * _NS
_K = 4


@functools.lru_cache(maxsize=None)
def _emb_call(V, D, B0, H):
    rows_per_w = B0 // _NW
    n_halves = rows_per_w // _K
    assert rows_per_w % _K == 0 and n_halves % 2 == 0 and n_halves >= 6
    mesh = plsc.VectorSubcoreMesh(core_axis_name="c", subcore_axis_name="s")

    @functools.partial(
        pl.kernel,
        out_type=jax.ShapeDtypeStruct((B0, H, 2 * D), jnp.float32),
        mesh=mesh,
        scratch_types=[
            pltpu.VMEM((2, _K, H), jnp.int32),
            pltpu.VMEM((2, _K, H, D), jnp.float32),
            pltpu.SemaphoreType.DMA,
            pltpu.SemaphoreType.DMA,
            pltpu.SemaphoreType.DMA,
            pltpu.SemaphoreType.DMA,
            pltpu.SemaphoreType.DMA,
            pltpu.SemaphoreType.DMA,
        ],
        compiler_params=pltpu.CompilerParams(use_tc_tiling_on_sc=False),
    )
    def body(idx_hbm, table_hbm, out_hbm, idx_v, rows_v,
             is0, is1, gs0, gs1, ss0, ss1):
        isem = (is0, is1)
        gsem = (gs0, gs1)
        ssem = (ss0, ss1)
        wid = lax.axis_index("s") * _NC + lax.axis_index("c")
        base = wid * rows_per_w

        def fire_idx_load(h, q):
            pltpu.async_copy(idx_hbm.at[pl.ds(base + h * _K, _K)],
                             idx_v.at[q], isem[q])

        def wait_idx(q):
            pltpu.make_async_copy(idx_hbm.at[pl.ds(0, _K)], idx_v.at[q],
                                  isem[q]).wait()

        def wait_gather(q, k):
            pltpu.make_async_copy(out_hbm.at[0, :, pl.ds(0, D)],
                                  rows_v.at[q, k], gsem[q]).wait()

        def wait_store(q, k):
            pltpu.make_async_copy(rows_v.at[q, k],
                                  out_hbm.at[0, :, pl.ds(0, D)],
                                  ssem[q]).wait()

        def process_half(h, q, first, prefetch):
            wait_idx(q)
            if not first:
                for k in range(_K):
                    wait_store(q, k)
            for k in range(_K):
                pltpu.async_copy(table_hbm.at[idx_v.at[q, k]],
                                 rows_v.at[q, k], gsem[q])
            if prefetch:
                fire_idx_load(h + 1, 1 - q)
            for k in range(_K):
                wait_gather(q, k)
            for k in range(_K):
                pltpu.async_copy(
                    rows_v.at[q, k],
                    out_hbm.at[base + h * _K + k, :, pl.ds(0, D)], ssem[q])

        fire_idx_load(0, 0)
        process_half(0, 0, first=True, prefetch=True)
        process_half(1, 1, first=True, prefetch=True)

        @pl.loop(2, n_halves - 2, step=2)
        def _steady(Hh):
            process_half(Hh, 0, first=False, prefetch=True)
            process_half(Hh + 1, 1, first=False, prefetch=True)

        process_half(n_halves - 2, 0, first=False, prefetch=True)
        process_half(n_halves - 1, 1, first=False, prefetch=False)

        for q in (0, 1):
            for k in range(_K):
                wait_store(q, k)

    return body


def kernel(x, table):
    B0, H = x.shape
    V, D = table.shape
    out = _emb_call(V, D, B0, H)(x.astype(jnp.int32), table)
    return out[:, :, :D]

# --- scband reference (transcript-rebuilt; emitter-appended) ---
"""Pipeline reference for scband-token-embedding-35536559407752 (READ-ONLY COPY).

The authoritative reference and input builder live on the scoring server;
editing this copy changes nothing except your own understanding.
"""

import jax, jax.numpy as jnp
import numpy as np

VOCAB = 1000000
D_MODEL = 64
BATCH = 16384
HIST = 200

def setup_inputs(seed: int = 0) -> dict:
    key = jax.random.key(seed)
    k_idx, k_tab = jax.random.split(key)
    x = jax.random.randint(k_idx, (BATCH, HIST), 0, VOCAB, dtype=jnp.int64 if jax.config.jax_enable_x64 else jnp.int32)
    table = jax.random.normal(k_tab, (VOCAB, D_MODEL), dtype=jnp.float32)
    return {"x": x, "table": table}

def reference(x, table):
    # TokenEmbedding.forward: x = self.token_embedding(x.long())
    return jnp.take(table, x.astype(jnp.int32), axis=0)

if __name__ == "__main__":
    import jax
    _d = setup_inputs()
    print(jax.jit(kernel)(*tuple(_d.values())))

</pallas_src>

<mosaic_0001>
#map = affine_map<(d0, d1) -> (0, 0)>
#map1 = affine_map<(d0, d1) -> (0, 0, 0)>
module attributes {stable_mosaic.version = 14 : i64} {
  func.func @body(%arg0: i32, %arg1: i32, %arg2: memref<16384x200xi32, #tpu.memory_space<hbm>>, %arg3: memref<1000000x64xf32, #tpu.memory_space<hbm>>, %arg4: memref<16384x200x128xf32, #tpu.memory_space<hbm>>, %arg5: memref<2x4x200xi32, #tpu.memory_space<vmem>>, %arg6: memref<2x4x200x64xf32, #tpu.memory_space<vmem>>, %arg7: memref<!tpu.dma_semaphore, #tpu.memory_space<semaphore_mem>>, %arg8: memref<!tpu.dma_semaphore, #tpu.memory_space<semaphore_mem>>, %arg9: memref<!tpu.dma_semaphore, #tpu.memory_space<semaphore_mem>>, %arg10: memref<!tpu.dma_semaphore, #tpu.memory_space<semaphore_mem>>, %arg11: memref<!tpu.dma_semaphore, #tpu.memory_space<semaphore_mem>>, %arg12: memref<!tpu.dma_semaphore, #tpu.memory_space<semaphore_mem>>) attributes {dimension_semantics = [#tpu.dimension_semantics<core_parallel>, #tpu.dimension_semantics<subcore_parallel>], iteration_bounds = array<i64: 2, 16>, scalar_prefetch = 0 : i64, scratch_operands = 8 : i64, tpu.core_type = #tpu.core_type<sc_vector_subcore>, window_params = [{transform_indices = #map}, {transform_indices = #map}, {transform_indices = #map1}]} {
    %mul3A = arith.constant 2 : i32
    %mul3A_0 = arith.muli %arg1, %mul3A : i32
    %add3A = arith.addi %mul3A_0, %arg0 : i32
    %mul3A_1 = arith.constant 512 : i32
    %mul3A_2 = arith.muli %add3A, %mul3A_1 : i32
    %add3A_3 = arith.constant 0 : i32
    %add3A_4 = arith.addi %mul3A_2, %add3A_3 : i32
    %dma_start3A = arith.constant 0 : i32
    %dma_start3A_5 = arith.constant 0 : i32
    %dma_start3A_6 = arith.constant 0 : i32
    %dma_start3A_7 = tpu.memref_slice %arg5[%dma_start3A, %dma_start3A_5, %dma_start3A_6] : memref<2x4x200xi32, #tpu.memory_space<vmem>> -> memref<1x4x200xi32, #tpu.memory_space<vmem>>
    %dma_start3A_8 = tpu.memref_squeeze %dma_start3A_7 : memref<1x4x200xi32, #tpu.memory_space<vmem>> -> memref<4x200xi32, #tpu.memory_space<vmem>>
    %dma_start3A_9 = arith.constant 0 : i32
    %dma_start3A_10 = tpu.memref_slice %arg2[%add3A_4, %dma_start3A_9] : memref<16384x200xi32, #tpu.memory_space<hbm>> -> memref<4x200xi32, #tpu.memory_space<hbm>>
    %dma_start3A_11 = arith.constant 0 : i32
    %dma_start3A_12 = arith.constant 0 : i32
    %dma_start3A_13 = tpu.memref_slice %arg5[%dma_start3A, %dma_start3A_11, %dma_start3A_12] : memref<2x4x200xi32, #tpu.memory_space<vmem>> -> memref<1x4x200xi32, #tpu.memory_space<vmem>>
    %dma_start3A_14 = tpu.memref_squeeze %dma_start3A_13 : memref<1x4x200xi32, #tpu.memory_space<vmem>> -> memref<4x200xi32, #tpu.memory_space<vmem>>
    %dma_start3A_15 = arith.constant 0 : i32
    %dma_start3A_16 = tpu.memref_slice %arg2[%add3A_4, %dma_start3A_15] : memref<16384x200xi32, #tpu.memory_space<hbm>> -> memref<4x200xi32, #tpu.memory_space<hbm>>
    tpu.enqueue_dma source(%dma_start3A_16 : memref<4x200xi32, #tpu.memory_space<hbm>>) target(%dma_start3A_14 : memref<4x200xi32, #tpu.memory_space<vmem>>) target_semaphore(%arg7 : memref<!tpu.dma_semaphore, #tpu.memory_space<semaphore_mem>>)
    %dma_wait3A = arith.constant 0 : i32
    %dma_wait3A_17 = arith.constant 0 : i32
    %dma_wait3A_18 = arith.constant 0 : i32
    %dma_wait3A_19 = tpu.memref_slice %arg5[%dma_wait3A, %dma_wait3A_17, %dma_wait3A_18] : memref<2x4x200xi32, #tpu.memory_space<vmem>> -> memref<1x4x200xi32, #tpu.memory_space<vmem>>
    %dma_wait3A_20 = tpu.memref_squeeze %dma_wait3A_19 : memref<1x4x200xi32, #tpu.memory_space<vmem>> -> memref<4x200xi32, #tpu.memory_space<vmem>>
    %dma_wait3A_21 = arith.constant 0 : i32
    %dma_wait3A_22 = arith.constant 0 : i32
    %dma_wait3A_23 = tpu.memref_slice %arg2[%dma_wait3A_21, %dma_wait3A_22] : memref<16384x200xi32, #tpu.memory_space<hbm>> -> memref<4x200xi32, #tpu.memory_space<hbm>>
    %dma_wait3A_24 = arith.constant 0 : i32
    %dma_wait3A_25 = arith.constant 0 : i32
    %dma_wait3A_26 = tpu.memref_slice %arg5[%dma_wait3A, %dma_wait3A_24, %dma_wait3A_25] : memref<2x4x200xi32, #tpu.memory_space<vmem>> -> memref<1x4x200xi32, #tpu.memory_space<vmem>>
    %dma_wait3A_27 = tpu.memref_squeeze %dma_wait3A_26 : memref<1x4x200xi32, #tpu.memory_space<vmem>> -> memref<4x200xi32, #tpu.memory_space<vmem>>
    %dma_wait3A_28 = arith.constant 0 : i32
    %dma_wait3A_29 = arith.constant 0 : i32
    %dma_wait3A_30 = tpu.memref_slice %arg2[%dma_wait3A_28, %dma_wait3A_29] : memref<16384x200xi32, #tpu.memory_space<hbm>> -> memref<4x200xi32, #tpu.memory_space<hbm>>
    tpu.wait_dma2 semaphore(%arg7 : memref<!tpu.dma_semaphore, #tpu.memory_space<semaphore_mem>>) src(%dma_wait3A_30 : memref<4x200xi32, #tpu.memory_space<hbm>>) dst(%dma_wait3A_27 : memref<4x200xi32, #tpu.memory_space<vmem>>)
    %dma_start3A_31 = arith.constant 0 : i32
    %dma_start3A_32 = arith.constant 0 : i32
    %dma_start3A_33 = arith.constant 0 : i32
    %dma_start3A_34 = arith.constant 0 : i32
    %dma_start3A_35 = arith.constant 0 : i32
    %dma_start3A_36 = arith.constant 0 : i32
    %dma_start3A_37 = tpu.memref_slice %arg6[%dma_start3A_33, %dma_start3A_34, %dma_start3A_35, %dma_start3A_36] : memref<2x4x200x64xf32, #tpu.memory_space<vmem>> -> memref<1x1x200x64xf32, #tpu.memory_space<vmem>>
    %dma_start3A_38 = tpu.memref_squeeze %dma_start3A_37 : memref<1x1x200x64xf32, #tpu.memory_space<vmem>> -> memref<200x64xf32, #tpu.memory_space<vmem>>
    %dma_start3A_39 = arith.constant 0 : i32
    %dma_start3A_40 = tpu.memref_slice %arg5[%dma_start3A_31, %dma_start3A_32, %dma_start3A_39] : memref<2x4x200xi32, #tpu.memory_space<vmem>> -> memref<1x1x200xi32, #tpu.memory_space<vmem>>
    %dma_start3A_41 = tpu.memref_squeeze %dma_start3A_40 : memref<1x1x200xi32, #tpu.memory_space<vmem>> -> memref<200xi32, #tpu.memory_space<vmem>>
    %dma_start3A_42 = arith.constant 0 : i32
    %dma_start3A_43 = arith.constant 0 : i32
    %dma_start3A_44 = tpu.memref_slice %arg3[%dma_start3A_42, %dma_start3A_43] : memref<1000000x64xf32, #tpu.memory_space<hbm>> -> memref<1000000x64xf32, #tpu.memory_space<hbm>>
    tpu.enqueue_indirect_dma source(%dma_start3A_44 : memref<1000000x64xf32, #tpu.memory_space<hbm>>) target(%dma_start3A_38 : memref<200x64xf32, #tpu.memory_space<vmem>>) offsets(%dma_start3A_41 : memref<200xi32, #tpu.memory_space<vmem>>) semaphore(%arg9 : memref<!tpu.dma_semaphore, #tpu.memory_space<semaphore_mem>>)
    %dma_start3A_45 = arith.constant 0 : i32
    %dma_start3A_46 = arith.constant 1 : i32
    %dma_start3A_47 = arith.constant 0 : i32
    %dma_start3A_48 = arith.constant 1 : i32
    %dma_start3A_49 = arith.constant 0 : i32
    %dma_start3A_50 = arith.constant 0 : i32
    %dma_start3A_51 = tpu.memref_slice %arg6[%dma_start3A_47, %dma_start3A_48, %dma_start3A_49, %dma_start3A_50] : memref<2x4x200x64xf32, #tpu.memory_space<vmem>> -> memref<1x1x200x64xf32, #tpu.memory_space<vmem>>
    %dma_start3A_52 = tpu.memref_squeeze %dma_start3A_51 : memref<1x1x200x64xf32, #tpu.memory_space<vmem>> -> memref<200x64xf32, #tpu.memory_space<vmem>>
    %dma_start3A_53 = arith.constant 0 : i32
    %dma_start3A_54 = tpu.memref_slice %arg5[%dma_start3A_45, %dma_start3A_46, %dma_start3A_53] : memref<2x4x200xi32, #tpu.memory_space<vmem>> -> memref<1x1x200xi32, #tpu.memory_space<vmem>>
    %dma_start3A_55 = tpu.memref_squeeze %dma_start3A_54 : memref<1x1x200xi32, #tpu.memory_space<vmem>> -> memref<200xi32, #tpu.memory_space<vmem>>
    %dma_start3A_56 = arith.constant 0 : i32
    %dma_start3A_57 = arith.constant 0 : i32
    %dma_start3A_58 = tpu.memref_slice %arg3[%dma_start3A_56, %dma_start3A_57] : memref<1000000x64xf32, #tpu.memory_space<hbm>> -> memref<1000000x64xf32, #tpu.memory_space<hbm>>
    tpu.enqueue_indirect_dma source(%dma_start3A_58 : memref<1000000x64xf32, #tpu.memory_space<hbm>>) target(%dma_start3A_52 : memref<200x64xf32, #tpu.memory_space<vmem>>) offsets(%dma_start3A_55 : memref<200xi32, #tpu.memory_space<vmem>>) semaphore(%arg9 : memref<!tpu.dma_semaphore, #tpu.memory_space<semaphore_mem>>)
    %dma_start3A_59 = arith.constant 0 : i32
    %dma_start3A_60 = arith.constant 2 : i32
    %dma_start3A_61 = arith.constant 0 : i32
    %dma_start3A_62 = arith.constant 2 : i32
    %dma_start3A_63 = arith.constant 0 : i32
    %dma_start3A_64 = arith.constant 0 : i32
    %dma_start3A_65 = tpu.memref_slice %arg6[%dma_start3A_61, %dma_start3A_62, %dma_start3A_63, %dma_start3A_64] : memref<2x4x200x64xf32, #tpu.memory_space<vmem>> -> memref<1x1x200x64xf32, #tpu.memory_space<vmem>>
    %dma_start3A_66 = tpu.memref_squeeze %dma_start3A_65 : memref<1x1x200x64xf32, #tpu.memory_space<vmem>> -> memref<200x64xf32, #tpu.memory_space<vmem>>
    %dma_start3A_67 = arith.constant 0 : i32
    %dma_start3A_68 = tpu.memref_slice %arg5[%dma_start3A_59, %dma_start3A_60, %dma_start3A_67] : memref<2x4x200xi32, #tpu.memory_space<vmem>> -> memref<1x1x200xi32, #tpu.memory_space<vmem>>
    %dma_start3A_69 = tpu.memref_squeeze %dma_start3A_68 : memref<1x1x200xi32, #tpu.memory_space<vmem>> -> memref<200xi32, #tpu.memory_space<vmem>>
    %dma_start3A_70 = arith.constant 0 : i32
    %dma_start3A_71 = arith.constant 0 : i32
    %dma_start3A_72 = tpu.memref_slice %arg3[%dma_start3A_70, %dma_start3A_71] : memref<1000000x64xf32, #tpu.memory_space<hbm>> -> memref<1000000x64xf32, #tpu.memory_space<hbm>>
    tpu.enqueue_indirect_dma source(%dma_start3A_72 : memref<1000000x64xf32, #tpu.memory_space<hbm>>) target(%dma_start3A_66 : memref<200x64xf32, #tpu.memory_space<vmem>>) offsets(%dma_start3A_69 : memref<200xi32, #tpu.memory_space<vmem>>) semaphore(%arg9 : memref<!tpu.dma_semaphore, #tpu.memory_space<semaphore_mem>>)
    %dma_start3A_73 = arith.constant 0 : i32
    %dma_start3A_74 = arith.constant 3 : i32
    %dma_start3A_75 = arith.constant 0 : i32
    %dma_start3A_76 = arith.constant 3 : i32
    %dma_start3A_77 = arith.constant 0 : i32
    %dma_start3A_78 = arith.constant 0 : i32
    %dma_start3A_79 = tpu.memref_slice %arg6[%dma_start3A_75, %dma_start3A_76, %dma_start3A_77, %dma_start3A_78] : memref<2x4x200x64xf32, #tpu.memory_space<vmem>> -> memref<1x1x200x64xf32, #tpu.memory_space<vmem>>
    %dma_start3A_80 = tpu.memref_squeeze %dma_start3A_79 : memref<1x1x200x64xf32, #tpu.memory_space<vmem>> -> memref<200x64xf32, #tpu.memory_space<vmem>>
    %dma_start3A_81 = arith.constant 0 : i32
    %dma_start3A_82 = tpu.memref_slice %arg5[%dma_start3A_73, %dma_start3A_74, %dma_start3A_81] : memref<2x4x200xi32, #tpu.memory_space<vmem>> -> memref<1x1x200xi32, #tpu.memory_space<vmem>>
    %dma_start3A_83 = tpu.memref_squeeze %dma_start3A_82 : memref<1x1x200xi32, #tpu.memory_space<vmem>> -> memref<200xi32, #tpu.memory_space<vmem>>
    %dma_start3A_84 = arith.constant 0 : i32
    %dma_start3A_85 = arith.constant 0 : i32
    %dma_start3A_86 = tpu.memref_slice %arg3[%dma_start3A_84, %dma_start3A_85] : memref<1000000x64xf32, #tpu.memory_space<hbm>> -> memref<1000000x64xf32, #tpu.memory_space<hbm>>
    tpu.enqueue_indirect_dma source(%dma_start3A_86 : memref<1000000x64xf32, #tpu.memory_space<hbm>>) target(%dma_start3A_80 : memref<200x64xf32, #tpu.memory_space<vmem>>) offsets(%dma_start3A_83 : memref<200xi32, #tpu.memory_space<vmem>>) semaphore(%arg9 : memref<!tpu.dma_semaphore, #tpu.memory_space<semaphore_mem>>)
    %add3A_87 = arith.constant 4 : i32
    %add3A_88 = arith.addi %mul3A_2, %add3A_87 : i32
    %dma_start3A_89 = arith.constant 1 : i32
    %dma_start3A_90 = arith.constant 0 : i32
    %dma_start3A_91 = arith.constant 0 : i32
    %dma_start3A_92 = tpu.memref_slice %arg5[%dma_start3A_89, %dma_start3A_90, %dma_start3A_91] : memref<2x4x200xi32, #tpu.memory_space<vmem>> -> memref<1x4x200xi32, #tpu.memory_space<vmem>>
    %dma_start3A_93 = tpu.memref_squeeze %dma_start3A_92 : memref<1x4x200xi32, #tpu.memory_space<vmem>> -> memref<4x200xi32, #tpu.memory_space<vmem>>
    %dma_start3A_94 = arith.constant 0 : i32
    %dma_start3A_95 = tpu.memref_slice %arg2[%add3A_88, %dma_start3A_94] : memref<16384x200xi32, #tpu.memory_space<hbm>> -> memref<4x200xi32, #tpu.memory_space<hbm>>
    %dma_start3A_96 = arith.constant 0 : i32
    %dma_start3A_97 = arith.constant 0 : i32
    %dma_start3A_98 = tpu.memref_slice %arg5[%dma_start3A_89, %dma_start3A_96, %dma_start3A_97] : memref<2x4x200xi32, #tpu.memory_space<vmem>> -> memref<1x4x200xi32, #tpu.memory_space<vmem>>
    %dma_start3A_99 = tpu.memref_squeeze %dma_start3A_98 : memref<1x4x200xi32, #tpu.memory_space<vmem>> -> memref<4x200xi32, #tpu.memory_space<vmem>>
    %dma_start3A_100 = arith.constant 0 : i32
    %dma_start3A_101 = tpu.memref_slice %arg2[%add3A_88, %dma_start3A_100] : memref<16384x200xi32, #tpu.memory_space<hbm>> -> memref<4x200xi32, #tpu.memory_space<hbm>>
    tpu.enqueue_dma source(%dma_start3A_101 : memref<4x200xi32, #tpu.memory_space<hbm>>) target(%dma_start3A_99 : memref<4x200xi32, #tpu.memory_space<vmem>>) target_semaphore(%arg8 : memref<!tpu.dma_semaphore, #tpu.memory_space<semaphore_mem>>)
    %dma_wait3A_102 = arith.constant 0 : i32
    %dma_wait3A_103 = arith.constant 0 : i32
    %dma_wait3A_104 = arith.constant 0 : i32
    %dma_wait3A_105 = arith.constant 0 : i32
    %dma_wait3A_106 = arith.constant 0 : i32
    %dma_wait3A_107 = tpu.memref_slice %arg6[%dma_wait3A_103, %dma_wait3A_104, %dma_wait3A_105, %dma_wait3A_106] : memref<2x4x200x64xf32, #tpu.memory_space<vmem>> -> memref<1x1x200x64xf32, #tpu.memory_space<vmem>>
    %dma_wait3A_108 = tpu.memref_squeeze %dma_wait3A_107 : memref<1x1x200x64xf32, #tpu.memory_space<vmem>> -> memref<200x64xf32, #tpu.memory_space<vmem>>
    %dma_wait3A_109 = arith.constant 0 : i32
    %dma_wait3A_110 = arith.constant 0 : i32
    %dma_wait3A_111 = tpu.memref_slice %arg4[%dma_wait3A_102, %dma_wait3A_109, %dma_wait3A_110] : memref<16384x200x128xf32, #tpu.memory_space<hbm>> -> memref<1x200x64xf32, #tpu.memory_space<hbm>>
    %dma_wait3A_112 = tpu.memref_squeeze %dma_wait3A_111 : memref<1x200x64xf32, #tpu.memory_space<hbm>> -> memref<200x64xf32, #tpu.memory_space<hbm>>
    %dma_wait3A_113 = arith.constant 0 : i32
    %dma_wait3A_114 = arith.constant 0 : i32
    %dma_wait3A_115 = tpu.memref_slice %arg6[%dma_wait3A_103, %dma_wait3A_104, %dma_wait3A_113, %dma_wait3A_114] : memref<2x4x200x64xf32, #tpu.memory_space<vmem>> -> memref<1x1x200x64xf32, #tpu.memory_space<vmem>>
    %dma_wait3A_116 = tpu.memref_squeeze %dma_wait3A_115 : memref<1x1x200x64xf32, #tpu.memory_space<vmem>> -> memref<200x64xf32, #tpu.memory_space<vmem>>
    %dma_wait3A_117 = arith.constant 0 : i32
    %dma_wait3A_118 = arith.constant 0 : i32
    %dma_wait3A_119 = tpu.memref_slice %arg4[%dma_wait3A_102, %dma_wait3A_117, %dma_wait3A_118] : memref<16384x200x128xf32, #tpu.memory_space<hbm>> -> memref<1x200x64xf32, #tpu.memory_space<hbm>>
    %dma_wait3A_120 = tpu.memref_squeeze %dma_wait3A_119 : memref<1x200x64xf32, #tpu.memory_space<hbm>> -> memref<200x64xf32, #tpu.memory_space<hbm>>
    tpu.wait_dma2 semaphore(%arg9 : memref<!tpu.dma_semaphore, #tpu.memory_space<semaphore_mem>>) src(%dma_wait3A_120 : memref<200x64xf32, #tpu.memory_space<hbm>>) dst(%dma_wait3A_116 : memref<200x64xf32, #tpu.memory_space<vmem>>)
    %dma_wait3A_121 = arith.constant 0 : i32
    %dma_wait3A_122 = arith.constant 0 : i32
    %dma_wait3A_123 = arith.constant 1 : i32
    %dma_wait3A_124 = arith.constant 0 : i32
    %dma_wait3A_125 = arith.constant 0 : i32
    %dma_wait3A_126 = tpu.memref_slice %arg6[%dma_wait3A_122, %dma_wait3A_123, %dma_wait3A_124, %dma_wait3A_125] : memref<2x4x200x64xf32, #tpu.memory_space<vmem>> -> memref<1x1x200x64xf32, #tpu.memory_space<vmem>>
    %dma_wait3A_127 = tpu.memref_squeeze %dma_wait3A_126 : memref<1x1x200x64xf32, #tpu.memory_space<vmem>> -> memref<200x64xf32, #tpu.memory_space<vmem>>
    %dma_wait3A_128 = arith.constant 0 : i32
    %dma_wait3A_129 = arith.constant 0 : i32
    %dma_wait3A_130 = tpu.memref_slice %arg4[%dma_wait3A_121, %dma_wait3A_128, %dma_wait3A_129] : memref<16384x200x128xf32, #tpu.memory_space<hbm>> -> memref<1x200x64xf32, #tpu.memory_space<hbm>>
    %dma_wait3A_131 = tpu.memref_squeeze %dma_wait3A_130 : memref<1x200x64xf32, #tpu.memory_space<hbm>> -> memref<200x64xf32, #tpu.memory_space<hbm>>
    %dma_wait3A_132 = arith.constant 0 : i32
    %dma_wait3A_133 = arith.constant 0 : i32
    %dma_wait3A_134 = tpu.memref_slice %arg6[%dma_wait3A_122, %dma_wait3A_123, %dma_wait3A_132, %dma_wait3A_133] : memref<2x4x200x64xf32, #tpu.memory_space<vmem>> -> memref<1x1x200x64xf32, #tpu.memory_space<vmem>>
    %dma_wait3A_135 = tpu.memref_squeeze %dma_wait3A_134 : memref<1x1x200x64xf32, #tpu.memory_space<vmem>> -> memref<200x64xf32, #tpu.memory_space<vmem>>
    %dma_wait3A_136 = arith.constant 0 : i32
    %dma_wait3A_137 = arith.constant 0 : i32
    %dma_wait3A_138 = tpu.memref_slice %arg4[%dma_wait3A_121, %dma_wait3A_136, %dma_wait3A_137] : memref<16384x200x128xf32, #tpu.memory_space<hbm>> -> memref<1x200x64xf32, #tpu.memory_space<hbm>>
    %dma_wait3A_139 = tpu.memref_squeeze %dma_wait3A_138 : memref<1x200x64xf32, #tpu.memory_space<hbm>> -> memref<200x64xf32, #tpu.memory_space<hbm>>
    tpu.wait_dma2 semaphore(%arg9 : memref<!tpu.dma_semaphore, #tpu.memory_space<semaphore_mem>>) src(%dma_wait3A_139 : memref<200x64xf32, #tpu.memory_space<hbm>>) dst(%dma_wait3A_135 : memref<200x64xf32, #tpu.memory_space<vmem>>)
    %dma_wait3A_140 = arith.constant 0 : i32
    %dma_wait3A_141 = arith.constant 0 : i32
    %dma_wait3A_142 = arith.constant 2 : i32
    %dma_wait3A_143 = arith.constant 0 : i32
    %dma_wait3A_144 = arith.constant 0 : i32
    %dma_wait3A_145 = tpu.memref_slice %arg6[%dma_wait3A_141, %dma_wait3A_142, %dma_wait3A_143, %dma_wait3A_144] : memref<2x4x200x64xf32, #tpu.memory_space<vmem>> -> memref<1x1x200x64xf32, #tpu.memory_space<vmem>>
    %dma_wait3A_146 = tpu.memref_squeeze %dma_wait3A_145 : memref<1x1x200x64xf32, #tpu.memory_space<vmem>> -> memref<200x64xf32, #tpu.memory_space<vmem>>
    %dma_wait3A_147 = arith.constant 0 : i32
    %dma_wait3A_148 = arith.constant 0 : i32
    %dma_wait3A_149 = tpu.memref_slice %arg4[%dma_wait3A_140, %dma_wait3A_147, %dma_wait3A_148] : memref<16384x200x128xf32, #tpu.memory_space<hbm>> -> memref<1x200x64xf32, #tpu.memory_space<hbm>>
    %dma_wait3A_150 = tpu.memref_squeeze %dma_wait3A_149 : memref<1x200x64xf32, #tpu.memory_space<hbm>> -> memref<200x64xf32, #tpu.memory_space<hbm>>
    %dma_wait3A_151 = arith.constant 0 : i32
    %dma_wait3A_152 = arith.constant 0 : i32
    %dma_wait3A_153 = tpu.memref_slice %arg6[%dma_wait3A_141, %dma_wait3A_142, %dma_wait3A_151, %dma_wait3A_152] : memref<2x4x200x64xf32, #tpu.memory_space<vmem>> -> memref<1x1x200x64xf32, #tpu.memory_space<vmem>>
    %dma_wait3A_154 = tpu.memref_squeeze %dma_wait3A_153 : memref<1x1x200x64xf32, #tpu.memory_space<vmem>> -> memref<200x64xf32, #tpu.memory_space<vmem>>
    %dma_wait3A_155 = arith.constant 0 : i32
    %dma_wait3A_156 = arith.constant 0 : i32
    %dma_wait3A_157 = tpu.memref_slice %arg4[%dma_wait3A_140, %dma_wait3A_155, %dma_wait3A_156] : memref<16384x200x128xf32, #tpu.memory_space<hbm>> -> memref<1x200x64xf32, #tpu.memory_space<hbm>>
    %dma_wait3A_158 = tpu.memref_squeeze %dma_wait3A_157 : memref<1x200x64xf32, #tpu.memory_space<hbm>> -> memref<200x64xf32, #tpu.memory_space<hbm>>
    tpu.wait_dma2 semaphore(%arg9 : memref<!tpu.dma_semaphore, #tpu.memory_space<semaphore_mem>>) src(%dma_wait3A_158 : memref<200x64xf32, #tpu.memory_space<hbm>>) dst(%dma_wait3A_154 : memref<200x64xf32, #tpu.memory_space<vmem>>)
    %dma_wait3A_159 = arith.constant 0 : i32
    %dma_wait3A_160 = arith.constant 0 : i32
    %dma_wait3A_161 = arith.constant 3 : i32
    %dma_wait3A_162 = arith.constant 0 : i32
    %dma_wait3A_163 = arith.constant 0 : i32
    %dma_wait3A_164 = tpu.memref_slice %arg6[%dma_wait3A_160, %dma_wait3A_161, %dma_wait3A_162, %dma_wait3A_163] : memref<2x4x200x64xf32, #tpu.memory_space<vmem>> -> memref<1x1x200x64xf32, #tpu.memory_space<vmem>>
    %dma_wait3A_165 = tpu.memref_squeeze %dma_wait3A_164 : memref<1x1x200x64xf32, #tpu.memory_space<vmem>> -> memref<200x64xf32, #tpu.memory_space<vmem>>
    %dma_wait3A_166 = arith.constant 0 : i32
    %dma_wait3A_167 = arith.constant 0 : i32
    %dma_wait3A_168 = tpu.memref_slice %arg4[%dma_wait3A_159, %dma_wait3A_166, %dma_wait3A_167] : memref<16384x200x128xf32, #tpu.memory_space<hbm>> -> memref<1x200x64xf32, #tpu.memory_space<hbm>>
    %dma_wait3A_169 = tpu.memref_squeeze %dma_wait3A_168 : memref<1x200x64xf32, #tpu.memory_space<hbm>> -> memref<200x64xf32, #tpu.memory_space<hbm>>
    %dma_wait3A_170 = arith.constant 0 : i32
    %dma_wait3A_171 = arith.constant 0 : i32
    %dma_wait3A_172 = tpu.memref_slice %arg6[%dma_wait3A_160, %dma_wait3A_161, %dma_wait3A_170, %dma_wait3A_171] : memref<2x4x200x64xf32, #tpu.memory_space<vmem>> -> memref<1x1x200x64xf32, #tpu.memory_space<vmem>>
    %dma_wait3A_173 = tpu.memref_squeeze %dma_wait3A_172 : memref<1x1x200x64xf32, #tpu.memory_space<vmem>> -> memref<200x64xf32, #tpu.memory_space<vmem>>
    %dma_wait3A_174 = arith.constant 0 : i32
    %dma_wait3A_175 = arith.constant 0 : i32
    %dma_wait3A_176 = tpu.memref_slice %arg4[%dma_wait3A_159, %dma_wait3A_174, %dma_wait3A_175] : memref<16384x200x128xf32, #tpu.memory_space<hbm>> -> memref<1x200x64xf32, #tpu.memory_space<hbm>>
    %dma_wait3A_177 = tpu.memref_squeeze %dma_wait3A_176 : memref<1x200x64xf32, #tpu.memory_space<hbm>> -> memref<200x64xf32, #tpu.memory_space<hbm>>
    tpu.wait_dma2 semaphore(%arg9 : memref<!tpu.dma_semaphore, #tpu.memory_space<semaphore_mem>>) src(%dma_wait3A_177 : memref<200x64xf32, #tpu.memory_space<hbm>>) dst(%dma_wait3A_173 : memref<200x64xf32, #tpu.memory_space<vmem>>)
    %add3A_178 = arith.constant 0 : i32
    %add3A_179 = arith.addi %mul3A_2, %add3A_178 : i32
    %add3A_180 = arith.constant 0 : i32
    %add3A_181 = arith.addi %add3A_179, %add3A_180 : i32
    %dma_start3A_182 = arith.constant 0 : i32
    %dma_start3A_183 = arith.constant 0 : i32
    %dma_start3A_184 = arith.constant 0 : i32
    %dma_start3A_185 = arith.constant 0 : i32
    %dma_start3A_186 = tpu.memref_slice %arg6[%dma_start3A_182, %dma_start3A_183, %dma_start3A_184, %dma_start3A_185] : memref<2x4x200x64xf32, #tpu.memory_space<vmem>> -> memref<1x1x200x64xf32, #tpu.memory_space<vmem>>
    %dma_start3A_187 = tpu.memref_squeeze %dma_start3A_186 : memref<1x1x200x64xf32, #tpu.memory_space<vmem>> -> memref<200x64xf32, #tpu.memory_space<vmem>>
    %dma_start3A_188 = arith.constant 0 : i32
    %dma_start3A_189 = arith.constant 0 : i32
    %dma_start3A_190 = tpu.memref_slice %arg4[%add3A_181, %dma_start3A_188, %dma_start3A_189] : memref<16384x200x128xf32, #tpu.memory_space<hbm>> -> memref<1x200x64xf32, #tpu.memory_space<hbm>>
    %dma_start3A_191 = tpu.memref_squeeze %dma_start3A_190 : memref<1x200x64xf32, #tpu.memory_space<hbm>> -> memref<200x64xf32, #tpu.memory_space<hbm>>
    %dma_start3A_192 = arith.constant 0 : i32
    %dma_start3A_193 = arith.constant 0 : i32
    %dma_start3A_194 = tpu.memref_slice %arg4[%add3A_181, %dma_start3A_192, %dma_start3A_193] : memref<16384x200x128xf32, #tpu.memory_space<hbm>> -> memref<1x200x64xf32, #tpu.memory_space<hbm>>
    %dma_start3A_195 = tpu.memref_squeeze %dma_start3A_194 : memref<1x200x64xf32, #tpu.memory_space<hbm>> -> memref<200x64xf32, #tpu.memory_space<hbm>>
    %dma_start3A_196 = arith.constant 0 : i32
    %dma_start3A_197 = arith.constant 0 : i32
    %dma_start3A_198 = tpu.memref_slice %arg6[%dma_start3A_182, %dma_start3A_183, %dma_start3A_196, %dma_start3A_197] : memref<2x4x200x64xf32, #tpu.memory_space<vmem>> -> memref<1x1x200x64xf32, #tpu.memory_space<vmem>>
    %dma_start3A_199 = tpu.memref_squeeze %dma_start3A_198 : memref<1x1x200x64xf32, #tpu.memory_space<vmem>> -> memref<200x64xf32, #tpu.memory_space<vmem>>
    tpu.enqueue_dma source(%dma_start3A_199 : memref<200x64xf32, #tpu.memory_space<vmem>>) target(%dma_start3A_195 : memref<200x64xf32, #tpu.memory_space<hbm>>) target_semaphore(%arg11 : memref<!tpu.dma_semaphore, #tpu.memory_space<semaphore_mem>>)
    %add3A_200 = arith.constant 0 : i32
    %add3A_201 = arith.addi %mul3A_2, %add3A_200 : i32
    %add3A_202 = arith.constant 1 : i32
    %add3A_203 = arith.addi %add3A_201, %add3A_202 : i32
    %dma_start3A_204 = arith.constant 0 : i32
    %dma_start3A_205 = arith.constant 1 : i32
    %dma_start3A_206 = arith.constant 0 : i32
    %dma_start3A_207 = arith.constant 0 : i32
    %dma_start3A_208 = tpu.memref_slice %arg6[%dma_start3A_204, %dma_start3A_205, %dma_start3A_206, %dma_start3A_207] : memref<2x4x200x64xf32, #tpu.memory_space<vmem>> -> memref<1x1x200x64xf32, #tpu.memory_space<vmem>>
    %dma_start3A_209 = tpu.memref_squeeze %dma_start3A_208 : memref<1x1x200x64xf32, #tpu.memory_space<vmem>> -> memref<200x64xf32, #tpu.memory_space<vmem>>
    %dma_start3A_210 = arith.constant 0 : i32
    %dma_start3A_211 = arith.constant 0 : i32
    %dma_start3A_212 = tpu.memref_slice %arg4[%add3A_203, %dma_start3A_210, %dma_start3A_211] : memref<16384x200x128xf32, #tpu.memory_space<hbm>> -> memref<1x200x64xf32, #tpu.memory_space<hbm>>
    %dma_start3A_213 = tpu.memref_squeeze %dma_start3A_212 : memref<1x200x64xf32, #tpu.memory_space<hbm>> -> memref<200x64xf32, #tpu.memory_space<hbm>>
    %dma_start3A_214 = arith.constant 0 : i32
    %dma_start3A_215 = arith.constant 0 : i32
    %dma_start3A_216 = tpu.memref_slice %arg4[%add3A_203, %dma_start3A_214, %dma_start3A_215] : memref<16384x200x128xf32, #tpu.memory_space<hbm>> -> memref<1x200x64xf32, #tpu.memory_space<hbm>>
    %dma_start3A_217 = tpu.memref_squeeze %dma_start3A_216 : memref<1x200x64xf32, #tpu.memory_space<hbm>> -> memref<200x64xf32, #tpu.memory_space<hbm>>
    %dma_start3A_218 = arith.constant 0 : i32
    %dma_start3A_219 = arith.constant 0 : i32
    %dma_start3A_220 = tpu.memref_slice %arg6[%dma_start3A_204, %dma_start3A_205, %dma_start3A_218, %dma_start3A_219] : memref<2x4x200x64xf32, #tpu.memory_space<vmem>> -> memref<1x1x200x64xf32, #tpu.memory_space<vmem>>
    %dma_start3A_221 = tpu.memref_squeeze %dma_start3A_220 : memref<1x1x200x64xf32, #tpu.memory_space<vmem>> -> memref<200x64xf32, #tpu.memory_space<vmem>>
    tpu.enqueue_dma source(%dma_start3A_221 : memref<200x64xf32, #tpu.memory_space<vmem>>) target(%dma_start3A_217 : memref<200x64xf32, #tpu.memory_space<hbm>>) target_semaphore(%arg11 : memref<!tpu.dma_semaphore, #tpu.memory_space<semaphore_mem>>)
    %add3A_222 = arith.constant 0 : i32
    %add3A_223 = arith.addi %mul3A_2, %add3A_222 : i32
    %add3A_224 = arith.constant 2 : i32
    %add3A_225 = arith.addi %add3A_223, %add3A_224 : i32
    %dma_start3A_226 = arith.constant 0 : i32
    %dma_start3A_227 = arith.constant 2 : i32
    %dma_start3A_228 = arith.constant 0 : i32
    %dma_start3A_229 = arith.constant 0 : i32
    %dma_start3A_230 = tpu.memref_slice %arg6[%dma_start3A_226, %dma_start3A_227, %dma_start3A_228, %dma_start3A_229] : memref<2x4x200x64xf32, #tpu.memory_space<vmem>> -> memref<1x1x200x64xf32, #tpu.memory_space<vmem>>
    %dma_start3A_231 = tpu.memref_squeeze %dma_start3A_230 : memref<1x1x200x64xf32, #tpu.memory_space<vmem>> -> memref<200x64xf32, #tpu.memory_space<vmem>>
    %dma_start3A_232 = arith.constant 0 : i32
    %dma_start3A_233 = arith.constant 0 : i32
    %dma_start3A_234 = tpu.memref_slice %arg4[%add3A_225, %dma_start3A_232, %dma_start3A_233] : memref<16384x200x128xf32, #tpu.memory_space<hbm>> -> memref<1x200x64xf32, #tpu.memory_space<hbm>>
    %dma_start3A_235 = tpu.memref_squeeze %dma_start3A_234 : memref<1x200x64xf32, #tpu.memory_space<hbm>> -> memref<200x64xf32, #tpu.memory_space<hbm>>
    %dma_start3A_236 = arith.constant 0 : i32
    %dma_start3A_237 = arith.constant 0 : i32
    %dma_start3A_238 = tpu.memref_slice %arg4[%add3A_225, %dma_start3A_236, %dma_start3A_237] : memref<16384x200x128xf32, #tpu.memory_space<hbm>> -> memref<1x200x64xf32, #tpu.memory_space<hbm>>
    %dma_start3A_239 = tpu.memref_squeeze %dma_start3A_238 : memref<1x200x64xf32, #tpu.memory_space<hbm>> -> memref<200x64xf32, #tpu.memory_space<hbm>>
    %dma_start3A_240 = arith.constant 0 : i32
    %dma_start3A_241 = arith.constant 0 : i32
    %dma_start3A_242 = tpu.memref_slice %arg6[%dma_start3A_226, %dma_start3A_227, %dma_start3A_240, %dma_start3A_241] : memref<2x4x200x64xf32, #tpu.memory_space<vmem>> -> memref<1x1x200x64xf32, #tpu.memory_space<vmem>>
    %dma_start3A_243 = tpu.memref_squeeze %dma_start3A_242 : memref<1x1x200x64xf32, #tpu.memory_space<vmem>> -> memref<200x64xf32, #tpu.memory_space<vmem>>
    tpu.enqueue_dma source(%dma_start3A_243 : memref<200x64xf32, #tpu.memory_space<vmem>>) target(%dma_start3A_239 : memref<200x64xf32, #tpu.memory_space<hbm>>) target_semaphore(%arg11 : memref<!tpu.dma_semaphore, #tpu.memory_space<semaphore_mem>>)
    %add3A_244 = arith.constant 0 : i32
    %add3A_245 = arith.addi %mul3A_2, %add3A_244 : i32
    %add3A_246 = arith.constant 3 : i32
    %add3A_247 = arith.addi %add3A_245, %add3A_246 : i32
    %dma_start3A_248 = arith.constant 0 : i32
    %dma_start3A_249 = arith.constant 3 : i32
    %dma_start3A_250 = arith.constant 0 : i32
    %dma_start3A_251 = arith.constant 0 : i32
    %dma_start3A_252 = tpu.memref_slice %arg6[%dma_start3A_248, %dma_start3A_249, %dma_start3A_250, %dma_start3A_251] : memref<2x4x200x64xf32, #tpu.memory_space<vmem>> -> memref<1x1x200x64xf32, #tpu.memory_space<vmem>>
    %dma_start3A_253 = tpu.memref_squeeze %dma_start3A_252 : memref<1x1x200x64xf32, #tpu.memory_space<vmem>> -> memref<200x64xf32, #tpu.memory_space<vmem>>
    %dma_start3A_254 = arith.constant 0 : i32
    %dma_start3A_255 = arith.constant 0 : i32
    %dma_start3A_256 = tpu.memref_slice %arg4[%add3A_247, %dma_start3A_254, %dma_start3A_255] : memref<16384x200x128xf32, #tpu.memory_space<hbm>> -> memref<1x200x64xf32, #tpu.memory_space<hbm>>
    %dma_start3A_257 = tpu.memref_squeeze %dma_start3A_256 : memref<1x200x64xf32, #tpu.memory_space<hbm>> -> memref<200x64xf32, #tpu.memory_space<hbm>>
    %dma_start3A_258 = arith.constant 0 : i32
    %dma_start3A_259 = arith.constant 0 : i32
    %dma_start3A_260 = tpu.memref_slice %arg4[%add3A_247, %dma_start3A_258, %dma_start3A_259] : memref<16384x200x128xf32, #tpu.memory_space<hbm>> -> memref<1x200x64xf32, #tpu.memory_space<hbm>>
    %dma_start3A_261 = tpu.memref_squeeze %dma_start3A_260 : memref<1x200x64xf32, #tpu.memory_space<hbm>> -> memref<200x64xf32, #tpu.memory_space<hbm>>
    %dma_start3A_262 = arith.constant 0 : i32
    %dma_start3A_263 = arith.constant 0 : i32
    %dma_start3A_264 = tpu.memref_slice %arg6[%dma_start3A_248, %dma_start3A_249, %dma_start3A_262, %dma_start3A_263] : memref<2x4x200x64xf32, #tpu.memory_space<vmem>> -> memref<1x1x200x64xf32, #tpu.memory_space<vmem>>
    %dma_start3A_265 = tpu.memref_squeeze %dma_start3A_264 : memref<1x1x200x64xf32, #tpu.memory_space<vmem>> -> memref<200x64xf32, #tpu.memory_space<vmem>>
    tpu.enqueue_dma source(%dma_start3A_265 : memref<200x64xf32, #tpu.memory_space<vmem>>) target(%dma_start3A_261 : memref<200x64xf32, #tpu.memory_space<hbm>>) target_semaphore(%arg11 : memref<!tpu.dma_semaphore, #tpu.memory_space<semaphore_mem>>)
    %dma_wait3A_266 = arith.constant 1 : i32
    %dma_wait3A_267 = arith.constant 0 : i32
    %dma_wait3A_268 = arith.constant 0 : i32
    %dma_wait3A_269 = tpu.memref_slice %arg5[%dma_wait3A_266, %dma_wait3A_267, %dma_wait3A_268] : memref<2x4x200xi32, #tpu.memory_space<vmem>> -> memref<1x4x200xi32, #tpu.memory_space<vmem>>
    %dma_wait3A_270 = tpu.memref_squeeze %dma_wait3A_269 : memref<1x4x200xi32, #tpu.memory_space<vmem>> -> memref<4x200xi32, #tpu.memory_space<vmem>>
    %dma_wait3A_271 = arith.constant 0 : i32
    %dma_wait3A_272 = arith.constant 0 : i32
    %dma_wait3A_273 = tpu.memref_slice %arg2[%dma_wait3A_271, %dma_wait3A_272] : memref<16384x200xi32, #tpu.memory_space<hbm>> -> memref<4x200xi32, #tpu.memory_space<hbm>>
    %dma_wait3A_274 = arith.constant 0 : i32
    %dma_wait3A_275 = arith.constant 0 : i32
    %dma_wait3A_276 = tpu.memref_slice %arg5[%dma_wait3A_266, %dma_wait3A_274, %dma_wait3A_275] : memref<2x4x200xi32, #tpu.memory_space<vmem>> -> memref<1x4x200xi32, #tpu.memory_space<vmem>>
    %dma_wait3A_277 = tpu.memref_squeeze %dma_wait3A_276 : memref<1x4x200xi32, #tpu.memory_space<vmem>> -> memref<4x200xi32, #tpu.memory_space<vmem>>
    %dma_wait3A_278 = arith.constant 0 : i32
    %dma_wait3A_279 = arith.constant 0 : i32
    %dma_wait3A_280 = tpu.memref_slice %arg2[%dma_wait3A_278, %dma_wait3A_279] : memref<16384x200xi32, #tpu.memory_space<hbm>> -> memref<4x200xi32, #tpu.memory_space<hbm>>
    tpu.wait_dma2 semaphore(%arg8 : memref<!tpu.dma_semaphore, #tpu.memory_space<semaphore_mem>>) src(%dma_wait3A_280 : memref<4x200xi32, #tpu.memory_space<hbm>>) dst(%dma_wait3A_277 : memref<4x200xi32, #tpu.memory_space<vmem>>)
    %dma_start3A_281 = arith.constant 1 : i32
    %dma_start3A_282 = arith.constant 0 : i32
    %dma_start3A_283 = arith.constant 1 : i32
    %dma_start3A_284 = arith.constant 0 : i32
    %dma_start3A_285 = arith.constant 0 : i32
    %dma_start3A_286 = arith.constant 0 : i32
    %dma_start3A_287 = tpu.memref_slice %arg6[%dma_start3A_283, %dma_start3A_284, %dma_start3A_285, %dma_start3A_286] : memref<2x4x200x64xf32, #tpu.memory_space<vmem>> -> memref<1x1x200x64xf32, #tpu.memory_space<vmem>>
    %dma_start3A_288 = tpu.memref_squeeze %dma_start3A_287 : memref<1x1x200x64xf32, #tpu.memory_space<vmem>> -> memref<200x64xf32, #tpu.memory_space<vmem>>
    %dma_start3A_289 = arith.constant 0 : i32
    %dma_start3A_290 = tpu.memref_slice %arg5[%dma_start3A_281, %dma_start3A_282, %dma_start3A_289] : memref<2x4x200xi32, #tpu.memory_space<vmem>> -> memref<1x1x200xi32, #tpu.memory_space<vmem>>
    %dma_start3A_291 = tpu.memref_squeeze %dma_start3A_290 : memref<1x1x200xi32, #tpu.memory_space<vmem>> -> memref<200xi32, #tpu.memory_space<vmem>>
    %dma_start3A_292 = arith.constant 0 : i32
    %dma_start3A_293 = arith.constant 0 : i32
    %dma_start3A_294 = tpu.memref_slice %arg3[%dma_start3A_292, %dma_start3A_293] : memref<1000000x64xf32, #tpu.memory_space<hbm>> -> memref<1000000x64xf32, #tpu.memory_space<hbm>>
    tpu.enqueue_indirect_dma source(%dma_start3A_294 : memref<1000000x64xf32, #tpu.memory_space<hbm>>) target(%dma_start3A_288 : memref<200x64xf32, #tpu.memory_space<vmem>>) offsets(%dma_start3A_291 : memref<200xi32, #tpu.memory_space<vmem>>) semaphore(%arg10 : memref<!tpu.dma_semaphore, #tpu.memory_space<semaphore_mem>>)
    %dma_start3A_295 = arith.constant 1 : i32
    %dma_start3A_296 = arith.constant 1 : i32
    %dma_start3A_297 = arith.constant 1 : i32
    %dma_start3A_298 = arith.constant 1 : i32
    %dma_start3A_299 = arith.constant 0 : i32
    %dma_start3A_300 = arith.constant 0 : i32
    %dma_start3A_301 = tpu.memref_slice %arg6[%dma_start3A_297, %dma_start3A_298, %dma_start3A_299, %dma_start3A_300] : memref<2x4x200x64xf32, #tpu.memory_space<vmem>> -> memref<1x1x200x64xf32, #tpu.memory_space<vmem>>
    %dma_start3A_302 = tpu.memref_squeeze %dma_start3A_301 : memref<1x1x200x64xf32, #tpu.memory_space<vmem>> -> memref<200x64xf32, #tpu.memory_space<vmem>>
    %dma_start3A_303 = arith.constant 0 : i32
    %dma_start3A_304 = tpu.memref_slice %arg5[%dma_start3A_295, %dma_start3A_296, %dma_start3A_303] : memref<2x4x200xi32, #tpu.memory_space<vmem>> -> memref<1x1x200xi32, #tpu.memory_space<vmem>>
    %dma_start3A_305 = tpu.memref_squeeze %dma_start3A_304 : memref<1x1x200xi32, #tpu.memory_space<vmem>> -> memref<200xi32, #tpu.memory_space<vmem>>
    %dma_start3A_306 = arith.constant 0 : i32
    %dma_start3A_307 = arith.constant 0 : i32
    %dma_start3A_308 = tpu.memref_slice %arg3[%dma_start3A_306, %dma_start3A_307] : memref<1000000x64xf32, #tpu.memory_space<hbm>> -> memref<1000000x64xf32, #tpu.memory_space<hbm>>
    tpu.enqueue_indirect_dma source(%dma_start3A_308 : memref<1000000x64xf32, #tpu.memory_space<hbm>>) target(%dma_start3A_302 : memref<200x64xf32, #tpu.memory_space<vmem>>) offsets(%dma_start3A_305 : memref<200xi32, #tpu.memory_space<vmem>>) semaphore(%arg10 : memref<!tpu.dma_semaphore, #tpu.memory_space<semaphore_mem>>)
    %dma_start3A_309 = arith.constant 1 : i32
    %dma_start3A_310 = arith.constant 2 : i32
    %dma_start3A_311 = arith.constant 1 : i32
    %dma_start3A_312 = arith.constant 2 : i32
    %dma_start3A_313 = arith.constant 0 : i32
    %dma_start3A_314 = arith.constant 0 : i32
    %dma_start3A_315 = tpu.memref_slice %arg6[%dma_start3A_311, %dma_start3A_312, %dma_start3A_313, %dma_start3A_314] : memref<2x4x200x64xf32, #tpu.memory_space<vmem>> -> memref<1x1x200x64xf32, #tpu.memory_space<vmem>>
    %dma_start3A_316 = tpu.memref_squeeze %dma_start3A_315 : memref<1x1x200x64xf32, #tpu.memory_space<vmem>> -> memref<200x64xf32, #tpu.memory_space<vmem>>
    %dma_start3A_317 = arith.constant 0 : i32
    %dma_start3A_318 = tpu.memref_slice %arg5[%dma_start3A_309, %dma_start3A_310, %dma_start3A_317] : memref<2x4x200xi32, #tpu.memory_space<vmem>> -> memref<1x1x200xi32, #tpu.memory_space<vmem>>
    %dma_start3A_319 = tpu.memref_squeeze %dma_start3A_318 : memref<1x1x200xi32, #tpu.memory_space<vmem>> -> memref<200xi32, #tpu.memory_space<vmem>>
    %dma_start3A_320 = arith.constant 0 : i32
    %dma_start3A_321 = arith.constant 0 : i32
    %dma_start3A_322 = tpu.memref_slice %arg3[%dma_start3A_320, %dma_start3A_321] : memref<1000000x64xf32, #tpu.memory_space<hbm>> -> memref<1000000x64xf32, #tpu.memory_space<hbm>>
    tpu.enqueue_indirect_dma source(%dma_start3A_322 : memref<1000000x64xf32, #tpu.memory_space<hbm>>) target(%dma_start3A_316 : memref<200x64xf32, #tpu.memory_space<vmem>>) offsets(%dma_start3A_319 : memref<200xi32, #tpu.memory_space<vmem>>) semaphore(%arg10 : memref<!tpu.dma_semaphore, #tpu.memory_space<semaphore_mem>>)
    %dma_start3A_323 = arith.constant 1 : i32
    %dma_start3A_324 = arith.constant 3 : i32
    %dma_start3A_325 = arith.constant 1 : i32
    %dma_start3A_326 = arith.constant 3 : i32
    %dma_start3A_327 = arith.constant 0 : i32
    %dma_start3A_328 = arith.constant 0 : i32
    %dma_start3A_329 = tpu.memref_slice %arg6[%dma_start3A_325, %dma_start3A_326, %dma_start3A_327, %dma_start3A_328] : memref<2x4x200x64xf32, #tpu.memory_space<vmem>> -> memref<1x1x200x64xf32, #tpu.memory_space<vmem>>
    %dma_start3A_330 = tpu.memref_squeeze %dma_start3A_329 : memref<1x1x200x64xf32, #tpu.memory_space<vmem>> -> memref<200x64xf32, #tpu.memory_space<vmem>>
    %dma_start3A_331 = arith.constant 0 : i32
    %dma_start3A_332 = tpu.memref_slice %arg5[%dma_start3A_323, %dma_start3A_324, %dma_start3A_331] : memref<2x4x200xi32, #tpu.memory_space<vmem>> -> memref<1x1x200xi32, #tpu.memory_space<vmem>>
    %dma_start3A_333 = tpu.memref_squeeze %dma_start3A_332 : memref<1x1x200xi32, #tpu.memory_space<vmem>> -> memref<200xi32, #tpu.memory_space<vmem>>
    %dma_start3A_334 = arith.constant 0 : i32
    %dma_start3A_335 = arith.constant 0 : i32
    %dma_start3A_336 = tpu.memref_slice %arg3[%dma_start3A_334, %dma_start3A_335] : memref<1000000x64xf32, #tpu.memory_space<hbm>> -> memref<1000000x64xf32, #tpu.memory_space<hbm>>
    tpu.enqueue_indirect_dma source(%dma_start3A_336 : memref<1000000x64xf32, #tpu.memory_space<hbm>>) target(%dma_start3A_330 : memref<200x64xf32, #tpu.memory_space<vmem>>) offsets(%dma_start3A_333 : memref<200xi32, #tpu.memory_space<vmem>>) semaphore(%arg10 : memref<!tpu.dma_semaphore, #tpu.memory_space<semaphore_mem>>)
    %add3A_337 = arith.constant 8 : i32
    %add3A_338 = arith.addi %mul3A_2, %add3A_337 : i32
    %dma_start3A_339 = arith.constant 0 : i32
    %dma_start3A_340 = arith.constant 0 : i32
    %dma_start3A_341 = arith.constant 0 : i32
    %dma_start3A_342 = tpu.memref_slice %arg5[%dma_start3A_339, %dma_start3A_340, %dma_start3A_341] : memref<2x4x200xi32, #tpu.memory_space<vmem>> -> memref<1x4x200xi32, #tpu.memory_space<vmem>>
    %dma_start3A_343 = tpu.memref_squeeze %dma_start3A_342 : memref<1x4x200xi32, #tpu.memory_space<vmem>> -> memref<4x200xi32, #tpu.memory_space<vmem>>
    %dma_start3A_344 = arith.constant 0 : i32
    %dma_start3A_345 = tpu.memref_slice %arg2[%add3A_338, %dma_start3A_344] : memref<16384x200xi32, #tpu.memory_space<hbm>> -> memref<4x200xi32, #tpu.memory_space<hbm>>
    %dma_start3A_346 = arith.constant 0 : i32
    %dma_start3A_347 = arith.constant 0 : i32
    %dma_start3A_348 = tpu.memref_slice %arg5[%dma_start3A_339, %dma_start3A_346, %dma_start3A_347] : memref<2x4x200xi32, #tpu.memory_space<vmem>> -> memref<1x4x200xi32, #tpu.memory_space<vmem>>
    %dma_start3A_349 = tpu.memref_squeeze %dma_start3A_348 : memref<1x4x200xi32, #tpu.memory_space<vmem>> -> memref<4x200xi32, #tpu.memory_space<vmem>>
    %dma_start3A_350 = arith.constant 0 : i32
    %dma_start3A_351 = tpu.memref_slice %arg2[%add3A_338, %dma_start3A_350] : memref<16384x200xi32, #tpu.memory_space<hbm>> -> memref<4x200xi32, #tpu.memory_space<hbm>>
    tpu.enqueue_dma source(%dma_start3A_351 : memref<4x200xi32, #tpu.memory_space<hbm>>) target(%dma_start3A_349 : memref<4x200xi32, #tpu.memory_space<vmem>>) target_semaphore(%arg7 : memref<!tpu.dma_semaphore, #tpu.memory_space<semaphore_mem>>)
    %dma_wait3A_352 = arith.constant 0 : i32
    %dma_wait3A_353 = arith.constant 1 : i32
    %dma_wait3A_354 = arith.constant 0 : i32
    %dma_wait3A_355 = arith.constant 0 : i32
    %dma_wait3A_356 = arith.constant 0 : i32
    %dma_wait3A_357 = tpu.memref_slice %arg6[%dma_wait3A_353, %dma_wait3A_354, %dma_wait3A_355, %dma_wait3A_356] : memref<2x4x200x64xf32, #tpu.memory_space<vmem>> -> memref<1x1x200x64xf32, #tpu.memory_space<vmem>>
    %dma_wait3A_358 = tpu.memref_squeeze %dma_wait3A_357 : memref<1x1x200x64xf32, #tpu.memory_space<vmem>> -> memref<200x64xf32, #tpu.memory_space<vmem>>
    %dma_wait3A_359 = arith.constant 0 : i32
    %dma_wait3A_360 = arith.constant 0 : i32
    %dma_wait3A_361 = tpu.memref_slice %arg4[%dma_wait3A_352, %dma_wait3A_359, %dma_wait3A_360] : memref<16384x200x128xf32, #tpu.memory_space<hbm>> -> memref<1x200x64xf32, #tpu.memory_space<hbm>>
    %dma_wait3A_362 = tpu.memref_squeeze %dma_wait3A_361 : memref<1x200x64xf32, #tpu.memory_space<hbm>> -> memref<200x64xf32, #tpu.memory_space<hbm>>
    %dma_wait3A_363 = arith.constant 0 : i32
    %dma_wait3A_364 = arith.constant 0 : i32
    %dma_wait3A_365 = tpu.memref_slice %arg6[%dma_wait3A_353, %dma_wait3A_354, %dma_wait3A_363, %dma_wait3A_364] : memref<2x4x200x64xf32, #tpu.memory_space<vmem>> -> memref<1x1x200x64xf32, #tpu.memory_space<vmem>>
    %dma_wait3A_366 = tpu.memref_squeeze %dma_wait3A_365 : memref<1x1x200x64xf32, #tpu.memory_space<vmem>> -> memref<200x64xf32, #tpu.memory_space<vmem>>
    %dma_wait3A_367 = arith.constant 0 : i32
    %dma_wait3A_368 = arith.constant 0 : i32
    %dma_wait3A_369 = tpu.memref_slice %arg4[%dma_wait3A_352, %dma_wait3A_367, %dma_wait3A_368] : memref<16384x200x128xf32, #tpu.memory_space<hbm>> -> memref<1x200x64xf32, #tpu.memory_space<hbm>>
    %dma_wait3A_370 = tpu.memref_squeeze %dma_wait3A_369 : memref<1x200x64xf32, #tpu.memory_space<hbm>> -> memref<200x64xf32, #tpu.memory_space<hbm>>
    tpu.wait_dma2 semaphore(%arg10 : memref<!tpu.dma_semaphore, #tpu.memory_space<semaphore_mem>>) src(%dma_wait3A_370 : memref<200x64xf32, #tpu.memory_space<hbm>>) dst(%dma_wait3A_366 : memref<200x64xf32, #tpu.memory_space<vmem>>)
    %dma_wait3A_371 = arith.constant 0 : i32
    %dma_wait3A_372 = arith.constant 1 : i32
    %dma_wait3A_373 = arith.constant 1 : i32
    %dma_wait3A_374 = arith.constant 0 : i32
    %dma_wait3A_375 = arith.constant 0 : i32
    %dma_wait3A_376 = tpu.memref_slice %arg6[%dma_wait3A_372, %dma_wait3A_373, %dma_wait3A_374, %dma_wait3A_375] : memref<2x4x200x64xf32, #tpu.memory_space<vmem>> -> memref<1x1x200x64xf32, #tpu.memory_space<vmem>>
    %dma_wait3A_377 = tpu.memref_squeeze %dma_wait3A_376 : memref<1x1x200x64xf32, #tpu.memory_space<vmem>> -> memref<200x64xf32, #tpu.memory_space<vmem>>
    %dma_wait3A_378 = arith.constant 0 : i32
    %dma_wait3A_379 = arith.constant 0 : i32
    %dma_wait3A_380 = tpu.memref_slice %arg4[%dma_wait3A_371, %dma_wait3A_378, %dma_wait3A_379] : memref<16384x200x128xf32, #tpu.memory_space<hbm>> -> memref<1x200x64xf32, #tpu.memory_space<hbm>>
    %dma_wait3A_381 = tpu.memref_squeeze %dma_wait3A_380 : memref<1x200x64xf32, #tpu.memory_space<hbm>> -> memref<200x64xf32, #tpu.memory_space<hbm>>
    %dma_wait3A_382 = arith.constant 0 : i32
    %dma_wait3A_383 = arith.constant 0 : i32
    %dma_wait3A_384 = tpu.memref_slice %arg6[%dma_wait3A_372, %dma_wait3A_373, %dma_wait3A_382, %dma_wait3A_383] : memref<2x4x200x64xf32, #tpu.memory_space<vmem>> -> memref<1x1x200x64xf32, #tpu.memory_space<vmem>>
    %dma_wait3A_385 = tpu.memref_squeeze %dma_wait3A_384 : memref<1x1x200x64xf32, #tpu.memory_space<vmem>> -> memref<200x64xf32, #tpu.memory_space<vmem>>
    %dma_wait3A_386 = arith.constant 0 : i32
    %dma_wait3A_387 = arith.constant 0 : i32
    %dma_wait3A_388 = tpu.memref_slice %arg4[%dma_wait3A_371, %dma_wait3A_386, %dma_wait3A_387] : memref<16384x200x128xf32, #tpu.memory_space<hbm>> -> memref<1x200x64xf32, #tpu.memory_space<hbm>>
    %dma_wait3A_389 = tpu.memref_squeeze %dma_wait3A_388 : memref<1x200x64xf32, #tpu.memory_space<hbm>> -> memref<200x64xf32, #tpu.memory_space<hbm>>
    tpu.wait_dma2 semaphore(%arg10 : memref<!tpu.dma_semaphore, #tpu.memory_space<semaphore_mem>>) src(%dma_wait3A_389 : memref<200x64xf32, #tpu.memory_space<hbm>>) dst(%dma_wait3A_385 : memref<200x64xf32, #tpu.memory_space<vmem>>)
    %dma_wait3A_390 = arith.constant 0 : i32
    %dma_wait3A_391 = arith.constant 1 : i32
    %dma_wait3A_392 = arith.constant 2 : i32
    %dma_wait3A_393 = arith.constant 0 : i32
    %dma_wait3A_394 = arith.constant 0 : i32
    %dma_wait3A_395 = tpu.memref_slice %arg6[%dma_wait3A_391, %dma_wait3A_392, %dma_wait3A_393, %dma_wait3A_394] : memref<2x4x200x64xf32, #tpu.memory_space<vmem>> -> memref<1x1x200x64xf32, #tpu.memory_space<vmem>>
    %dma_wait3A_396 = tpu.memref_squeeze %dma_wait3A_395 : memref<1x1x200x64xf32, #tpu.memory_space<vmem>> -> memref<200x64xf32, #tpu.memory_space<vmem>>
    %dma_wait3A_397 = arith.constant 0 : i32
    %dma_wait3A_398 = arith.constant 0 : i32
    %dma_wait3A_399 = tpu.memref_slice %arg4[%dma_wait3A_390, %dma_wait3A_397, %dma_wait3A_398] : memref<16384x200x128xf32, #tpu.memory_space<hbm>> -> memref<1x200x64xf32, #tpu.memory_space<hbm>>
    %dma_wait3A_400 = tpu.memref_squeeze %dma_wait3A_399 : memref<1x200x64xf32, #tpu.memory_space<hbm>> -> memref<200x64xf32, #tpu.memory_space<hbm>>
    %dma_wait3A_401 = arith.constant 0 : i32
    %dma_wait3A_402 = arith.constant 0 : i32
    %dma_wait3A_403 = tpu.memref_slice %arg6[%dma_wait3A_391, %dma_wait3A_392, %dma_wait3A_401, %dma_wait3A_402] : memref<2x4x200x64xf32, #tpu.memory_space<vmem>> -> memref<1x1x200x64xf32, #tpu.memory_space<vmem>>
    %dma_wait3A_404 = tpu.memref_squeeze %dma_wait3A_403 : memref<1x1x200x64xf32, #tpu.memory_space<vmem>> -> memref<200x64xf32, #tpu.memory_space<vmem>>
    %dma_wait3A_405 = arith.constant 0 : i32
    %dma_wait3A_406 = arith.constant 0 : i32
    %dma_wait3A_407 = tpu.memref_slice %arg4[%dma_wait3A_390, %dma_wait3A_405, %dma_wait3A_406] : memref<16384x200x128xf32, #tpu.memory_space<hbm>> -> memref<1x200x64xf32, #tpu.memory_space<hbm>>
    %dma_wait3A_408 = tpu.memref_squeeze %dma_wait3A_407 : memref<1x200x64xf32, #tpu.memory_space<hbm>> -> memref<200x64xf32, #tpu.memory_space<hbm>>
    tpu.wait_dma2 semaphore(%arg10 : memref<!tpu.dma_semaphore, #tpu.memory_space<semaphore_mem>>) src(%dma_wait3A_408 : memref<200x64xf32, #tpu.memory_space<hbm>>) dst(%dma_wait3A_404 : memref<200x64xf32, #tpu.memory_space<vmem>>)
    %dma_wait3A_409 = arith.constant 0 : i32
    %dma_wait3A_410 = arith.constant 1 : i32
    %dma_wait3A_411 = arith.constant 3 : i32
    %dma_wait3A_412 = arith.constant 0 : i32
    %dma_wait3A_413 = arith.constant 0 : i32
    %dma_wait3A_414 = tpu.memref_slice %arg6[%dma_wait3A_410, %dma_wait3A_411, %dma_wait3A_412, %dma_wait3A_413] : memref<2x4x200x64xf32, #tpu.memory_space<vmem>> -> memref<1x1x200x64xf32, #tpu.memory_space<vmem>>
    %dma_wait3A_415 = tpu.memref_squeeze %dma_wait3A_414 : memref<1x1x200x64xf32, #tpu.memory_space<vmem>> -> memref<200x64xf32, #tpu.memory_space<vmem>>
    %dma_wait3A_416 = arith.constant 0 : i32
    %dma_wait3A_417 = arith.constant 0 : i32
    %dma_wait3A_418 = tpu.memref_slice %arg4[%dma_wait3A_409, %dma_wait3A_416, %dma_wait3A_417] : memref<16384x200x128xf32, #tpu.memory_space<hbm>> -> memref<1x200x64xf32, #tpu.memory_space<hbm>>
    %dma_wait3A_419 = tpu.memref_squeeze %dma_wait3A_418 : memref<1x200x64xf32, #tpu.memory_space<hbm>> -> memref<200x64xf32, #tpu.memory_space<hbm>>
    %dma_wait3A_420 = arith.constant 0 : i32
    %dma_wait3A_421 = arith.constant 0 : i32
    %dma_wait3A_422 = tpu.memref_slice %arg6[%dma_wait3A_410, %dma_wait3A_411, %dma_wait3A_420, %dma_wait3A_421] : memref<2x4x200x64xf32, #tpu.memory_space<vmem>> -> memref<1x1x200x64xf32, #tpu.memory_space<vmem>>
    %dma_wait3A_423 = tpu.memref_squeeze %dma_wait3A_422 : memref<1x1x200x64xf32, #tpu.memory_space<vmem>> -> memref<200x64xf32, #tpu.memory_space<vmem>>
    %dma_wait3A_424 = arith.constant 0 : i32
    %dma_wait3A_425 = arith.constant 0 : i32
    %dma_wait3A_426 = tpu.memref_slice %arg4[%dma_wait3A_409, %dma_wait3A_424, %dma_wait3A_425] : memref<16384x200x128xf32, #tpu.memory_space<hbm>> -> memref<1x200x64xf32, #tpu.memory_space<hbm>>
    %dma_wait3A_427 = tpu.memref_squeeze %dma_wait3A_426 : memref<1x200x64xf32, #tpu.memory_space<hbm>> -> memref<200x64xf32, #tpu.memory_space<hbm>>
    tpu.wait_dma2 semaphore(%arg10 : memref<!tpu.dma_semaphore, #tpu.memory_space<semaphore_mem>>) src(%dma_wait3A_427 : memref<200x64xf32, #tpu.memory_space<hbm>>) dst(%dma_wait3A_423 : memref<200x64xf32, #tpu.memory_space<vmem>>)
    %add3A_428 = arith.constant 4 : i32
    %add3A_429 = arith.addi %mul3A_2, %add3A_428 : i32
    %add3A_430 = arith.constant 0 : i32
    %add3A_431 = arith.addi %add3A_429, %add3A_430 : i32
    %dma_start3A_432 = arith.constant 1 : i32
    %dma_start3A_433 = arith.constant 0 : i32
    %dma_start3A_434 = arith.constant 0 : i32
    %dma_start3A_435 = arith.constant 0 : i32
    %dma_start3A_436 = tpu.memref_slice %arg6[%dma_start3A_432, %dma_start3A_433, %dma_start3A_434, %dma_start3A_435] : memref<2x4x200x64xf32, #tpu.memory_space<vmem>> -> memref<1x1x200x64xf32, #tpu.memory_space<vmem>>
    %dma_start3A_437 = tpu.memref_squeeze %dma_start3A_436 : memref<1x1x200x64xf32, #tpu.memory_space<vmem>> -> memref<200x64xf32, #tpu.memory_space<vmem>>
    %dma_start3A_438 = arith.constant 0 : i32
    %dma_start3A_439 = arith.constant 0 : i32
    %dma_start3A_440 = tpu.memref_slice %arg4[%add3A_431, %dma_start3A_438, %dma_start3A_439] : memref<16384x200x128xf32, #tpu.memory_space<hbm>> -> memref<1x200x64xf32, #tpu.memory_space<hbm>>
    %dma_start3A_441 = tpu.memref_squeeze %dma_start3A_440 : memref<1x200x64xf32, #tpu.memory_space<hbm>> -> memref<200x64xf32, #tpu.memory_space<hbm>>
    %dma_start3A_442 = arith.constant 0 : i32
    %dma_start3A_443 = arith.constant 0 : i32
    %dma_start3A_444 = tpu.memref_slice %arg4[%add3A_431, %dma_start3A_442, %dma_start3A_443] : memref<16384x200x128xf32, #tpu.memory_space<hbm>> -> memref<1x200x64xf32, #tpu.memory_space<hbm>>
    %dma_start3A_445 = tpu.memref_squeeze %dma_start3A_444 : memref<1x200x64xf32, #tpu.memory_space<hbm>> -> memref<200x64xf32, #tpu.memory_space<hbm>>
    %dma_start3A_446 = arith.constant 0 : i32
    %dma_start3A_447 = arith.constant 0 : i32
    %dma_start3A_448 = tpu.memref_slice %arg6[%dma_start3A_432, %dma_start3A_433, %dma_start3A_446, %dma_start3A_447] : memref<2x4x200x64xf32, #tpu.memory_space<vmem>> -> memref<1x1x200x64xf32, #tpu.memory_space<vmem>>
    %dma_start3A_449 = tpu.memref_squeeze %dma_start3A_448 : memref<1x1x200x64xf32, #tpu.memory_space<vmem>> -> memref<200x64xf32, #tpu.memory_space<vmem>>
    tpu.enqueue_dma source(%dma_start3A_449 : memref<200x64xf32, #tpu.memory_space<vmem>>) target(%dma_start3A_445 : memref<200x64xf32, #tpu.memory_space<hbm>>) target_semaphore(%arg12 : memref<!tpu.dma_semaphore, #tpu.memory_space<semaphore_mem>>)
    %add3A_450 = arith.constant 4 : i32
    %add3A_451 = arith.addi %mul3A_2, %add3A_450 : i32
    %add3A_452 = arith.constant 1 : i32
    %add3A_453 = arith.addi %add3A_451, %add3A_452 : i32
    %dma_start3A_454 = arith.constant 1 : i32
    %dma_start3A_455 = arith.constant 1 : i32
    %dma_start3A_456 = arith.constant 0 : i32
    %dma_start3A_457 = arith.constant 0 : i32
    %dma_start3A_458 = tpu.memref_slice %arg6[%dma_start3A_454, %dma_start3A_455, %dma_start3A_456, %dma_start3A_457] : memref<2x4x200x64xf32, #tpu.memory_space<vmem>> -> memref<1x1x200x64xf32, #tpu.memory_space<vmem>>
    %dma_start3A_459 = tpu.memref_squeeze %dma_start3A_458 : memref<1x1x200x64xf32, #tpu.memory_space<vmem>> -> memref<200x64xf32, #tpu.memory_space<vmem>>
    %dma_start3A_460 = arith.constant 0 : i32
    %dma_start3A_461 = arith.constant 0 : i32
    %dma_start3A_462 = tpu.memref_slice %arg4[%add3A_453, %dma_start3A_460, %dma_start3A_461] : memref<16384x200x128xf32, #tpu.memory_space<hbm>> -> memref<1x200x64xf32, #tpu.memory_space<hbm>>
    %dma_start3A_463 = tpu.memref_squeeze %dma_start3A_462 : memref<1x200x64xf32, #tpu.memory_space<hbm>> -> memref<200x64xf32, #tpu.memory_space<hbm>>
    %dma_start3A_464 = arith.constant 0 : i32
    %dma_start3A_465 = arith.constant 0 : i32
    %dma_start3A_466 = tpu.memref_slice %arg4[%add3A_453, %dma_start3A_464, %dma_start3A_465] : memref<16384x200x128xf32, #tpu.memory_space<hbm>> -> memref<1x200x64xf32, #tpu.memory_space<hbm>>
    %dma_start3A_467 = tpu.memref_squeeze %dma_start3A_466 : memref<1x200x64xf32, #tpu.memory_space<hbm>> -> memref<200x64xf32, #tpu.memory_space<hbm>>
    %dma_start3A_468 = arith.constant 0 : i32
    %dma_start3A_469 = arith.constant 0 : i32
    %dma_start3A_470 = tpu.memref_slice %arg6[%dma_start3A_454, %dma_start3A_455, %dma_start3A_468, %dma_start3A_469] : memref<2x4x200x64xf32, #tpu.memory_space<vmem>> -> memref<1x1x200x64xf32, #tpu.memory_space<vmem>>
    %dma_start3A_471 = tpu.memref_squeeze %dma_start3A_470 : memref<1x1x200x64xf32, #tpu.memory_space<vmem>> -> memref<200x64xf32, #tpu.memory_space<vmem>>
    tpu.enqueue_dma source(%dma_start3A_471 : memref<200x64xf32, #tpu.memory_space<vmem>>) target(%dma_start3A_467 : memref<200x64xf32, #tpu.memory_space<hbm>>) target_semaphore(%arg12 : memref<!tpu.dma_semaphore, #tpu.memory_space<semaphore_mem>>)
    %add3A_472 = arith.constant 4 : i32
    %add3A_473 = arith.addi %mul3A_2, %add3A_472 : i32
    %add3A_474 = arith.constant 2 : i32
    %add3A_475 = arith.addi %add3A_473, %add3A_474 : i32
    %dma_start3A_476 = arith.constant 1 : i32
    %dma_start3A_477 = arith.constant 2 : i32
    %dma_start3A_478 = arith.constant 0 : i32
    %dma_start3A_479 = arith.constant 0 : i32
    %dma_start3A_480 = tpu.memref_slice %arg6[%dma_start3A_476, %dma_start3A_477, %dma_start3A_478, %dma_start3A_479] : memref<2x4x200x64xf32, #tpu.memory_space<vmem>> -> memref<1x1x200x64xf32, #tpu.memory_space<vmem>>
    %dma_start3A_481 = tpu.memref_squeeze %dma_start3A_480 : memref<1x1x200x64xf32, #tpu.memory_space<vmem>> -> memref<200x64xf32, #tpu.memory_space<vmem>>
    %dma_start3A_482 = arith.constant 0 : i32
    %dma_start3A_483 = arith.constant 0 : i32
    %dma_start3A_484 = tpu.memref_slice %arg4[%add3A_475, %dma_start3A_482, %dma_start3A_483] : memref<16384x200x128xf32, #tpu.memory_space<hbm>> -> memref<1x200x64xf32, #tpu.memory_space<hbm>>
    %dma_start3A_485 = tpu.memref_squeeze %dma_start3A_484 : memref<1x200x64xf32, #tpu.memory_space<hbm>> -> memref<200x64xf32, #tpu.memory_space<hbm>>
    %dma_start3A_486 = arith.constant 0 : i32
    %dma_start3A_487 = arith.constant 0 : i32
    %dma_start3A_488 = tpu.memref_slice %arg4[%add3A_475, %dma_start3A_486, %dma_start3A_487] : memref<16384x200x128xf32, #tpu.memory_space<hbm>> -> memref<1x200x64xf32, #tpu.memory_space<hbm>>
    %dma_start3A_489 = tpu.memref_squeeze %dma_start3A_488 : memref<1x200x64xf32, #tpu.memory_space<hbm>> -> memref<200x64xf32, #tpu.memory_space<hbm>>
    %dma_start3A_490 = arith.constant 0 : i32
    %dma_start3A_491 = arith.constant 0 : i32
    %dma_start3A_492 = tpu.memref_slice %arg6[%dma_start3A_476, %dma_start3A_477, %dma_start3A_490, %dma_start3A_491] : memref<2x4x200x64xf32, #tpu.memory_space<vmem>> -> memref<1x1x200x64xf32, #tpu.memory_space<vmem>>
    %dma_start3A_493 = tpu.memref_squeeze %dma_start3A_492 : memref<1x1x200x64xf32, #tpu.memory_space<vmem>> -> memref<200x64xf32, #tpu.memory_space<vmem>>
    tpu.enqueue_dma source(%dma_start3A_493 : memref<200x64xf32, #tpu.memory_space<vmem>>) target(%dma_start3A_489 : memref<200x64xf32, #tpu.memory_space<hbm>>) target_semaphore(%arg12 : memref<!tpu.dma_semaphore, #tpu.memory_space<semaphore_mem>>)
    %add3A_494 = arith.constant 4 : i32
    %add3A_495 = arith.addi %mul3A_2, %add3A_494 : i32
    %add3A_496 = arith.constant 3 : i32
    %add3A_497 = arith.addi %add3A_495, %add3A_496 : i32
    %dma_start3A_498 = arith.constant 1 : i32
    %dma_start3A_499 = arith.constant 3 : i32
    %dma_start3A_500 = arith.constant 0 : i32
    %dma_start3A_501 = arith.constant 0 : i32
    %dma_start3A_502 = tpu.memref_slice %arg6[%dma_start3A_498, %dma_start3A_499, %dma_start3A_500, %dma_start3A_501] : memref<2x4x200x64xf32, #tpu.memory_space<vmem>> -> memref<1x1x200x64xf32, #tpu.memory_space<vmem>>
    %dma_start3A_503 = tpu.memref_squeeze %dma_start3A_502 : memref<1x1x200x64xf32, #tpu.memory_space<vmem>> -> memref<200x64xf32, #tpu.memory_space<vmem>>
    %dma_start3A_504 = arith.constant 0 : i32
    %dma_start3A_505 = arith.constant 0 : i32
    %dma_start3A_506 = tpu.memref_slice %arg4[%add3A_497, %dma_start3A_504, %dma_start3A_505] : memref<16384x200x128xf32, #tpu.memory_space<hbm>> -> memref<1x200x64xf32, #tpu.memory_space<hbm>>
    %dma_start3A_507 = tpu.memref_squeeze %dma_start3A_506 : memref<1x200x64xf32, #tpu.memory_space<hbm>> -> memref<200x64xf32, #tpu.memory_space<hbm>>
    %dma_start3A_508 = arith.constant 0 : i32
    %dma_start3A_509 = arith.constant 0 : i32
    %dma_start3A_510 = tpu.memref_slice %arg4[%add3A_497, %dma_start3A_508, %dma_start3A_509] : memref<16384x200x128xf32, #tpu.memory_space<hbm>> -> memref<1x200x64xf32, #tpu.memory_space<hbm>>
    %dma_start3A_511 = tpu.memref_squeeze %dma_start3A_510 : memref<1x200x64xf32, #tpu.memory_space<hbm>> -> memref<200x64xf32, #tpu.memory_space<hbm>>
    %dma_start3A_512 = arith.constant 0 : i32
    %dma_start3A_513 = arith.constant 0 : i32
    %dma_start3A_514 = tpu.memref_slice %arg6[%dma_start3A_498, %dma_start3A_499, %dma_start3A_512, %dma_start3A_513] : memref<2x4x200x64xf32, #tpu.memory_space<vmem>> -> memref<1x1x200x64xf32, #tpu.memory_space<vmem>>
    %dma_start3A_515 = tpu.memref_squeeze %dma_start3A_514 : memref<1x1x200x64xf32, #tpu.memory_space<vmem>> -> memref<200x64xf32, #tpu.memory_space<vmem>>
    tpu.enqueue_dma source(%dma_start3A_515 : memref<200x64xf32, #tpu.memory_space<vmem>>) target(%dma_start3A_511 : memref<200x64xf32, #tpu.memory_space<hbm>>) target_semaphore(%arg12 : memref<!tpu.dma_semaphore, #tpu.memory_space<semaphore_mem>>)
    %scan3A = arith.constant 0 : i32
    %scan3A_516 = arith.constant 62 : i32
    %scan3A_517 = arith.addi %scan3A, %scan3A_516 : i32
    %scan3A_518 = arith.constant 1 : i32
    scf.for %scan3A_1309 = %scan3A to %scan3A_517 step %scan3A_518  : i32 {
      %mul3A_1310 = arith.constant 2 : i32
      %mul3A_1311 = arith.muli %scan3A_1309, %mul3A_1310 : i32
      %add3A_1312 = arith.constant 2 : i32
      %add3A_1313 = arith.addi %add3A_1312, %mul3A_1311 : i32
      %dma_wait3A_1314 = arith.constant 0 : i32
      %dma_wait3A_1315 = arith.constant 0 : i32
      %dma_wait3A_1316 = arith.constant 0 : i32
      %dma_wait3A_1317 = tpu.memref_slice %arg5[%dma_wait3A_1314, %dma_wait3A_1315, %dma_wait3A_1316] : memref<2x4x200xi32, #tpu.memory_space<vmem>> -> memref<1x4x200xi32, #tpu.memory_space<vmem>>
      %dma_wait3A_1318 = tpu.memref_squeeze %dma_wait3A_1317 : memref<1x4x200xi32, #tpu.memory_space<vmem>> -> memref<4x200xi32, #tpu.memory_space<vmem>>
      %dma_wait3A_1319 = arith.constant 0 : i32
      %dma_wait3A_1320 = arith.constant 0 : i32
      %dma_wait3A_1321 = tpu.memref_slice %arg2[%dma_wait3A_1319, %dma_wait3A_1320] : memref<16384x200xi32, #tpu.memory_space<hbm>> -> memref<4x200xi32, #tpu.memory_space<hbm>>
      %dma_wait3A_1322 = arith.constant 0 : i32
      %dma_wait3A_1323 = arith.constant 0 : i32
      %dma_wait3A_1324 = tpu.memref_slice %arg5[%dma_wait3A_1314, %dma_wait3A_1322, %dma_wait3A_1323] : memref<2x4x200xi32, #tpu.memory_space<vmem>> -> memref<1x4x200xi32, #tpu.memory_space<vmem>>
      %dma_wait3A_1325 = tpu.memref_squeeze %dma_wait3A_1324 : memref<1x4x200xi32, #tpu.memory_space<vmem>> -> memref<4x200xi32, #tpu.memory_space<vmem>>
      %dma_wait3A_1326 = arith.constant 0 : i32
      %dma_wait3A_1327 = arith.constant 0 : i32
      %dma_wait3A_1328 = tpu.memref_slice %arg2[%dma_wait3A_1326, %dma_wait3A_1327] : memref<16384x200xi32, #tpu.memory_space<hbm>> -> memref<4x200xi32, #tpu.memory_space<hbm>>
      tpu.wait_dma2 semaphore(%arg7 : memref<!tpu.dma_semaphore, #tpu.memory_space<semaphore_mem>>) src(%dma_wait3A_1328 : memref<4x200xi32, #tpu.memory_space<hbm>>) dst(%dma_wait3A_1325 : memref<4x200xi32, #tpu.memory_space<vmem>>)
      %dma_wait3A_1329 = arith.constant 0 : i32
      %dma_wait3A_1330 = arith.constant 0 : i32
      %dma_wait3A_1331 = arith.constant 0 : i32
      %dma_wait3A_1332 = arith.constant 0 : i32
      %dma_wait3A_1333 = arith.constant 0 : i32
      %dma_wait3A_1334 = tpu.memref_slice %arg6[%dma_wait3A_1329, %dma_wait3A_1330, %dma_wait3A_1332, %dma_wait3A_1333] : memref<2x4x200x64xf32, #tpu.memory_space<vmem>> -> memref<1x1x200x64xf32, #tpu.memory_space<vmem>>
      %dma_wait3A_1335 = tpu.memref_squeeze %dma_wait3A_1334 : memref<1x1x200x64xf32, #tpu.memory_space<vmem>> -> memref<200x64xf32, #tpu.memory_space<vmem>>
      %dma_wait3A_1336 = arith.constant 0 : i32
      %dma_wait3A_1337 = arith.constant 0 : i32
      %dma_wait3A_1338 = tpu.memref_slice %arg4[%dma_wait3A_1331, %dma_wait3A_1336, %dma_wait3A_1337] : memref<16384x200x128xf32, #tpu.memory_space<hbm>> -> memref<1x200x64xf32, #tpu.memory_space<hbm>>
      %dma_wait3A_1339 = tpu.memref_squeeze %dma_wait3A_1338 : memref<1x200x64xf32, #tpu.memory_space<hbm>> -> memref<200x64xf32, #tpu.memory_space<hbm>>
      %dma_wait3A_1340 = arith.constant 0 : i32
      %dma_wait3A_1341 = arith.constant 0 : i32
      %dma_wait3A_1342 = tpu.memref_slice %arg4[%dma_wait3A_1331, %dma_wait3A_1340, %dma_wait3A_1341] : memref<16384x200x128xf32, #tpu.memory_space<hbm>> -> memref<1x200x64xf32, #tpu.memory_space<hbm>>
      %dma_wait3A_1343 = tpu.memref_squeeze %dma_wait3A_1342 : memref<1x200x64xf32, #tpu.memory_space<hbm>> -> memref<200x64xf32, #tpu.memory_space<hbm>>
      %dma_wait3A_1344 = arith.constant 0 : i32
      %dma_wait3A_1345 = arith.constant 0 : i32
      %dma_wait3A_1346 = tpu.memref_slice %arg6[%dma_wait3A_1329, %dma_wait3A_1330, %dma_wait3A_1344, %dma_wait3A_1345] : memref<2x4x200x64xf32, #tpu.memory_space<vmem>> -> memref<1x1x200x64xf32, #tpu.memory_space<vmem>>
      %dma_wait3A_1347 = tpu.memref_squeeze %dma_wait3A_1346 : memref<1x1x200x64xf32, #tpu.memory_space<vmem>> -> memref<200x64xf32, #tpu.memory_space<vmem>>
      tpu.wait_dma2 semaphore(%arg11 : memref<!tpu.dma_semaphore, #tpu.memory_space<semaphore_mem>>) src(%dma_wait3A_1347 : memref<200x64xf32, #tpu.memory_space<vmem>>) dst(%dma_wait3A_1343 : memref<200x64xf32, #tpu.memory_space<hbm>>)
      %dma_wait3A_1348 = arith.constant 0 : i32
      %dma_wait3A_1349 = arith.constant 1 : i32
      %dma_wait3A_1350 = arith.constant 0 : i32
      %dma_wait3A_1351 = arith.constant 0 : i32
      %dma_wait3A_1352 = arith.constant 0 : i32
      %dma_wait3A_1353 = tpu.memref_slice %arg6[%dma_wait3A_1348, %dma_wait3A_1349, %dma_wait3A_1351, %dma_wait3A_1352] : memref<2x4x200x64xf32, #tpu.memory_space<vmem>> -> memref<1x1x200x64xf32, #tpu.memory_space<vmem>>
      %dma_wait3A_1354 = tpu.memref_squeeze %dma_wait3A_1353 : memref<1x1x200x64xf32, #tpu.memory_space<vmem>> -> memref<200x64xf32, #tpu.memory_space<vmem>>
      %dma_wait3A_1355 = arith.constant 0 : i32
      %dma_wait3A_1356 = arith.constant 0 : i32
      %dma_wait3A_1357 = tpu.memref_slice %arg4[%dma_wait3A_1350, %dma_wait3A_1355, %dma_wait3A_1356] : memref<16384x200x128xf32, #tpu.memory_space<hbm>> -> memref<1x200x64xf32, #tpu.memory_space<hbm>>
      %dma_wait3A_1358 = tpu.memref_squeeze %dma_wait3A_1357 : memref<1x200x64xf32, #tpu.memory_space<hbm>> -> memref<200x64xf32, #tpu.memory_space<hbm>>
      %dma_wait3A_1359 = arith.constant 0 : i32
      %dma_wait3A_1360 = arith.constant 0 : i32
      %dma_wait3A_1361 = tpu.memref_slice %arg4[%dma_wait3A_1350, %dma_wait3A_1359, %dma_wait3A_1360] : memref<16384x200x128xf32, #tpu.memory_space<hbm>> -> memref<1x200x64xf32, #tpu.memory_space<hbm>>
      %dma_wait3A_1362 = tpu.memref_squeeze %dma_wait3A_1361 : memref<1x200x64xf32, #tpu.memory_space<hbm>> -> memref<200x64xf32, #tpu.memory_space<hbm>>
      %dma_wait3A_1363 = arith.constant 0 : i32
      %dma_wait3A_1364 = arith.constant 0 : i32
      %dma_wait3A_1365 = tpu.memref_slice %arg6[%dma_wait3A_1348, %dma_wait3A_1349, %dma_wait3A_1363, %dma_wait3A_1364] : memref<2x4x200x64xf32, #tpu.memory_space<vmem>> -> memref<1x1x200x64xf32, #tpu.memory_space<vmem>>
      %dma_wait3A_1366 = tpu.memref_squeeze %dma_wait3A_1365 : memref<1x1x200x64xf32, #tpu.memory_space<vmem>> -> memref<200x64xf32, #tpu.memory_space<vmem>>
      tpu.wait_dma2 semaphore(%arg11 : memref<!tpu.dma_semaphore, #tpu.memory_space<semaphore_mem>>) src(%dma_wait3A_1366 : memref<200x64xf32, #tpu.memory_space<vmem>>) dst(%dma_wait3A_1362 : memref<200x64xf32, #tpu.memory_space<hbm>>)
      %dma_wait3A_1367 = arith.constant 0 : i32
      %dma_wait3A_1368 = arith.constant 2 : i32
      %dma_wait3A_1369 = arith.constant 0 : i32
      %dma_wait3A_1370 = arith.constant 0 : i32
      %dma_wait3A_1371 = arith.constant 0 : i32
      %dma_wait3A_1372 = tpu.memref_slice %arg6[%dma_wait3A_1367, %dma_wait3A_1368, %dma_wait3A_1370, %dma_wait3A_1371] : memref<2x4x200x64xf32, #tpu.memory_space<vmem>> -> memref<1x1x200x64xf32, #tpu.memory_space<vmem>>
      %dma_wait3A_1373 = tpu.memref_squeeze %dma_wait3A_1372 : memref<1x1x200x64xf32, #tpu.memory_space<vmem>> -> memref<200x64xf32, #tpu.memory_space<vmem>>
      %dma_wait3A_1374 = arith.constant 0 : i32
      %dma_wait3A_1375 = arith.constant 0 : i32
      %dma_wait3A_1376 = tpu.memref_slice %arg4[%dma_wait3A_1369, %dma_wait3A_1374, %dma_wait3A_1375] : memref<16384x200x128xf32, #tpu.memory_space<hbm>> -> memref<1x200x64xf32, #tpu.memory_space<hbm>>
      %dma_wait3A_1377 = tpu.memref_squeeze %dma_wait3A_1376 : memref<1x200x64xf32, #tpu.memory_space<hbm>> -> memref<200x64xf32, #tpu.memory_space<hbm>>
      %dma_wait3A_1378 = arith.constant 0 : i32
      %dma_wait3A_1379 = arith.constant 0 : i32
      %dma_wait3A_1380 = tpu.memref_slice %arg4[%dma_wait3A_1369, %dma_wait3A_1378, %dma_wait3A_1379] : memref<16384x200x128xf32, #tpu.memory_space<hbm>> -> memref<1x200x64xf32, #tpu.memory_space<hbm>>
      %dma_wait3A_1381 = tpu.memref_squeeze %dma_wait3A_1380 : memref<1x200x64xf32, #tpu.memory_space<hbm>> -> memref<200x64xf32, #tpu.memory_space<hbm>>
      %dma_wait3A_1382 = arith.constant 0 : i32
      %dma_wait3A_1383 = arith.constant 0 : i32
      %dma_wait3A_1384 = tpu.memref_slice %arg6[%dma_wait3A_1367, %dma_wait3A_1368, %dma_wait3A_1382, %dma_wait3A_1383] : memref<2x4x200x64xf32, #tpu.memory_space<vmem>> -> memref<1x1x200x64xf32, #tpu.memory_space<vmem>>
      %dma_wait3A_1385 = tpu.memref_squeeze %dma_wait3A_1384 : memref<1x1x200x64xf32, #tpu.memory_space<vmem>> -> memref<200x64xf32, #tpu.memory_space<vmem>>
      tpu.wait_dma2 semaphore(%arg11 : memref<!tpu.dma_semaphore, #tpu.memory_space<semaphore_mem>>) src(%dma_wait3A_1385 : memref<200x64xf32, #tpu.memory_space<vmem>>) dst(%dma_wait3A_1381 : memref<200x64xf32, #tpu.memory_space<hbm>>)
      %dma_wait3A_1386 = arith.constant 0 : i32
      %dma_wait3A_1387 = arith.constant 3 : i32
      %dma_wait3A_1388 = arith.constant 0 : i32
      %dma_wait3A_1389 = arith.constant 0 : i32
      %dma_wait3A_1390 = arith.constant 0 : i32
      %dma_wait3A_1391 = tpu.memref_slice %arg6[%dma_wait3A_1386, %dma_wait3A_1387, %dma_wait3A_1389, %dma_wait3A_1390] : memref<2x4x200x64xf32, #tpu.memory_space<vmem>> -> memref<1x1x200x64xf32, #tpu.memory_space<vmem>>
      %dma_wait3A_1392 = tpu.memref_squeeze %dma_wait3A_1391 : memref<1x1x200x64xf32, #tpu.memory_space<vmem>> -> memref<200x64xf32, #tpu.memory_space<vmem>>
      %dma_wait3A_1393 = arith.constant 0 : i32
      %dma_wait3A_1394 = arith.constant 0 : i32
      %dma_wait3A_1395 = tpu.memref_slice %arg4[%dma_wait3A_1388, %dma_wait3A_1393, %dma_wait3A_1394] : memref<16384x200x128xf32, #tpu.memory_space<hbm>> -> memref<1x200x64xf32, #tpu.memory_space<hbm>>
      %dma_wait3A_1396 = tpu.memref_squeeze %dma_wait3A_1395 : memref<1x200x64xf32, #tpu.memory_space<hbm>> -> memref<200x64xf32, #tpu.memory_space<hbm>>
      %dma_wait3A_1397 = arith.constant 0 : i32
      %dma_wait3A_1398 = arith.constant 0 : i32
      %dma_wait3A_1399 = tpu.memref_slice %arg4[%dma_wait3A_1388, %dma_wait3A_1397, %dma_wait3A_1398] : memref<16384x200x128xf32, #tpu.memory_space<hbm>> -> memref<1x200x64xf32, #tpu.memory_space<hbm>>
      %dma_wait3A_1400 = tpu.memref_squeeze %dma_wait3A_1399 : memref<1x200x64xf32, #tpu.memory_space<hbm>> -> memref<200x64xf32, #tpu.memory_space<hbm>>
      %dma_wait3A_1401 = arith.constant 0 : i32
      %dma_wait3A_1402 = arith.constant 0 : i32
      %dma_wait3A_1403 = tpu.memref_slice %arg6[%dma_wait3A_1386, %dma_wait3A_1387, %dma_wait3A_1401, %dma_wait3A_1402] : memref<2x4x200x64xf32, #tpu.memory_space<vmem>> -> memref<1x1x200x64xf32, #tpu.memory_space<vmem>>
      %dma_wait3A_1404 = tpu.memref_squeeze %dma_wait3A_1403 : memref<1x1x200x64xf32, #tpu.memory_space<vmem>> -> memref<200x64xf32, #tpu.memory_space<vmem>>
      tpu.wait_dma2 semaphore(%arg11 : memref<!tpu.dma_semaphore, #tpu.memory_space<semaphore_mem>>) src(%dma_wait3A_1404 : memref<200x64xf32, #tpu.memory_space<vmem>>) dst(%dma_wait3A_1400 : memref<200x64xf32, #tpu.memory_space<hbm>>)
      %dma_start3A_1405 = arith.constant 0 : i32
      %dma_start3A_1406 = arith.constant 0 : i32
      %dma_start3A_1407 = arith.constant 0 : i32
      %dma_start3A_1408 = arith.constant 0 : i32
      %dma_start3A_1409 = arith.constant 0 : i32
      %dma_start3A_1410 = arith.constant 0 : i32
      %dma_start3A_1411 = tpu.memref_slice %arg6[%dma_start3A_1407, %dma_start3A_1408, %dma_start3A_1409, %dma_start3A_1410] : memref<2x4x200x64xf32, #tpu.memory_space<vmem>> -> memref<1x1x200x64xf32, #tpu.memory_space<vmem>>
      %dma_start3A_1412 = tpu.memref_squeeze %dma_start3A_1411 : memref<1x1x200x64xf32, #tpu.memory_space<vmem>> -> memref<200x64xf32, #tpu.memory_space<vmem>>
      %dma_start3A_1413 = arith.constant 0 : i32
      %dma_start3A_1414 = tpu.memref_slice %arg5[%dma_start3A_1405, %dma_start3A_1406, %dma_start3A_1413] : memref<2x4x200xi32, #tpu.memory_space<vmem>> -> memref<1x1x200xi32, #tpu.memory_space<vmem>>
      %dma_start3A_1415 = tpu.memref_squeeze %dma_start3A_1414 : memref<1x1x200xi32, #tpu.memory_space<vmem>> -> memref<200xi32, #tpu.memory_space<vmem>>
      %dma_start3A_1416 = arith.constant 0 : i32
      %dma_start3A_1417 = arith.constant 0 : i32
      %dma_start3A_1418 = tpu.memref_slice %arg3[%dma_start3A_1416, %dma_start3A_1417] : memref<1000000x64xf32, #tpu.memory_space<hbm>> -> memref<1000000x64xf32, #tpu.memory_space<hbm>>
      tpu.enqueue_indirect_dma source(%dma_start3A_1418 : memref<1000000x64xf32, #tpu.memory_space<hbm>>) target(%dma_start3A_1412 : memref<200x64xf32, #tpu.memory_space<vmem>>) offsets(%dma_start3A_1415 : memref<200xi32, #tpu.memory_space<vmem>>) semaphore(%arg9 : memref<!tpu.dma_semaphore, #tpu.memory_space<semaphore_mem>>)
      %dma_start3A_1419 = arith.constant 0 : i32
      %dma_start3A_1420 = arith.constant 1 : i32
      %dma_start3A_1421 = arith.constant 0 : i32
      %dma_start3A_1422 = arith.constant 1 : i32
      %dma_start3A_1423 = arith.constant 0 : i32
      %dma_start3A_1424 = arith.constant 0 : i32
      %dma_start3A_1425 = tpu.memref_slice %arg6[%dma_start3A_1421, %dma_start3A_1422, %dma_start3A_1423, %dma_start3A_1424] : memref<2x4x200x64xf32, #tpu.memory_space<vmem>> -> memref<1x1x200x64xf32, #tpu.memory_space<vmem>>
      %dma_start3A_1426 = tpu.memref_squeeze %dma_start3A_1425 : memref<1x1x200x64xf32, #tpu.memory_space<vmem>> -> memref<200x64xf32, #tpu.memory_space<vmem>>
      %dma_start3A_1427 = arith.constant 0 : i32
      %dma_start3A_1428 = tpu.memref_slice %arg5[%dma_start3A_1419, %dma_start3A_1420, %dma_start3A_1427] : memref<2x4x200xi32, #tpu.memory_space<vmem>> -> memref<1x1x200xi32, #tpu.memory_space<vmem>>
      %dma_start3A_1429 = tpu.memref_squeeze %dma_start3A_1428 : memref<1x1x200xi32, #tpu.memory_space<vmem>> -> memref<200xi32, #tpu.memory_space<vmem>>
      %dma_start3A_1430 = arith.constant 0 : i32
      %dma_start3A_1431 = arith.constant 0 : i32
      %dma_start3A_1432 = tpu.memref_slice %arg3[%dma_start3A_1430, %dma_start3A_1431] : memref<1000000x64xf32, #tpu.memory_space<hbm>> -> memref<1000000x64xf32, #tpu.memory_space<hbm>>
      tpu.enqueue_indirect_dma source(%dma_start3A_1432 : memref<1000000x64xf32, #tpu.memory_space<hbm>>) target(%dma_start3A_1426 : memref<200x64xf32, #tpu.memory_space<vmem>>) offsets(%dma_start3A_1429 : memref<200xi32, #tpu.memory_space<vmem>>) semaphore(%arg9 : memref<!tpu.dma_semaphore, #tpu.memory_space<semaphore_mem>>)
      %dma_start3A_1433 = arith.constant 0 : i32
      %dma_start3A_1434 = arith.constant 2 : i32
      %dma_start3A_1435 = arith.constant 0 : i32
      %dma_start3A_1436 = arith.constant 2 : i32
      %dma_start3A_1437 = arith.constant 0 : i32
      %dma_start3A_1438 = arith.constant 0 : i32
      %dma_start3A_1439 = tpu.memref_slice %arg6[%dma_start3A_1435, %dma_start3A_1436, %dma_start3A_1437, %dma_start3A_1438] : memref<2x4x200x64xf32, #tpu.memory_space<vmem>> -> memref<1x1x200x64xf32, #tpu.memory_space<vmem>>
      %dma_start3A_1440 = tpu.memref_squeeze %dma_start3A_1439 : memref<1x1x200x64xf32, #tpu.memory_space<vmem>> -> memref<200x64xf32, #tpu.memory_space<vmem>>
      %dma_start3A_1441 = arith.constant 0 : i32
      %dma_start3A_1442 = tpu.memref_slice %arg5[%dma_start3A_1433, %dma_start3A_1434, %dma_start3A_1441] : memref<2x4x200xi32, #tpu.memory_space<vmem>> -> memref<1x1x200xi32, #tpu.memory_space<vmem>>
      %dma_start3A_1443 = tpu.memref_squeeze %dma_start3A_1442 : memref<1x1x200xi32, #tpu.memory_space<vmem>> -> memref<200xi32, #tpu.memory_space<vmem>>
      %dma_start3A_1444 = arith.constant 0 : i32
      %dma_start3A_1445 = arith.constant 0 : i32
      %dma_start3A_1446 = tpu.memref_slice %arg3[%dma_start3A_1444, %dma_start3A_1445] : memref<1000000x64xf32, #tpu.memory_space<hbm>> -> memref<1000000x64xf32, #tpu.memory_space<hbm>>
      tpu.enqueue_indirect_dma source(%dma_start3A_1446 : memref<1000000x64xf32, #tpu.memory_space<hbm>>) target(%dma_start3A_1440 : memref<200x64xf32, #tpu.memory_space<vmem>>) offsets(%dma_start3A_1443 : memref<200xi32, #tpu.memory_space<vmem>>) semaphore(%arg9 : memref<!tpu.dma_semaphore, #tpu.memory_space<semaphore_mem>>)
      %dma_start3A_1447 = arith.constant 0 : i32
      %dma_start3A_1448 = arith.constant 3 : i32
      %dma_start3A_1449 = arith.constant 0 : i32
      %dma_start3A_1450 = arith.constant 3 : i32
      %dma_start3A_1451 = arith.constant 0 : i32
      %dma_start3A_1452 = arith.constant 0 : i32
      %dma_start3A_1453 = tpu.memref_slice %arg6[%dma_start3A_1449, %dma_start3A_1450, %dma_start3A_1451, %dma_start3A_1452] : memref<2x4x200x64xf32, #tpu.memory_space<vmem>> -> memref<1x1x200x64xf32, #tpu.memory_space<vmem>>
      %dma_start3A_1454 = tpu.memref_squeeze %dma_start3A_1453 : memref<1x1x200x64xf32, #tpu.memory_space<vmem>> -> memref<200x64xf32, #tpu.memory_space<vmem>>
      %dma_start3A_1455 = arith.constant 0 : i32
      %dma_start3A_1456 = tpu.memref_slice %arg5[%dma_start3A_1447, %dma_start3A_1448, %dma_start3A_1455] : memref<2x4x200xi32, #tpu.memory_space<vmem>> -> memref<1x1x200xi32, #tpu.memory_space<vmem>>
      %dma_start3A_1457 = tpu.memref_squeeze %dma_start3A_1456 : memref<1x1x200xi32, #tpu.memory_space<vmem>> -> memref<200xi32, #tpu.memory_space<vmem>>
      %dma_start3A_1458 = arith.constant 0 : i32
      %dma_start3A_1459 = arith.constant 0 : i32
      %dma_start3A_1460 = tpu.memref_slice %arg3[%dma_start3A_1458, %dma_start3A_1459] : memref<1000000x64xf32, #tpu.memory_space<hbm>> -> memref<1000000x64xf32, #tpu.memory_space<hbm>>
      tpu.enqueue_indirect_dma source(%dma_start3A_1460 : memref<1000000x64xf32, #tpu.memory_space<hbm>>) target(%dma_start3A_1454 : memref<200x64xf32, #tpu.memory_space<vmem>>) offsets(%dma_start3A_1457 : memref<200xi32, #tpu.memory_space<vmem>>) semaphore(%arg9 : memref<!tpu.dma_semaphore, #tpu.memory_space<semaphore_mem>>)
      %add3A_1461 = arith.constant 1 : i32
      %add3A_1462 = arith.addi %add3A_1313, %add3A_1461 : i32
      %mul3A_1463 = arith.constant 4 : i32
      %mul3A_1464 = arith.muli %add3A_1462, %mul3A_1463 : i32
      %add3A_1465 = arith.addi %mul3A_2, %mul3A_1464 : i32
      %dma_start3A_1466 = arith.constant 1 : i32
      %dma_start3A_1467 = arith.constant 0 : i32
      %dma_start3A_1468 = arith.constant 0 : i32
      %dma_start3A_1469 = tpu.memref_slice %arg5[%dma_start3A_1466, %dma_start3A_1467, %dma_start3A_1468] : memref<2x4x200xi32, #tpu.memory_space<vmem>> -> memref<1x4x200xi32, #tpu.memory_space<vmem>>
      %dma_start3A_1470 = tpu.memref_squeeze %dma_start3A_1469 : memref<1x4x200xi32, #tpu.memory_space<vmem>> -> memref<4x200xi32, #tpu.memory_space<vmem>>
      %dma_start3A_1471 = arith.constant 0 : i32
      %dma_start3A_1472 = tpu.memref_slice %arg2[%add3A_1465, %dma_start3A_1471] : memref<16384x200xi32, #tpu.memory_space<hbm>> -> memref<4x200xi32, #tpu.memory_space<hbm>>
      %dma_start3A_1473 = arith.constant 0 : i32
      %dma_start3A_1474 = arith.constant 0 : i32
      %dma_start3A_1475 = tpu.memref_slice %arg5[%dma_start3A_1466, %dma_start3A_1473, %dma_start3A_1474] : memref<2x4x200xi32, #tpu.memory_space<vmem>> -> memref<1x4x200xi32, #tpu.memory_space<vmem>>
      %dma_start3A_1476 = tpu.memref_squeeze %dma_start3A_1475 : memref<1x4x200xi32, #tpu.memory_space<vmem>> -> memref<4x200xi32, #tpu.memory_space<vmem>>
      %dma_start3A_1477 = arith.constant 0 : i32
      %dma_start3A_1478 = tpu.memref_slice %arg2[%add3A_1465, %dma_start3A_1477] : memref<16384x200xi32, #tpu.memory_space<hbm>> -> memref<4x200xi32, #tpu.memory_space<hbm>>
      tpu.enqueue_dma source(%dma_start3A_1478 : memref<4x200xi32, #tpu.memory_space<hbm>>) target(%dma_start3A_1476 : memref<4x200xi32, #tpu.memory_space<vmem>>) target_semaphore(%arg8 : memref<!tpu.dma_semaphore, #tpu.memory_space<semaphore_mem>>)
      %dma_wait3A_1479 = arith.constant 0 : i32
      %dma_wait3A_1480 = arith.constant 0 : i32
      %dma_wait3A_1481 = arith.constant 0 : i32
      %dma_wait3A_1482 = arith.constant 0 : i32
      %dma_wait3A_1483 = arith.constant 0 : i32
      %dma_wait3A_1484 = tpu.memref_slice %arg6[%dma_wait3A_1480, %dma_wait3A_1481, %dma_wait3A_1482, %dma_wait3A_1483] : memref<2x4x200x64xf32, #tpu.memory_space<vmem>> -> memref<1x1x200x64xf32, #tpu.memory_space<vmem>>
      %dma_wait3A_1485 = tpu.memref_squeeze %dma_wait3A_1484 : memref<1x1x200x64xf32, #tpu.memory_space<vmem>> -> memref<200x64xf32, #tpu.memory_space<vmem>>
      %dma_wait3A_1486 = arith.constant 0 : i32
      %dma_wait3A_1487 = arith.constant 0 : i32
      %dma_wait3A_1488 = tpu.memref_slice %arg4[%dma_wait3A_1479, %dma_wait3A_1486, %dma_wait3A_1487] : memref<16384x200x128xf32, #tpu.memory_space<hbm>> -> memref<1x200x64xf32, #tpu.memory_space<hbm>>
      %dma_wait3A_1489 = tpu.memref_squeeze %dma_wait3A_1488 : memref<1x200x64xf32, #tpu.memory_space<hbm>> -> memref<200x64xf32, #tpu.memory_space<hbm>>
      %dma_wait3A_1490 = arith.constant 0 : i32
      %dma_wait3A_1491 = arith.constant 0 : i32
      %dma_wait3A_1492 = tpu.memref_slice %arg6[%dma_wait3A_1480, %dma_wait3A_1481, %dma_wait3A_1490, %dma_wait3A_1491] : memref<2x4x200x64xf32, #tpu.memory_space<vmem>> -> memref<1x1x200x64xf32, #tpu.memory_space<vmem>>
      %dma_wait3A_1493 = tpu.memref_squeeze %dma_wait3A_1492 : memref<1x1x200x64xf32, #tpu.memory_space<vmem>> -> memref<200x64xf32, #tpu.memory_space<vmem>>
      %dma_wait3A_1494 = arith.constant 0 : i32
      %dma_wait3A_1495 = arith.constant 0 : i32
      %dma_wait3A_1496 = tpu.memref_slice %arg4[%dma_wait3A_1479, %dma_wait3A_1494, %dma_wait3A_1495] : memref<16384x200x128xf32, #tpu.memory_space<hbm>> -> memref<1x200x64xf32, #tpu.memory_space<hbm>>
      %dma_wait3A_1497 = tpu.memref_squeeze %dma_wait3A_1496 : memref<1x200x64xf32, #tpu.memory_space<hbm>> -> memref<200x64xf32, #tpu.memory_space<hbm>>
      tpu.wait_dma2 semaphore(%arg9 : memref<!tpu.dma_semaphore, #tpu.memory_space<semaphore_mem>>) src(%dma_wait3A_1497 : memref<200x64xf32, #tpu.memory_space<hbm>>) dst(%dma_wait3A_1493 : memref<200x64xf32, #tpu.memory_space<vmem>>)
      %dma_wait3A_1498 = arith.constant 0 : i32
      %dma_wait3A_1499 = arith.constant 0 : i32
      %dma_wait3A_1500 = arith.constant 1 : i32
      %dma_wait3A_1501 = arith.constant 0 : i32
      %dma_wait3A_1502 = arith.constant 0 : i32
      %dma_wait3A_1503 = tpu.memref_slice %arg6[%dma_wait3A_1499, %dma_wait3A_1500, %dma_wait3A_1501, %dma_wait3A_1502] : memref<2x4x200x64xf32, #tpu.memory_space<vmem>> -> memref<1x1x200x64xf32, #tpu.memory_space<vmem>>
      %dma_wait3A_1504 = tpu.memref_squeeze %dma_wait3A_1503 : memref<1x1x200x64xf32, #tpu.memory_space<vmem>> -> memref<200x64xf32, #tpu.memory_space<vmem>>
      %dma_wait3A_1505 = arith.constant 0 : i32
      %dma_wait3A_1506 = arith.constant 0 : i32
      %dma_wait3A_1507 = tpu.memref_slice %arg4[%dma_wait3A_1498, %dma_wait3A_1505, %dma_wait3A_1506] : memref<16384x200x128xf32, #tpu.memory_space<hbm>> -> memref<1x200x64xf32, #tpu.memory_space<hbm>>
      %dma_wait3A_1508 = tpu.memref_squeeze %dma_wait3A_1507 : memref<1x200x64xf32, #tpu.memory_space<hbm>> -> memref<200x64xf32, #tpu.memory_space<hbm>>
      %dma_wait3A_1509 = arith.constant 0 : i32
      %dma_wait3A_1510 = arith.constant 0 : i32
      %dma_wait3A_1511 = tpu.memref_slice %arg6[%dma_wait3A_1499, %dma_wait3A_1500, %dma_wait3A_1509, %dma_wait3A_1510] : memref<2x4x200x64xf32, #tpu.memory_space<vmem>> -> memref<1x1x200x64xf32, #tpu.memory_space<vmem>>
      %dma_wait3A_1512 = tpu.memref_squeeze %dma_wait3A_1511 : memref<1x1x200x64xf32, #tpu.memory_space<vmem>> -> memref<200x64xf32, #tpu.memory_space<vmem>>
      %dma_wait3A_1513 = arith.constant 0 : i32
      %dma_wait3A_1514 = arith.constant 0 : i32
      %dma_wait3A_1515 = tpu.memref_slice %arg4[%dma_wait3A_1498, %dma_wait3A_1513, %dma_wait3A_1514] : memref<16384x200x128xf32, #tpu.memory_space<hbm>> -> memref<1x200x64xf32, #tpu.memory_space<hbm>>
      %dma_wait3A_1516 = tpu.memref_squeeze %dma_wait3A_1515 : memref<1x200x64xf32, #tpu.memory_space<hbm>> -> memref<200x64xf32, #tpu.memory_space<hbm>>
      tpu.wait_dma2 semaphore(%arg9 : memref<!tpu.dma_semaphore, #tpu.memory_space<semaphore_mem>>) src(%dma_wait3A_1516 : memref<200x64xf32, #tpu.memory_space<hbm>>) dst(%dma_wait3A_1512 : memref<200x64xf32, #tpu.memory_space<vmem>>)
      %dma_wait3A_1517 = arith.constant 0 : i32
      %dma_wait3A_1518 = arith.constant 0 : i32
      %dma_wait3A_1519 = arith.constant 2 : i32
      %dma_wait3A_1520 = arith.constant 0 : i32
      %dma_wait3A_1521 = arith.constant 0 : i32
      %dma_wait3A_1522 = tpu.memref_slice %arg6[%dma_wait3A_1518, %dma_wait3A_1519, %dma_wait3A_1520, %dma_wait3A_1521] : memref<2x4x200x64xf32, #tpu.memory_space<vmem>> -> memref<1x1x200x64xf32, #tpu.memory_space<vmem>>
      %dma_wait3A_1523 = tpu.memref_squeeze %dma_wait3A_1522 : memref<1x1x200x64xf32, #tpu.memory_space<vmem>> -> memref<200x64xf32, #tpu.memory_space<vmem>>
      %dma_wait3A_1524 = arith.constant 0 : i32
      %dma_wait3A_1525 = arith.constant 0 : i32
      %dma_wait3A_1526 = tpu.memref_slice %arg4[%dma_wait3A_1517, %dma_wait3A_1524, %dma_wait3A_1525] : memref<16384x200x128xf32, #tpu.memory_space<hbm>> -> memref<1x200x64xf32, #tpu.memory_space<hbm>>
      %dma_wait3A_1527 = tpu.memref_squeeze %dma_wait3A_1526 : memref<1x200x64xf32, #tpu.memory_space<hbm>> -> memref<200x64xf32, #tpu.memory_space<hbm>>
      %dma_wait3A_1528 = arith.constant 0 : i32
      %dma_wait3A_1529 = arith.constant 0 : i32
      %dma_wait3A_1530 = tpu.memref_slice %arg6[%dma_wait3A_1518, %dma_wait3A_1519, %dma_wait3A_1528, %dma_wait3A_1529] : memref<2x4x200x64xf32, #tpu.memory_space<vmem>> -> memref<1x1x200x64xf32, #tpu.memory_space<vmem>>
      %dma_wait3A_1531 = tpu.memref_squeeze %dma_wait3A_1530 : memref<1x1x200x64xf32, #tpu.memory_space<vmem>> -> memref<200x64xf32, #tpu.memory_space<vmem>>
      %dma_wait3A_1532 = arith.constant 0 : i32
      %dma_wait3A_1533 = arith.constant 0 : i32
      %dma_wait3A_1534 = tpu.memref_slice %arg4[%dma_wait3A_1517, %dma_wait3A_1532, %dma_wait3A_1533] : memref<16384x200x128xf32, #tpu.memory_space<hbm>> -> memref<1x200x64xf32, #tpu.memory_space<hbm>>
      %dma_wait3A_1535 = tpu.memref_squeeze %dma_wait3A_1534 : memref<1x200x64xf32, #tpu.memory_space<hbm>> -> memref<200x64xf32, #tpu.memory_space<hbm>>
      tpu.wait_dma2 semaphore(%arg9 : memref<!tpu.dma_semaphore, #tpu.memory_space<semaphore_mem>>) src(%dma_wait3A_1535 : memref<200x64xf32, #tpu.memory_space<hbm>>) dst(%dma_wait3A_1531 : memref<200x64xf32, #tpu.memory_space<vmem>>)
      %dma_wait3A_1536 = arith.constant 0 : i32
      %dma_wait3A_1537 = arith.constant 0 : i32
      %dma_wait3A_1538 = arith.constant 3 : i32
      %dma_wait3A_1539 = arith.constant 0 : i32
      %dma_wait3A_1540 = arith.constant 0 : i32
      %dma_wait3A_1541 = tpu.memref_slice %arg6[%dma_wait3A_1537, %dma_wait3A_1538, %dma_wait3A_1539, %dma_wait3A_1540] : memref<2x4x200x64xf32, #tpu.memory_space<vmem>> -> memref<1x1x200x64xf32, #tpu.memory_space<vmem>>
      %dma_wait3A_1542 = tpu.memref_squeeze %dma_wait3A_1541 : memref<1x1x200x64xf32, #tpu.memory_space<vmem>> -> memref<200x64xf32, #tpu.memory_space<vmem>>
      %dma_wait3A_1543 = arith.constant 0 : i32
      %dma_wait3A_1544 = arith.constant 0 : i32
      %dma_wait3A_1545 = tpu.memref_slice %arg4[%dma_wait3A_1536, %dma_wait3A_1543, %dma_wait3A_1544] : memref<16384x200x128xf32, #tpu.memory_space<hbm>> -> memref<1x200x64xf32, #tpu.memory_space<hbm>>
      %dma_wait3A_1546 = tpu.memref_squeeze %dma_wait3A_1545 : memref<1x200x64xf32, #tpu.memory_space<hbm>> -> memref<200x64xf32, #tpu.memory_space<hbm>>
      %dma_wait3A_1547 = arith.constant 0 : i32
      %dma_wait3A_1548 = arith.constant 0 : i32
      %dma_wait3A_1549 = tpu.memref_slice %arg6[%dma_wait3A_1537, %dma_wait3A_1538, %dma_wait3A_1547, %dma_wait3A_1548] : memref<2x4x200x64xf32, #tpu.memory_space<vmem>> -> memref<1x1x200x64xf32, #tpu.memory_space<vmem>>
      %dma_wait3A_1550 = tpu.memref_squeeze %dma_wait3A_1549 : memref<1x1x200x64xf32, #tpu.memory_space<vmem>> -> memref<200x64xf32, #tpu.memory_space<vmem>>
      %dma_wait3A_1551 = arith.constant 0 : i32
      %dma_wait3A_1552 = arith.constant 0 : i32
      %dma_wait3A_1553 = tpu.memref_slice %arg4[%dma_wait3A_1536, %dma_wait3A_1551, %dma_wait3A_1552] : memref<16384x200x128xf32, #tpu.memory_space<hbm>> -> memref<1x200x64xf32, #tpu.memory_space<hbm>>
      %dma_wait3A_1554 = tpu.memref_squeeze %dma_wait3A_1553 : memref<1x200x64xf32, #tpu.memory_space<hbm>> -> memref<200x64xf32, #tpu.memory_space<hbm>>
      tpu.wait_dma2 semaphore(%arg9 : memref<!tpu.dma_semaphore, #tpu.memory_space<semaphore_mem>>) src(%dma_wait3A_1554 : memref<200x64xf32, #tpu.memory_space<hbm>>) dst(%dma_wait3A_1550 : memref<200x64xf32, #tpu.memory_space<vmem>>)
      %mul3A_1555 = arith.constant 4 : i32
      %mul3A_1556 = arith.muli %add3A_1313, %mul3A_1555 : i32
      %add3A_1557 = arith.addi %mul3A_2, %mul3A_1556 : i32
      %add3A_1558 = arith.constant 0 : i32
      %add3A_1559 = arith.addi %add3A_1557, %add3A_1558 : i32
      %dma_start3A_1560 = arith.constant 0 : i32
      %dma_start3A_1561 = arith.constant 0 : i32
      %dma_start3A_1562 = arith.constant 0 : i32
      %dma_start3A_1563 = arith.constant 0 : i32
      %dma_start3A_1564 = tpu.memref_slice %arg6[%dma_start3A_1560, %dma_start3A_1561, %dma_start3A_1562, %dma_start3A_1563] : memref<2x4x200x64xf32, #tpu.memory_space<vmem>> -> memref<1x1x200x64xf32, #tpu.memory_space<vmem>>
      %dma_start3A_1565 = tpu.memref_squeeze %dma_start3A_1564 : memref<1x1x200x64xf32, #tpu.memory_space<vmem>> -> memref<200x64xf32, #tpu.memory_space<vmem>>
      %dma_start3A_1566 = arith.constant 0 : i32
      %dma_start3A_1567 = arith.constant 0 : i32
      %dma_start3A_1568 = tpu.memref_slice %arg4[%add3A_1559, %dma_start3A_1566, %dma_start3A_1567] : memref<16384x200x128xf32, #tpu.memory_space<hbm>> -> memref<1x200x64xf32, #tpu.memory_space<hbm>>
      %dma_start3A_1569 = tpu.memref_squeeze %dma_start3A_1568 : memref<1x200x64xf32, #tpu.memory_space<hbm>> -> memref<200x64xf32, #tpu.memory_space<hbm>>
      %dma_start3A_1570 = arith.constant 0 : i32
      %dma_start3A_1571 = arith.constant 0 : i32
      %dma_start3A_1572 = tpu.memref_slice %arg4[%add3A_1559, %dma_start3A_1570, %dma_start3A_1571] : memref<16384x200x128xf32, #tpu.memory_space<hbm>> -> memref<1x200x64xf32, #tpu.memory_space<hbm>>
      %dma_start3A_1573 = tpu.memref_squeeze %dma_start3A_1572 : memref<1x200x64xf32, #tpu.memory_space<hbm>> -> memref<200x64xf32, #tpu.memory_space<hbm>>
      %dma_start3A_1574 = arith.constant 0 : i32
      %dma_start3A_1575 = arith.constant 0 : i32
      %dma_start3A_1576 = tpu.memref_slice %arg6[%dma_start3A_1560, %dma_start3A_1561, %dma_start3A_1574, %dma_start3A_1575] : memref<2x4x200x64xf32, #tpu.memory_space<vmem>> -> memref<1x1x200x64xf32, #tpu.memory_space<vmem>>
      %dma_start3A_1577 = tpu.memref_squeeze %dma_start3A_1576 : memref<1x1x200x64xf32, #tpu.memory_space<vmem>> -> memref<200x64xf32, #tpu.memory_space<vmem>>
      tpu.enqueue_dma source(%dma_start3A_1577 : memref<200x64xf32, #tpu.memory_space<vmem>>) target(%dma_start3A_1573 : memref<200x64xf32, #tpu.memory_space<hbm>>) target_semaphore(%arg11 : memref<!tpu.dma_semaphore, #tpu.memory_space<semaphore_mem>>)
      %mul3A_1578 = arith.constant 4 : i32
      %mul3A_1579 = arith.muli %add3A_1313, %mul3A_1578 : i32
      %add3A_1580 = arith.addi %mul3A_2, %mul3A_1579 : i32
      %add3A_1581 = arith.constant 1 : i32
      %add3A_1582 = arith.addi %add3A_1580, %add3A_1581 : i32
      %dma_start3A_1583 = arith.constant 0 : i32
      %dma_start3A_1584 = arith.constant 1 : i32
      %dma_start3A_1585 = arith.constant 0 : i32
      %dma_start3A_1586 = arith.constant 0 : i32
      %dma_start3A_1587 = tpu.memref_slice %arg6[%dma_start3A_1583, %dma_start3A_1584, %dma_start3A_1585, %dma_start3A_1586] : memref<2x4x200x64xf32, #tpu.memory_space<vmem>> -> memref<1x1x200x64xf32, #tpu.memory_space<vmem>>
      %dma_start3A_1588 = tpu.memref_squeeze %dma_start3A_1587 : memref<1x1x200x64xf32, #tpu.memory_space<vmem>> -> memref<200x64xf32, #tpu.memory_space<vmem>>
      %dma_start3A_1589 = arith.constant 0 : i32
      %dma_start3A_1590 = arith.constant 0 : i32
      %dma_start3A_1591 = tpu.memref_slice %arg4[%add3A_1582, %dma_start3A_1589, %dma_start3A_1590] : memref<16384x200x128xf32, #tpu.memory_space<hbm>> -> memref<1x200x64xf32, #tpu.memory_space<hbm>>
      %dma_start3A_1592 = tpu.memref_squeeze %dma_start3A_1591 : memref<1x200x64xf32, #tpu.memory_space<hbm>> -> memref<200x64xf32, #tpu.memory_space<hbm>>
      %dma_start3A_1593 = arith.constant 0 : i32
      %dma_start3A_1594 = arith.constant 0 : i32
      %dma_start3A_1595 = tpu.memref_slice %arg4[%add3A_1582, %dma_start3A_1593, %dma_start3A_1594] : memref<16384x200x128xf32, #tpu.memory_space<hbm>> -> memref<1x200x64xf32, #tpu.memory_space<hbm>>
      %dma_start3A_1596 = tpu.memref_squeeze %dma_start3A_1595 : memref<1x200x64xf32, #tpu.memory_space<hbm>> -> memref<200x64xf32, #tpu.memory_space<hbm>>
      %dma_start3A_1597 = arith.constant 0 : i32
      %dma_start3A_1598 = arith.constant 0 : i32
      %dma_start3A_1599 = tpu.memref_slice %arg6[%dma_start3A_1583, %dma_start3A_1584, %dma_start3A_1597, %dma_start3A_1598] : memref<2x4x200x64xf32, #tpu.memory_space<vmem>> -> memref<1x1x200x64xf32, #tpu.memory_space<vmem>>
      %dma_start3A_1600 = tpu.memref_squeeze %dma_start3A_1599 : memref<1x1x200x64xf32, #tpu.memory_space<vmem>> -> memref<200x64xf32, #tpu.memory_space<vmem>>
      tpu.enqueue_dma source(%dma_start3A_1600 : memref<200x64xf32, #tpu.memory_space<vmem>>) target(%dma_start3A_1596 : memref<200x64xf32, #tpu.memory_space<hbm>>) target_semaphore(%arg11 : memref<!tpu.dma_semaphore, #tpu.memory_space<semaphore_mem>>)
      %mul3A_1601 = arith.constant 4 : i32
      %mul3A_1602 = arith.muli %add3A_1313, %mul3A_1601 : i32
      %add3A_1603 = arith.addi %mul3A_2, %mul3A_1602 : i32
      %add3A_1604 = arith.constant 2 : i32
      %add3A_1605 = arith.addi %add3A_1603, %add3A_1604 : i32
      %dma_start3A_1606 = arith.constant 0 : i32
      %dma_start3A_1607 = arith.constant 2 : i32
      %dma_start3A_1608 = arith.constant 0 : i32
      %dma_start3A_1609 = arith.constant 0 : i32
      %dma_start3A_1610 = tpu.memref_slice %arg6[%dma_start3A_1606, %dma_start3A_1607, %dma_start3A_1608, %dma_start3A_1609] : memref<2x4x200x64xf32, #tpu.memory_space<vmem>> -> memref<1x1x200x64xf32, #tpu.memory_space<vmem>>
      %dma_start3A_1611 = tpu.memref_squeeze %dma_start3A_1610 : memref<1x1x200x64xf32, #tpu.memory_space<vmem>> -> memref<200x64xf32, #tpu.memory_space<vmem>>
      %dma_start3A_1612 = arith.constant 0 : i32
      %dma_start3A_1613 = arith.constant 0 : i32
      %dma_start3A_1614 = tpu.memref_slice %arg4[%add3A_1605, %dma_start3A_1612, %dma_start3A_1613] : memref<16384x200x128xf32, #tpu.memory_space<hbm>> -> memref<1x200x64xf32, #tpu.memory_space<hbm>>
      %dma_start3A_1615 = tpu.memref_squeeze %dma_start3A_1614 : memref<1x200x64xf32, #tpu.memory_space<hbm>> -> memref<200x64xf32, #tpu.memory_space<hbm>>
      %dma_start3A_1616 = arith.constant 0 : i32
      %dma_start3A_1617 = arith.constant 0 : i32
      %dma_start3A_1618 = tpu.memref_slice %arg4[%add3A_1605, %dma_start3A_1616, %dma_start3A_1617] : memref<16384x200x128xf32, #tpu.memory_space<hbm>> -> memref<1x200x64xf32, #tpu.memory_space<hbm>>
      %dma_start3A_1619 = tpu.memref_squeeze %dma_start3A_1618 : memref<1x200x64xf32, #tpu.memory_space<hbm>> -> memref<200x64xf32, #tpu.memory_space<hbm>>
      %dma_start3A_1620 = arith.constant 0 : i32
      %dma_start3A_1621 = arith.constant 0 : i32
      %dma_start3A_1622 = tpu.memref_slice %arg6[%dma_start3A_1606, %dma_start3A_1607, %dma_start3A_1620, %dma_start3A_1621] : memref<2x4x200x64xf32, #tpu.memory_space<vmem>> -> memref<1x1x200x64xf32, #tpu.memory_space<vmem>>
      %dma_start3A_1623 = tpu.memref_squeeze %dma_start3A_1622 : memref<1x1x200x64xf32, #tpu.memory_space<vmem>> -> memref<200x64xf32, #tpu.memory_space<vmem>>
      tpu.enqueue_dma source(%dma_start3A_1623 : memref<200x64xf32, #tpu.memory_space<vmem>>) target(%dma_start3A_1619 : memref<200x64xf32, #tpu.memory_space<hbm>>) target_semaphore(%arg11 : memref<!tpu.dma_semaphore, #tpu.memory_space<semaphore_mem>>)
      %mul3A_1624 = arith.constant 4 : i32
      %mul3A_1625 = arith.muli %add3A_1313, %mul3A_1624 : i32
      %add3A_1626 = arith.addi %mul3A_2, %mul3A_1625 : i32
      %add3A_1627 = arith.constant 3 : i32
      %add3A_1628 = arith.addi %add3A_1626, %add3A_1627 : i32
      %dma_start3A_1629 = arith.constant 0 : i32
      %dma_start3A_1630 = arith.constant 3 : i32
      %dma_start3A_1631 = arith.constant 0 : i32
      %dma_start3A_1632 = arith.constant 0 : i32
      %dma_start3A_1633 = tpu.memref_slice %arg6[%dma_start3A_1629, %dma_start3A_1630, %dma_start3A_1631, %dma_start3A_1632] : memref<2x4x200x64xf32, #tpu.memory_space<vmem>> -> memref<1x1x200x64xf32, #tpu.memory_space<vmem>>
      %dma_start3A_1634 = tpu.memref_squeeze %dma_start3A_1633 : memref<1x1x200x64xf32, #tpu.memory_space<vmem>> -> memref<200x64xf32, #tpu.memory_space<vmem>>
      %dma_start3A_1635 = arith.constant 0 : i32
      %dma_start3A_1636 = arith.constant 0 : i32
      %dma_start3A_1637 = tpu.memref_slice %arg4[%add3A_1628, %dma_start3A_1635, %dma_start3A_1636] : memref<16384x200x128xf32, #tpu.memory_space<hbm>> -> memref<1x200x64xf32, #tpu.memory_space<hbm>>
      %dma_start3A_1638 = tpu.memref_squeeze %dma_start3A_1637 : memref<1x200x64xf32, #tpu.memory_space<hbm>> -> memref<200x64xf32, #tpu.memory_space<hbm>>
      %dma_start3A_1639 = arith.constant 0 : i32
      %dma_start3A_1640 = arith.constant 0 : i32
      %dma_start3A_1641 = tpu.memref_slice %arg4[%add3A_1628, %dma_start3A_1639, %dma_start3A_1640] : memref<16384x200x128xf32, #tpu.memory_space<hbm>> -> memref<1x200x64xf32, #tpu.memory_space<hbm>>
      %dma_start3A_1642 = tpu.memref_squeeze %dma_start3A_1641 : memref<1x200x64xf32, #tpu.memory_space<hbm>> -> memref<200x64xf32, #tpu.memory_space<hbm>>
      %dma_start3A_1643 = arith.constant 0 : i32
      %dma_start3A_1644 = arith.constant 0 : i32
      %dma_start3A_1645 = tpu.memref_slice %arg6[%dma_start3A_1629, %dma_start3A_1630, %dma_start3A_1643, %dma_start3A_1644] : memref<2x4x200x64xf32, #tpu.memory_space<vmem>> -> memref<1x1x200x64xf32, #tpu.memory_space<vmem>>
      %dma_start3A_1646 = tpu.memref_squeeze %dma_start3A_1645 : memref<1x1x200x64xf32, #tpu.memory_space<vmem>> -> memref<200x64xf32, #tpu.memory_space<vmem>>
      tpu.enqueue_dma source(%dma_start3A_1646 : memref<200x64xf32, #tpu.memory_space<vmem>>) target(%dma_start3A_1642 : memref<200x64xf32, #tpu.memory_space<hbm>>) target_semaphore(%arg11 : memref<!tpu.dma_semaphore, #tpu.memory_space<semaphore_mem>>)
      %add3A_1647 = arith.constant 1 : i32
      %add3A_1648 = arith.addi %add3A_1313, %add3A_1647 : i32
      %dma_wait3A_1649 = arith.constant 1 : i32
      %dma_wait3A_1650 = arith.constant 0 : i32
      %dma_wait3A_1651 = arith.constant 0 : i32
      %dma_wait3A_1652 = tpu.memref_slice %arg5[%dma_wait3A_1649, %dma_wait3A_1650, %dma_wait3A_1651] : memref<2x4x200xi32, #tpu.memory_space<vmem>> -> memref<1x4x200xi32, #tpu.memory_space<vmem>>
      %dma_wait3A_1653 = tpu.memref_squeeze %dma_wait3A_1652 : memref<1x4x200xi32, #tpu.memory_space<vmem>> -> memref<4x200xi32, #tpu.memory_space<vmem>>
      %dma_wait3A_1654 = arith.constant 0 : i32
      %dma_wait3A_1655 = arith.constant 0 : i32
      %dma_wait3A_1656 = tpu.memref_slice %arg2[%dma_wait3A_1654, %dma_wait3A_1655] : memref<16384x200xi32, #tpu.memory_space<hbm>> -> memref<4x200xi32, #tpu.memory_space<hbm>>
      %dma_wait3A_1657 = arith.constant 0 : i32
      %dma_wait3A_1658 = arith.constant 0 : i32
      %dma_wait3A_1659 = tpu.memref_slice %arg5[%dma_wait3A_1649, %dma_wait3A_1657, %dma_wait3A_1658] : memref<2x4x200xi32, #tpu.memory_space<vmem>> -> memref<1x4x200xi32, #tpu.memory_space<vmem>>
      %dma_wait3A_1660 = tpu.memref_squeeze %dma_wait3A_1659 : memref<1x4x200xi32, #tpu.memory_space<vmem>> -> memref<4x200xi32, #tpu.memory_space<vmem>>
      %dma_wait3A_1661 = arith.constant 0 : i32
      %dma_wait3A_1662 = arith.constant 0 : i32
      %dma_wait3A_1663 = tpu.memref_slice %arg2[%dma_wait3A_1661, %dma_wait3A_1662] : memref<16384x200xi32, #tpu.memory_space<hbm>> -> memref<4x200xi32, #tpu.memory_space<hbm>>
      tpu.wait_dma2 semaphore(%arg8 : memref<!tpu.dma_semaphore, #tpu.memory_space<semaphore_mem>>) src(%dma_wait3A_1663 : memref<4x200xi32, #tpu.memory_space<hbm>>) dst(%dma_wait3A_1660 : memref<4x200xi32, #tpu.memory_space<vmem>>)
      %dma_wait3A_1664 = arith.constant 1 : i32
      %dma_wait3A_1665 = arith.constant 0 : i32
      %dma_wait3A_1666 = arith.constant 0 : i32
      %dma_wait3A_1667 = arith.constant 0 : i32
      %dma_wait3A_1668 = arith.constant 0 : i32
      %dma_wait3A_1669 = tpu.memref_slice %arg6[%dma_wait3A_1664, %dma_wait3A_1665, %dma_wait3A_1667, %dma_wait3A_1668] : memref<2x4x200x64xf32, #tpu.memory_space<vmem>> -> memref<1x1x200x64xf32, #tpu.memory_space<vmem>>
      %dma_wait3A_1670 = tpu.memref_squeeze %dma_wait3A_1669 : memref<1x1x200x64xf32, #tpu.memory_space<vmem>> -> memref<200x64xf32, #tpu.memory_space<vmem>>
      %dma_wait3A_1671 = arith.constant 0 : i32
      %dma_wait3A_1672 = arith.constant 0 : i32
      %dma_wait3A_1673 = tpu.memref_slice %arg4[%dma_wait3A_1666, %dma_wait3A_1671, %dma_wait3A_1672] : memref<16384x200x128xf32, #tpu.memory_space<hbm>> -> memref<1x200x64xf32, #tpu.memory_space<hbm>>
      %dma_wait3A_1674 = tpu.memref_squeeze %dma_wait3A_1673 : memref<1x200x64xf32, #tpu.memory_space<hbm>> -> memref<200x64xf32, #tpu.memory_space<hbm>>
      %dma_wait3A_1675 = arith.constant 0 : i32
      %dma_wait3A_1676 = arith.constant 0 : i32
      %dma_wait3A_1677 = tpu.memref_slice %arg4[%dma_wait3A_1666, %dma_wait3A_1675, %dma_wait3A_1676] : memref<16384x200x128xf32, #tpu.memory_space<hbm>> -> memref<1x200x64xf32, #tpu.memory_space<hbm>>
      %dma_wait3A_1678 = tpu.memref_squeeze %dma_wait3A_1677 : memref<1x200x64xf32, #tpu.memory_space<hbm>> -> memref<200x64xf32, #tpu.memory_space<hbm>>
      %dma_wait3A_1679 = arith.constant 0 : i32
      %dma_wait3A_1680 = arith.constant 0 : i32
      %dma_wait3A_1681 = tpu.memref_slice %arg6[%dma_wait3A_1664, %dma_wait3A_1665, %dma_wait3A_1679, %dma_wait3A_1680] : memref<2x4x200x64xf32, #tpu.memory_space<vmem>> -> memref<1x1x200x64xf32, #tpu.memory_space<vmem>>
      %dma_wait3A_1682 = tpu.memref_squeeze %dma_wait3A_1681 : memref<1x1x200x64xf32, #tpu.memory_space<vmem>> -> memref<200x64xf32, #tpu.memory_space<vmem>>
      tpu.wait_dma2 semaphore(%arg12 : memref<!tpu.dma_semaphore, #tpu.memory_space<semaphore_mem>>) src(%dma_wait3A_1682 : memref<200x64xf32, #tpu.memory_space<vmem>>) dst(%dma_wait3A_1678 : memref<200x64xf32, #tpu.memory_space<hbm>>)
      %dma_wait3A_1683 = arith.constant 1 : i32
      %dma_wait3A_1684 = arith.constant 1 : i32
      %dma_wait3A_1685 = arith.constant 0 : i32
      %dma_wait3A_1686 = arith.constant 0 : i32
      %dma_wait3A_1687 = arith.constant 0 : i32
      %dma_wait3A_1688 = tpu.memref_slice %arg6[%dma_wait3A_1683, %dma_wait3A_1684, %dma_wait3A_1686, %dma_wait3A_1687] : memref<2x4x200x64xf32, #tpu.memory_space<vmem>> -> memref<1x1x200x64xf32, #tpu.memory_space<vmem>>
      %dma_wait3A_1689 = tpu.memref_squeeze %dma_wait3A_1688 : memref<1x1x200x64xf32, #tpu.memory_space<vmem>> -> memref<200x64xf32, #tpu.memory_space<vmem>>
      %dma_wait3A_1690 = arith.constant 0 : i32
      %dma_wait3A_1691 = arith.constant 0 : i32
      %dma_wait3A_1692 = tpu.memref_slice %arg4[%dma_wait3A_1685, %dma_wait3A_1690, %dma_wait3A_1691] : memref<16384x200x128xf32, #tpu.memory_space<hbm>> -> memref<1x200x64xf32, #tpu.memory_space<hbm>>
      %dma_wait3A_1693 = tpu.memref_squeeze %dma_wait3A_1692 : memref<1x200x64xf32, #tpu.memory_space<hbm>> -> memref<200x64xf32, #tpu.memory_space<hbm>>
      %dma_wait3A_1694 = arith.constant 0 : i32
      %dma_wait3A_1695 = arith.constant 0 : i32
      %dma_wait3A_1696 = tpu.memref_slice %arg4[%dma_wait3A_1685, %dma_wait3A_1694, %dma_wait3A_1695] : memref<16384x200x128xf32, #tpu.memory_space<hbm>> -> memref<1x200x64xf32, #tpu.memory_space<hbm>>
      %dma_wait3A_1697 = tpu.memref_squeeze %dma_wait3A_1696 : memref<1x200x64xf32, #tpu.memory_space<hbm>> -> memref<200x64xf32, #tpu.memory_space<hbm>>
      %dma_wait3A_1698 = arith.constant 0 : i32
      %dma_wait3A_1699 = arith.constant 0 : i32
      %dma_wait3A_1700 = tpu.memref_slice %arg6[%dma_wait3A_1683, %dma_wait3A_1684, %dma_wait3A_1698, %dma_wait3A_1699] : memref<2x4x200x64xf32, #tpu.memory_space<vmem>> -> memref<1x1x200x64xf32, #tpu.memory_space<vmem>>
      %dma_wait3A_1701 = tpu.memref_squeeze %dma_wait3A_1700 : memref<1x1x200x64xf32, #tpu.memory_space<vmem>> -> memref<200x64xf32, #tpu.memory_space<vmem>>
      tpu.wait_dma2 semaphore(%arg12 : memref<!tpu.dma_semaphore, #tpu.memory_space<semaphore_mem>>) src(%dma_wait3A_1701 : memref<200x64xf32, #tpu.memory_space<vmem>>) dst(%dma_wait3A_1697 : memref<200x64xf32, #tpu.memory_space<hbm>>)
      %dma_wait3A_1702 = arith.constant 1 : i32
      %dma_wait3A_1703 = arith.constant 2 : i32
      %dma_wait3A_1704 = arith.constant 0 : i32
      %dma_wait3A_1705 = arith.constant 0 : i32
      %dma_wait3A_1706 = arith.constant 0 : i32
      %dma_wait3A_1707 = tpu.memref_slice %arg6[%dma_wait3A_1702, %dma_wait3A_1703, %dma_wait3A_1705, %dma_wait3A_1706] : memref<2x4x200x64xf32, #tpu.memory_space<vmem>> -> memref<1x1x200x64xf32, #tpu.memory_space<vmem>>
      %dma_wait3A_1708 = tpu.memref_squeeze %dma_wait3A_1707 : memref<1x1x200x64xf32, #tpu.memory_space<vmem>> -> memref<200x64xf32, #tpu.memory_space<vmem>>
      %dma_wait3A_1709 = arith.constant 0 : i32
      %dma_wait3A_1710 = arith.constant 0 : i32
      %dma_wait3A_1711 = tpu.memref_slice %arg4[%dma_wait3A_1704, %dma_wait3A_1709, %dma_wait3A_1710] : memref<16384x200x128xf32, #tpu.memory_space<hbm>> -> memref<1x200x64xf32, #tpu.memory_space<hbm>>
      %dma_wait3A_1712 = tpu.memref_squeeze %dma_wait3A_1711 : memref<1x200x64xf32, #tpu.memory_space<hbm>> -> memref<200x64xf32, #tpu.memory_space<hbm>>
      %dma_wait3A_1713 = arith.constant 0 : i32
      %dma_wait3A_1714 = arith.constant 0 : i32
      %dma_wait3A_1715 = tpu.memref_slice %arg4[%dma_wait3A_1704, %dma_wait3A_1713, %dma_wait3A_1714] : memref<16384x200x128xf32, #tpu.memory_space<hbm>> -> memref<1x200x64xf32, #tpu.memory_space<hbm>>
      %dma_wait3A_1716 = tpu.memref_squeeze %dma_wait3A_1715 : memref<1x200x64xf32, #tpu.memory_space<hbm>> -> memref<200x64xf32, #tpu.memory_space<hbm>>
      %dma_wait3A_1717 = arith.constant 0 : i32
      %dma_wait3A_1718 = arith.constant 0 : i32
      %dma_wait3A_1719 = tpu.memref_slice %arg6[%dma_wait3A_1702, %dma_wait3A_1703, %dma_wait3A_1717, %dma_wait3A_1718] : memref<2x4x200x64xf32, #tpu.memory_space<vmem>> -> memref<1x1x200x64xf32, #tpu.memory_space<vmem>>
      %dma_wait3A_1720 = tpu.memref_squeeze %dma_wait3A_1719 : memref<1x1x200x64xf32, #tpu.memory_space<vmem>> -> memref<200x64xf32, #tpu.memory_space<vmem>>
      tpu.wait_dma2 semaphore(%arg12 : memref<!tpu.dma_semaphore, #tpu.memory_space<semaphore_mem>>) src(%dma_wait3A_1720 : memref<200x64xf32, #tpu.memory_space<vmem>>) dst(%dma_wait3A_1716 : memref<200x64xf32, #tpu.memory_space<hbm>>)
      %dma_wait3A_1721 = arith.constant 1 : i32
      %dma_wait3A_1722 = arith.constant 3 : i32
      %dma_wait3A_1723 = arith.constant 0 : i32
      %dma_wait3A_1724 = arith.constant 0 : i32
      %dma_wait3A_1725 = arith.constant 0 : i32
      %dma_wait3A_1726 = tpu.memref_slice %arg6[%dma_wait3A_1721, %dma_wait3A_1722, %dma_wait3A_1724, %dma_wait3A_1725] : memref<2x4x200x64xf32, #tpu.memory_space<vmem>> -> memref<1x1x200x64xf32, #tpu.memory_space<vmem>>
      %dma_wait3A_1727 = tpu.memref_squeeze %dma_wait3A_1726 : memref<1x1x200x64xf32, #tpu.memory_space<vmem>> -> memref<200x64xf32, #tpu.memory_space<vmem>>
      %dma_wait3A_1728 = arith.constant 0 : i32
      %dma_wait3A_1729 = arith.constant 0 : i32
      %dma_wait3A_1730 = tpu.memref_slice %arg4[%dma_wait3A_1723, %dma_wait3A_1728, %dma_wait3A_1729] : memref<16384x200x128xf32, #tpu.memory_space<hbm>> -> memref<1x200x64xf32, #tpu.memory_space<hbm>>
      %dma_wait3A_1731 = tpu.memref_squeeze %dma_wait3A_1730 : memref<1x200x64xf32, #tpu.memory_space<hbm>> -> memref<200x64xf32, #tpu.memory_space<hbm>>
      %dma_wait3A_1732 = arith.constant 0 : i32
      %dma_wait3A_1733 = arith.constant 0 : i32
      %dma_wait3A_1734 = tpu.memref_slice %arg4[%dma_wait3A_1723, %dma_wait3A_1732, %dma_wait3A_1733] : memref<16384x200x128xf32, #tpu.memory_space<hbm>> -> memref<1x200x64xf32, #tpu.memory_space<hbm>>
      %dma_wait3A_1735 = tpu.memref_squeeze %dma_wait3A_1734 : memref<1x200x64xf32, #tpu.memory_space<hbm>> -> memref<200x64xf32, #tpu.memory_space<hbm>>
      %dma_wait3A_1736 = arith.constant 0 : i32
      %dma_wait3A_1737 = arith.constant 0 : i32
      %dma_wait3A_1738 = tpu.memref_slice %arg6[%dma_wait3A_1721, %dma_wait3A_1722, %dma_wait3A_1736, %dma_wait3A_1737] : memref<2x4x200x64xf32, #tpu.memory_space<vmem>> -> memref<1x1x200x64xf32, #tpu.memory_space<vmem>>
      %dma_wait3A_1739 = tpu.memref_squeeze %dma_wait3A_1738 : memref<1x1x200x64xf32, #tpu.memory_space<vmem>> -> memref<200x64xf32, #tpu.memory_space<vmem>>
      tpu.wait_dma2 semaphore(%arg12 : memref<!tpu.dma_semaphore, #tpu.memory_space<semaphore_mem>>) src(%dma_wait3A_1739 : memref<200x64xf32, #tpu.memory_space<vmem>>) dst(%dma_wait3A_1735 : memref<200x64xf32, #tpu.memory_space<hbm>>)
      %dma_start3A_1740 = arith.constant 1 : i32
      %dma_start3A_1741 = arith.constant 0 : i32
      %dma_start3A_1742 = arith.constant 1 : i32
      %dma_start3A_1743 = arith.constant 0 : i32
      %dma_start3A_1744 = arith.constant 0 : i32
      %dma_start3A_1745 = arith.constant 0 : i32
      %dma_start3A_1746 = tpu.memref_slice %arg6[%dma_start3A_1742, %dma_start3A_1743, %dma_start3A_1744, %dma_start3A_1745] : memref<2x4x200x64xf32, #tpu.memory_space<vmem>> -> memref<1x1x200x64xf32, #tpu.memory_space<vmem>>
      %dma_start3A_1747 = tpu.memref_squeeze %dma_start3A_1746 : memref<1x1x200x64xf32, #tpu.memory_space<vmem>> -> memref<200x64xf32, #tpu.memory_space<vmem>>
      %dma_start3A_1748 = arith.constant 0 : i32
      %dma_start3A_1749 = tpu.memref_slice %arg5[%dma_start3A_1740, %dma_start3A_1741, %dma_start3A_1748] : memref<2x4x200xi32, #tpu.memory_space<vmem>> -> memref<1x1x200xi32, #tpu.memory_space<vmem>>
      %dma_start3A_1750 = tpu.memref_squeeze %dma_start3A_1749 : memref<1x1x200xi32, #tpu.memory_space<vmem>> -> memref<200xi32, #tpu.memory_space<vmem>>
      %dma_start3A_1751 = arith.constant 0 : i32
      %dma_start3A_1752 = arith.constant 0 : i32
      %dma_start3A_1753 = tpu.memref_slice %arg3[%dma_start3A_1751, %dma_start3A_1752] : memref<1000000x64xf32, #tpu.memory_space<hbm>> -> memref<1000000x64xf32, #tpu.memory_space<hbm>>
      tpu.enqueue_indirect_dma source(%dma_start3A_1753 : memref<1000000x64xf32, #tpu.memory_space<hbm>>) target(%dma_start3A_1747 : memref<200x64xf32, #tpu.memory_space<vmem>>) offsets(%dma_start3A_1750 : memref<200xi32, #tpu.memory_space<vmem>>) semaphore(%arg10 : memref<!tpu.dma_semaphore, #tpu.memory_space<semaphore_mem>>)
      %dma_start3A_1754 = arith.constant 1 : i32
      %dma_start3A_1755 = arith.constant 1 : i32
      %dma_start3A_1756 = arith.constant 1 : i32
      %dma_start3A_1757 = arith.constant 1 : i32
      %dma_start3A_1758 = arith.constant 0 : i32
      %dma_start3A_1759 = arith.constant 0 : i32
      %dma_start3A_1760 = tpu.memref_slice %arg6[%dma_start3A_1756, %dma_start3A_1757, %dma_start3A_1758, %dma_start3A_1759] : memref<2x4x200x64xf32, #tpu.memory_space<vmem>> -> memref<1x1x200x64xf32, #tpu.memory_space<vmem>>
      %dma_start3A_1761 = tpu.memref_squeeze %dma_start3A_1760 : memref<1x1x200x64xf32, #tpu.memory_space<vmem>> -> memref<200x64xf32, #tpu.memory_space<vmem>>
      %dma_start3A_1762 = arith.constant 0 : i32
      %dma_start3A_1763 = tpu.memref_slice %arg5[%dma_start3A_1754, %dma_start3A_1755, %dma_start3A_1762] : memref<2x4x200xi32, #tpu.memory_space<vmem>> -> memref<1x1x200xi32, #tpu.memory_space<vmem>>
      %dma_start3A_1764 = tpu.memref_squeeze %dma_start3A_1763 : memref<1x1x200xi32, #tpu.memory_space<vmem>> -> memref<200xi32, #tpu.memory_space<vmem>>
      %dma_start3A_1765 = arith.constant 0 : i32
      %dma_start3A_1766 = arith.constant 0 : i32
      %dma_start3A_1767 = tpu.memref_slice %arg3[%dma_start3A_1765, %dma_start3A_1766] : memref<1000000x64xf32, #tpu.memory_space<hbm>> -> memref<1000000x64xf32, #tpu.memory_space<hbm>>
      tpu.enqueue_indirect_dma source(%dma_start3A_1767 : memref<1000000x64xf32, #tpu.memory_space<hbm>>) target(%dma_start3A_1761 : memref<200x64xf32, #tpu.memory_space<vmem>>) offsets(%dma_start3A_1764 : memref<200xi32, #tpu.memory_space<vmem>>) semaphore(%arg10 : memref<!tpu.dma_semaphore, #tpu.memory_space<semaphore_mem>>)
      %dma_start3A_1768 = arith.constant 1 : i32
      %dma_start3A_1769 = arith.constant 2 : i32
      %dma_start3A_1770 = arith.constant 1 : i32
      %dma_start3A_1771 = arith.constant 2 : i32
      %dma_start3A_1772 = arith.constant 0 : i32
      %dma_start3A_1773 = arith.constant 0 : i32
      %dma_start3A_1774 = tpu.memref_slice %arg6[%dma_start3A_1770, %dma_start3A_1771, %dma_start3A_1772, %dma_start3A_1773] : memref<2x4x200x64xf32, #tpu.memory_space<vmem>> -> memref<1x1x200x64xf32, #tpu.memory_space<vmem>>
      %dma_start3A_1775 = tpu.memref_squeeze %dma_start3A_1774 : memref<1x1x200x64xf32, #tpu.memory_space<vmem>> -> memref<200x64xf32, #tpu.memory_space<vmem>>
      %dma_start3A_1776 = arith.constant 0 : i32
      %dma_start3A_1777 = tpu.memref_slice %arg5[%dma_start3A_1768, %dma_start3A_1769, %dma_start3A_1776] : memref<2x4x200xi32, #tpu.memory_space<vmem>> -> memref<1x1x200xi32, #tpu.memory_space<vmem>>
      %dma_start3A_1778 = tpu.memref_squeeze %dma_start3A_1777 : memref<1x1x200xi32, #tpu.memory_space<vmem>> -> memref<200xi32, #tpu.memory_space<vmem>>
      %dma_start3A_1779 = arith.constant 0 : i32
      %dma_start3A_1780 = arith.constant 0 : i32
      %dma_start3A_1781 = tpu.memref_slice %arg3[%dma_start3A_1779, %dma_start3A_1780] : memref<1000000x64xf32, #tpu.memory_space<hbm>> -> memref<1000000x64xf32, #tpu.memory_space<hbm>>
      tpu.enqueue_indirect_dma source(%dma_start3A_1781 : memref<1000000x64xf32, #tpu.memory_space<hbm>>) target(%dma_start3A_1775 : memref<200x64xf32, #tpu.memory_space<vmem>>) offsets(%dma_start3A_1778 : memref<200xi32, #tpu.memory_space<vmem>>) semaphore(%arg10 : memref<!tpu.dma_semaphore, #tpu.memory_space<semaphore_mem>>)
      %dma_start3A_1782 = arith.constant 1 : i32
      %dma_start3A_1783 = arith.constant 3 : i32
      %dma_start3A_1784 = arith.constant 1 : i32
      %dma_start3A_1785 = arith.constant 3 : i32
      %dma_start3A_1786 = arith.constant 0 : i32
      %dma_start3A_1787 = arith.constant 0 : i32
      %dma_start3A_1788 = tpu.memref_slice %arg6[%dma_start3A_1784, %dma_start3A_1785, %dma_start3A_1786, %dma_start3A_1787] : memref<2x4x200x64xf32, #tpu.memory_space<vmem>> -> memref<1x1x200x64xf32, #tpu.memory_space<vmem>>
      %dma_start3A_1789 = tpu.memref_squeeze %dma_start3A_1788 : memref<1x1x200x64xf32, #tpu.memory_space<vmem>> -> memref<200x64xf32, #tpu.memory_space<vmem>>
      %dma_start3A_1790 = arith.constant 0 : i32
      %dma_start3A_1791 = tpu.memref_slice %arg5[%dma_start3A_1782, %dma_start3A_1783, %dma_start3A_1790] : memref<2x4x200xi32, #tpu.memory_space<vmem>> -> memref<1x1x200xi32, #tpu.memory_space<vmem>>
      %dma_start3A_1792 = tpu.memref_squeeze %dma_start3A_1791 : memref<1x1x200xi32, #tpu.memory_space<vmem>> -> memref<200xi32, #tpu.memory_space<vmem>>
      %dma_start3A_1793 = arith.constant 0 : i32
      %dma_start3A_1794 = arith.constant 0 : i32
      %dma_start3A_1795 = tpu.memref_slice %arg3[%dma_start3A_1793, %dma_start3A_1794] : memref<1000000x64xf32, #tpu.memory_space<hbm>> -> memref<1000000x64xf32, #tpu.memory_space<hbm>>
      tpu.enqueue_indirect_dma source(%dma_start3A_1795 : memref<1000000x64xf32, #tpu.memory_space<hbm>>) target(%dma_start3A_1789 : memref<200x64xf32, #tpu.memory_space<vmem>>) offsets(%dma_start3A_1792 : memref<200xi32, #tpu.memory_space<vmem>>) semaphore(%arg10 : memref<!tpu.dma_semaphore, #tpu.memory_space<semaphore_mem>>)
      %add3A_1796 = arith.constant 1 : i32
      %add3A_1797 = arith.addi %add3A_1648, %add3A_1796 : i32
      %mul3A_1798 = arith.constant 4 : i32
      %mul3A_1799 = arith.muli %add3A_1797, %mul3A_1798 : i32
      %add3A_1800 = arith.addi %mul3A_2, %mul3A_1799 : i32
      %dma_start3A_1801 = arith.constant 0 : i32
      %dma_start3A_1802 = arith.constant 0 : i32
      %dma_start3A_1803 = arith.constant 0 : i32
      %dma_start3A_1804 = tpu.memref_slice %arg5[%dma_start3A_1801, %dma_start3A_1802, %dma_start3A_1803] : memref<2x4x200xi32, #tpu.memory_space<vmem>> -> memref<1x4x200xi32, #tpu.memory_space<vmem>>
      %dma_start3A_1805 = tpu.memref_squeeze %dma_start3A_1804 : memref<1x4x200xi32, #tpu.memory_space<vmem>> -> memref<4x200xi32, #tpu.memory_space<vmem>>
      %dma_start3A_1806 = arith.constant 0 : i32
      %dma_start3A_1807 = tpu.memref_slice %arg2[%add3A_1800, %dma_start3A_1806] : memref<16384x200xi32, #tpu.memory_space<hbm>> -> memref<4x200xi32, #tpu.memory_space<hbm>>
      %dma_start3A_1808 = arith.constant 0 : i32
      %dma_start3A_1809 = arith.constant 0 : i32
      %dma_start3A_1810 = tpu.memref_slice %arg5[%dma_start3A_1801, %dma_start3A_1808, %dma_start3A_1809] : memref<2x4x200xi32, #tpu.memory_space<vmem>> -> memref<1x4x200xi32, #tpu.memory_space<vmem>>
      %dma_start3A_1811 = tpu.memref_squeeze %dma_start3A_1810 : memref<1x4x200xi32, #tpu.memory_space<vmem>> -> memref<4x200xi32, #tpu.memory_space<vmem>>
      %dma_start3A_1812 = arith.constant 0 : i32
      %dma_start3A_1813 = tpu.memref_slice %arg2[%add3A_1800, %dma_start3A_1812] : memref<16384x200xi32, #tpu.memory_space<hbm>> -> memref<4x200xi32, #tpu.memory_space<hbm>>
      tpu.enqueue_dma source(%dma_start3A_1813 : memref<4x200xi32, #tpu.memory_space<hbm>>) target(%dma_start3A_1811 : memref<4x200xi32, #tpu.memory_space<vmem>>) target_semaphore(%arg7 : memref<!tpu.dma_semaphore, #tpu.memory_space<semaphore_mem>>)
      %dma_wait3A_1814 = arith.constant 0 : i32
      %dma_wait3A_1815 = arith.constant 1 : i32
      %dma_wait3A_1816 = arith.constant 0 : i32
      %dma_wait3A_1817 = arith.constant 0 : i32
      %dma_wait3A_1818 = arith.constant 0 : i32
      %dma_wait3A_1819 = tpu.memref_slice %arg6[%dma_wait3A_1815, %dma_wait3A_1816, %dma_wait3A_1817, %dma_wait3A_1818] : memref<2x4x200x64xf32, #tpu.memory_space<vmem>> -> memref<1x1x200x64xf32, #tpu.memory_space<vmem>>
      %dma_wait3A_1820 = tpu.memref_squeeze %dma_wait3A_1819 : memref<1x1x200x64xf32, #tpu.memory_space<vmem>> -> memref<200x64xf32, #tpu.memory_space<vmem>>
      %dma_wait3A_1821 = arith.constant 0 : i32
      %dma_wait3A_1822 = arith.constant 0 : i32
      %dma_wait3A_1823 = tpu.memref_slice %arg4[%dma_wait3A_1814, %dma_wait3A_1821, %dma_wait3A_1822] : memref<16384x200x128xf32, #tpu.memory_space<hbm>> -> memref<1x200x64xf32, #tpu.memory_space<hbm>>
      %dma_wait3A_1824 = tpu.memref_squeeze %dma_wait3A_1823 : memref<1x200x64xf32, #tpu.memory_space<hbm>> -> memref<200x64xf32, #tpu.memory_space<hbm>>
      %dma_wait3A_1825 = arith.constant 0 : i32
      %dma_wait3A_1826 = arith.constant 0 : i32
      %dma_wait3A_1827 = tpu.memref_slice %arg6[%dma_wait3A_1815, %dma_wait3A_1816, %dma_wait3A_1825, %dma_wait3A_1826] : memref<2x4x200x64xf32, #tpu.memory_space<vmem>> -> memref<1x1x200x64xf32, #tpu.memory_space<vmem>>
      %dma_wait3A_1828 = tpu.memref_squeeze %dma_wait3A_1827 : memref<1x1x200x64xf32, #tpu.memory_space<vmem>> -> memref<200x64xf32, #tpu.memory_space<vmem>>
      %dma_wait3A_1829 = arith.constant 0 : i32
      %dma_wait3A_1830 = arith.constant 0 : i32
      %dma_wait3A_1831 = tpu.memref_slice %arg4[%dma_wait3A_1814, %dma_wait3A_1829, %dma_wait3A_1830] : memref<16384x200x128xf32, #tpu.memory_space<hbm>> -> memref<1x200x64xf32, #tpu.memory_space<hbm>>
      %dma_wait3A_1832 = tpu.memref_squeeze %dma_wait3A_1831 : memref<1x200x64xf32, #tpu.memory_space<hbm>> -> memref<200x64xf32, #tpu.memory_space<hbm>>
      tpu.wait_dma2 semaphore(%arg10 : memref<!tpu.dma_semaphore, #tpu.memory_space<semaphore_mem>>) src(%dma_wait3A_1832 : memref<200x64xf32, #tpu.memory_space<hbm>>) dst(%dma_wait3A_1828 : memref<200x64xf32, #tpu.memory_space<vmem>>)
      %dma_wait3A_1833 = arith.constant 0 : i32
      %dma_wait3A_1834 = arith.constant 1 : i32
      %dma_wait3A_1835 = arith.constant 1 : i32
      %dma_wait3A_1836 = arith.constant 0 : i32
      %dma_wait3A_1837 = arith.constant 0 : i32
      %dma_wait3A_1838 = tpu.memref_slice %arg6[%dma_wait3A_1834, %dma_wait3A_1835, %dma_wait3A_1836, %dma_wait3A_1837] : memref<2x4x200x64xf32, #tpu.memory_space<vmem>> -> memref<1x1x200x64xf32, #tpu.memory_space<vmem>>
      %dma_wait3A_1839 = tpu.memref_squeeze %dma_wait3A_1838 : memref<1x1x200x64xf32, #tpu.memory_space<vmem>> -> memref<200x64xf32, #tpu.memory_space<vmem>>
      %dma_wait3A_1840 = arith.constant 0 : i32
      %dma_wait3A_1841 = arith.constant 0 : i32
      %dma_wait3A_1842 = tpu.memref_slice %arg4[%dma_wait3A_1833, %dma_wait3A_1840, %dma_wait3A_1841] : memref<16384x200x128xf32, #tpu.memory_space<hbm>> -> memref<1x200x64xf32, #tpu.memory_space<hbm>>
      %dma_wait3A_1843 = tpu.memref_squeeze %dma_wait3A_1842 : memref<1x200x64xf32, #tpu.memory_space<hbm>> -> memref<200x64xf32, #tpu.memory_space<hbm>>
      %dma_wait3A_1844 = arith.constant 0 : i32
      %dma_wait3A_1845 = arith.constant 0 : i32
      %dma_wait3A_1846 = tpu.memref_slice %arg6[%dma_wait3A_1834, %dma_wait3A_1835, %dma_wait3A_1844, %dma_wait3A_1845] : memref<2x4x200x64xf32, #tpu.memory_space<vmem>> -> memref<1x1x200x64xf32, #tpu.memory_space<vmem>>
      %dma_wait3A_1847 = tpu.memref_squeeze %dma_wait3A_1846 : memref<1x1x200x64xf32, #tpu.memory_space<vmem>> -> memref<200x64xf32, #tpu.memory_space<vmem>>
      %dma_wait3A_1848 = arith.constant 0 : i32
      %dma_wait3A_1849 = arith.constant 0 : i32
      %dma_wait3A_1850 = tpu.memref_slice %arg4[%dma_wait3A_1833, %dma_wait3A_1848, %dma_wait3A_1849] : memref<16384x200x128xf32, #tpu.memory_space<hbm>> -> memref<1x200x64xf32, #tpu.memory_space<hbm>>
      %dma_wait3A_1851 = tpu.memref_squeeze %dma_wait3A_1850 : memref<1x200x64xf32, #tpu.memory_space<hbm>> -> memref<200x64xf32, #tpu.memory_space<hbm>>
      tpu.wait_dma2 semaphore(%arg10 : memref<!tpu.dma_semaphore, #tpu.memory_space<semaphore_mem>>) src(%dma_wait3A_1851 : memref<200x64xf32, #tpu.memory_space<hbm>>) dst(%dma_wait3A_1847 : memref<200x64xf32, #tpu.memory_space<vmem>>)
      %dma_wait3A_1852 = arith.constant 0 : i32
      %dma_wait3A_1853 = arith.constant 1 : i32
      %dma_wait3A_1854 = arith.constant 2 : i32
      %dma_wait3A_1855 = arith.constant 0 : i32
      %dma_wait3A_1856 = arith.constant 0 : i32
      %dma_wait3A_1857 = tpu.memref_slice %arg6[%dma_wait3A_1853, %dma_wait3A_1854, %dma_wait3A_1855, %dma_wait3A_1856] : memref<2x4x200x64xf32, #tpu.memory_space<vmem>> -> memref<1x1x200x64xf32, #tpu.memory_space<vmem>>
      %dma_wait3A_1858 = tpu.memref_squeeze %dma_wait3A_1857 : memref<1x1x200x64xf32, #tpu.memory_space<vmem>> -> memref<200x64xf32, #tpu.memory_space<vmem>>
      %dma_wait3A_1859 = arith.constant 0 : i32
      %dma_wait3A_1860 = arith.constant 0 : i32
      %dma_wait3A_1861 = tpu.memref_slice %arg4[%dma_wait3A_1852, %dma_wait3A_1859, %dma_wait3A_1860] : memref<16384x200x128xf32, #tpu.memory_space<hbm>> -> memref<1x200x64xf32, #tpu.memory_space<hbm>>
      %dma_wait3A_1862 = tpu.memref_squeeze %dma_wait3A_1861 : memref<1x200x64xf32, #tpu.memory_space<hbm>> -> memref<200x64xf32, #tpu.memory_space<hbm>>
      %dma_wait3A_1863 = arith.constant 0 : i32
      %dma_wait3A_1864 = arith.constant 0 : i32
      %dma_wait3A_1865 = tpu.memref_slice %arg6[%dma_wait3A_1853, %dma_wait3A_1854, %dma_wait3A_1863, %dma_wait3A_1864] : memref<2x4x200x64xf32, #tpu.memory_space<vmem>> -> memref<1x1x200x64xf32, #tpu.memory_space<vmem>>
      %dma_wait3A_1866 = tpu.memref_squeeze %dma_wait3A_1865 : memref<1x1x200x64xf32, #tpu.memory_space<vmem>> -> memref<200x64xf32, #tpu.memory_space<vmem>>
      %dma_wait3A_1867 = arith.constant 0 : i32
      %dma_wait3A_1868 = arith.constant 0 : i32
      %dma_wait3A_1869 = tpu.memref_slice %arg4[%dma_wait3A_1852, %dma_wait3A_1867, %dma_wait3A_1868] : memref<16384x200x128xf32, #tpu.memory_space<hbm>> -> memref<1x200x64xf32, #tpu.memory_space<hbm>>
      %dma_wait3A_1870 = tpu.memref_squeeze %dma_wait3A_1869 : memref<1x200x64xf32, #tpu.memory_space<hbm>> -> memref<200x64xf32, #tpu.memory_space<hbm>>
      tpu.wait_dma2 semaphore(%arg10 : memref<!tpu.dma_semaphore, #tpu.memory_space<semaphore_mem>>) src(%dma_wait3A_1870 : memref<200x64xf32, #tpu.memory_space<hbm>>) dst(%dma_wait3A_1866 : memref<200x64xf32, #tpu.memory_space<vmem>>)
      %dma_wait3A_1871 = arith.constant 0 : i32
      %dma_wait3A_1872 = arith.constant 1 : i32
      %dma_wait3A_1873 = arith.constant 3 : i32
      %dma_wait3A_1874 = arith.constant 0 : i32
      %dma_wait3A_1875 = arith.constant 0 : i32
      %dma_wait3A_1876 = tpu.memref_slice %arg6[%dma_wait3A_1872, %dma_wait3A_1873, %dma_wait3A_1874, %dma_wait3A_1875] : memref<2x4x200x64xf32, #tpu.memory_space<vmem>> -> memref<1x1x200x64xf32, #tpu.memory_space<vmem>>
      %dma_wait3A_1877 = tpu.memref_squeeze %dma_wait3A_1876 : memref<1x1x200x64xf32, #tpu.memory_space<vmem>> -> memref<200x64xf32, #tpu.memory_space<vmem>>
      %dma_wait3A_1878 = arith.constant 0 : i32
      %dma_wait3A_1879 = arith.constant 0 : i32
      %dma_wait3A_1880 = tpu.memref_slice %arg4[%dma_wait3A_1871, %dma_wait3A_1878, %dma_wait3A_1879] : memref<16384x200x128xf32, #tpu.memory_space<hbm>> -> memref<1x200x64xf32, #tpu.memory_space<hbm>>
      %dma_wait3A_1881 = tpu.memref_squeeze %dma_wait3A_1880 : memref<1x200x64xf32, #tpu.memory_space<hbm>> -> memref<200x64xf32, #tpu.memory_space<hbm>>
      %dma_wait3A_1882 = arith.constant 0 : i32
      %dma_wait3A_1883 = arith.constant 0 : i32
      %dma_wait3A_1884 = tpu.memref_slice %arg6[%dma_wait3A_1872, %dma_wait3A_1873, %dma_wait3A_1882, %dma_wait3A_1883] : memref<2x4x200x64xf32, #tpu.memory_space<vmem>> -> memref<1x1x200x64xf32, #tpu.memory_space<vmem>>
      %dma_wait3A_1885 = tpu.memref_squeeze %dma_wait3A_1884 : memref<1x1x200x64xf32, #tpu.memory_space<vmem>> -> memref<200x64xf32, #tpu.memory_space<vmem>>
      %dma_wait3A_1886 = arith.constant 0 : i32
      %dma_wait3A_1887 = arith.constant 0 : i32
      %dma_wait3A_1888 = tpu.memref_slice %arg4[%dma_wait3A_1871, %dma_wait3A_1886, %dma_wait3A_1887] : memref<16384x200x128xf32, #tpu.memory_space<hbm>> -> memref<1x200x64xf32, #tpu.memory_space<hbm>>
      %dma_wait3A_1889 = tpu.memref_squeeze %dma_wait3A_1888 : memref<1x200x64xf32, #tpu.memory_space<hbm>> -> memref<200x64xf32, #tpu.memory_space<hbm>>
      tpu.wait_dma2 semaphore(%arg10 : memref<!tpu.dma_semaphore, #tpu.memory_space<semaphore_mem>>) src(%dma_wait3A_1889 : memref<200x64xf32, #tpu.memory_space<hbm>>) dst(%dma_wait3A_1885 : memref<200x64xf32, #tpu.memory_space<vmem>>)
      %mul3A_1890 = arith.constant 4 : i32
      %mul3A_1891 = arith.muli %add3A_1648, %mul3A_1890 : i32
      %add3A_1892 = arith.addi %mul3A_2, %mul3A_1891 : i32
      %add3A_1893 = arith.constant 0 : i32
      %add3A_1894 = arith.addi %add3A_1892, %add3A_1893 : i32
      %dma_start3A_1895 = arith.constant 1 : i32
      %dma_start3A_1896 = arith.constant 0 : i32
      %dma_start3A_1897 = arith.constant 0 : i32
      %dma_start3A_1898 = arith.constant 0 : i32
      %dma_start3A_1899 = tpu.memref_slice %arg6[%dma_start3A_1895, %dma_start3A_1896, %dma_start3A_1897, %dma_start3A_1898] : memref<2x4x200x64xf32, #tpu.memory_space<vmem>> -> memref<1x1x200x64xf32, #tpu.memory_space<vmem>>
      %dma_start3A_1900 = tpu.memref_squeeze %dma_start3A_1899 : memref<1x1x200x64xf32, #tpu.memory_space<vmem>> -> memref<200x64xf32, #tpu.memory_space<vmem>>
      %dma_start3A_1901 = arith.constant 0 : i32
      %dma_start3A_1902 = arith.constant 0 : i32
      %dma_start3A_1903 = tpu.memref_slice %arg4[%add3A_1894, %dma_start3A_1901, %dma_start3A_1902] : memref<16384x200x128xf32, #tpu.memory_space<hbm>> -> memref<1x200x64xf32, #tpu.memory_space<hbm>>
      %dma_start3A_1904 = tpu.memref_squeeze %dma_start3A_1903 : memref<1x200x64xf32, #tpu.memory_space<hbm>> -> memref<200x64xf32, #tpu.memory_space<hbm>>
      %dma_start3A_1905 = arith.constant 0 : i32
      %dma_start3A_1906 = arith.constant 0 : i32
      %dma_start3A_1907 = tpu.memref_slice %arg4[%add3A_1894, %dma_start3A_1905, %dma_start3A_1906] : memref<16384x200x128xf32, #tpu.memory_space<hbm>> -> memref<1x200x64xf32, #tpu.memory_space<hbm>>
      %dma_start3A_1908 = tpu.memref_squeeze %dma_start3A_1907 : memref<1x200x64xf32, #tpu.memory_space<hbm>> -> memref<200x64xf32, #tpu.memory_space<hbm>>
      %dma_start3A_1909 = arith.constant 0 : i32
      %dma_start3A_1910 = arith.constant 0 : i32
      %dma_start3A_1911 = tpu.memref_slice %arg6[%dma_start3A_1895, %dma_start3A_1896, %dma_start3A_1909, %dma_start3A_1910] : memref<2x4x200x64xf32, #tpu.memory_space<vmem>> -> memref<1x1x200x64xf32, #tpu.memory_space<vmem>>
      %dma_start3A_1912 = tpu.memref_squeeze %dma_start3A_1911 : memref<1x1x200x64xf32, #tpu.memory_space<vmem>> -> memref<200x64xf32, #tpu.memory_space<vmem>>
      tpu.enqueue_dma source(%dma_start3A_1912 : memref<200x64xf32, #tpu.memory_space<vmem>>) target(%dma_start3A_1908 : memref<200x64xf32, #tpu.memory_space<hbm>>) target_semaphore(%arg12 : memref<!tpu.dma_semaphore, #tpu.memory_space<semaphore_mem>>)
      %mul3A_1913 = arith.constant 4 : i32
      %mul3A_1914 = arith.muli %add3A_1648, %mul3A_1913 : i32
      %add3A_1915 = arith.addi %mul3A_2, %mul3A_1914 : i32
      %add3A_1916 = arith.constant 1 : i32
      %add3A_1917 = arith.addi %add3A_1915, %add3A_1916 : i32
      %dma_start3A_1918 = arith.constant 1 : i32
      %dma_start3A_1919 = arith.constant 1 : i32
      %dma_start3A_1920 = arith.constant 0 : i32
      %dma_start3A_1921 = arith.constant 0 : i32
      %dma_start3A_1922 = tpu.memref_slice %arg6[%dma_start3A_1918, %dma_start3A_1919, %dma_start3A_1920, %dma_start3A_1921] : memref<2x4x200x64xf32, #tpu.memory_space<vmem>> -> memref<1x1x200x64xf32, #tpu.memory_space<vmem>>
      %dma_start3A_1923 = tpu.memref_squeeze %dma_start3A_1922 : memref<1x1x200x64xf32, #tpu.memory_space<vmem>> -> memref<200x64xf32, #tpu.memory_space<vmem>>
      %dma_start3A_1924 = arith.constant 0 : i32
      %dma_start3A_1925 = arith.constant 0 : i32
      %dma_start3A_1926 = tpu.memref_slice %arg4[%add3A_1917, %dma_start3A_1924, %dma_start3A_1925] : memref<16384x200x128xf32, #tpu.memory_space<hbm>> -> memref<1x200x64xf32, #tpu.memory_space<hbm>>
      %dma_start3A_1927 = tpu.memref_squeeze %dma_start3A_1926 : memref<1x200x64xf32, #tpu.memory_space<hbm>> -> memref<200x64xf32, #tpu.memory_space<hbm>>
      %dma_start3A_1928 = arith.constant 0 : i32
      %dma_start3A_1929 = arith.constant 0 : i32
      %dma_start3A_1930 = tpu.memref_slice %arg4[%add3A_1917, %dma_start3A_1928, %dma_start3A_1929] : memref<16384x200x128xf32, #tpu.memory_space<hbm>> -> memref<1x200x64xf32, #tpu.memory_space<hbm>>
      %dma_start3A_1931 = tpu.memref_squeeze %dma_start3A_1930 : memref<1x200x64xf32, #tpu.memory_space<hbm>> -> memref<200x64xf32, #tpu.memory_space<hbm>>
      %dma_start3A_1932 = arith.constant 0 : i32
      %dma_start3A_1933 = arith.constant 0 : i32
      %dma_start3A_1934 = tpu.memref_slice %arg6[%dma_start3A_1918, %dma_start3A_1919, %dma_start3A_1932, %dma_start3A_1933] : memref<2x4x200x64xf32, #tpu.memory_space<vmem>> -> memref<1x1x200x64xf32, #tpu.memory_space<vmem>>
      %dma_start3A_1935 = tpu.memref_squeeze %dma_start3A_1934 : memref<1x1x200x64xf32, #tpu.memory_space<vmem>> -> memref<200x64xf32, #tpu.memory_space<vmem>>
      tpu.enqueue_dma source(%dma_start3A_1935 : memref<200x64xf32, #tpu.memory_space<vmem>>) target(%dma_start3A_1931 : memref<200x64xf32, #tpu.memory_space<hbm>>) target_semaphore(%arg12 : memref<!tpu.dma_semaphore, #tpu.memory_space<semaphore_mem>>)
      %mul3A_1936 = arith.constant 4 : i32
      %mul3A_1937 = arith.muli %add3A_1648, %mul3A_1936 : i32
      %add3A_1938 = arith.addi %mul3A_2, %mul3A_1937 : i32
      %add3A_1939 = arith.constant 2 : i32
      %add3A_1940 = arith.addi %add3A_1938, %add3A_1939 : i32
      %dma_start3A_1941 = arith.constant 1 : i32
      %dma_start3A_1942 = arith.constant 2 : i32
      %dma_start3A_1943 = arith.constant 0 : i32
      %dma_start3A_1944 = arith.constant 0 : i32
      %dma_start3A_1945 = tpu.memref_slice %arg6[%dma_start3A_1941, %dma_start3A_1942, %dma_start3A_1943, %dma_start3A_1944] : memref<2x4x200x64xf32, #tpu.memory_space<vmem>> -> memref<1x1x200x64xf32, #tpu.memory_space<vmem>>
      %dma_start3A_1946 = tpu.memref_squeeze %dma_start3A_1945 : memref<1x1x200x64xf32, #tpu.memory_space<vmem>> -> memref<200x64xf32, #tpu.memory_space<vmem>>
      %dma_start3A_1947 = arith.constant 0 : i32
      %dma_start3A_1948 = arith.constant 0 : i32
      %dma_start3A_1949 = tpu.memref_slice %arg4[%add3A_1940, %dma_start3A_1947, %dma_start3A_1948] : memref<16384x200x128xf32, #tpu.memory_space<hbm>> -> memref<1x200x64xf32, #tpu.memory_space<hbm>>
      %dma_start3A_1950 = tpu.memref_squeeze %dma_start3A_1949 : memref<1x200x64xf32, #tpu.memory_space<hbm>> -> memref<200x64xf32, #tpu.memory_space<hbm>>
      %dma_start3A_1951 = arith.constant 0 : i32
      %dma_start3A_1952 = arith.constant 0 : i32
      %dma_start3A_1953 = tpu.memref_slice %arg4[%add3A_1940, %dma_start3A_1951, %dma_start3A_1952] : memref<16384x200x128xf32, #tpu.memory_space<hbm>> -> memref<1x200x64xf32, #tpu.memory_space<hbm>>
      %dma_start3A_1954 = tpu.memref_squeeze %dma_start3A_1953 : memref<1x200x64xf32, #tpu.memory_space<hbm>> -> memref<200x64xf32, #tpu.memory_space<hbm>>
      %dma_start3A_1955 = arith.constant 0 : i32
      %dma_start3A_1956 = arith.constant 0 : i32
      %dma_start3A_1957 = tpu.memref_slice %arg6[%dma_start3A_1941, %dma_start3A_1942, %dma_start3A_1955, %dma_start3A_1956] : memref<2x4x200x64xf32, #tpu.memory_space<vmem>> -> memref<1x1x200x64xf32, #tpu.memory_space<vmem>>
      %dma_start3A_1958 = tpu.memref_squeeze %dma_start3A_1957 : memref<1x1x200x64xf32, #tpu.memory_space<vmem>> -> memref<200x64xf32, #tpu.memory_space<vmem>>
      tpu.enqueue_dma source(%dma_start3A_1958 : memref<200x64xf32, #tpu.memory_space<vmem>>) target(%dma_start3A_1954 : memref<200x64xf32, #tpu.memory_space<hbm>>) target_semaphore(%arg12 : memref<!tpu.dma_semaphore, #tpu.memory_space<semaphore_mem>>)
      %mul3A_1959 = arith.constant 4 : i32
      %mul3A_1960 = arith.muli %add3A_1648, %mul3A_1959 : i32
      %add3A_1961 = arith.addi %mul3A_2, %mul3A_1960 : i32
      %add3A_1962 = arith.constant 3 : i32
      %add3A_1963 = arith.addi %add3A_1961, %add3A_1962 : i32
      %dma_start3A_1964 = arith.constant 1 : i32
      %dma_start3A_1965 = arith.constant 3 : i32
      %dma_start3A_1966 = arith.constant 0 : i32
      %dma_start3A_1967 = arith.constant 0 : i32
      %dma_start3A_1968 = tpu.memref_slice %arg6[%dma_start3A_1964, %dma_start3A_1965, %dma_start3A_1966, %dma_start3A_1967] : memref<2x4x200x64xf32, #tpu.memory_space<vmem>> -> memref<1x1x200x64xf32, #tpu.memory_space<vmem>>
      %dma_start3A_1969 = tpu.memref_squeeze %dma_start3A_1968 : memref<1x1x200x64xf32, #tpu.memory_space<vmem>> -> memref<200x64xf32, #tpu.memory_space<vmem>>
      %dma_start3A_1970 = arith.constant 0 : i32
      %dma_start3A_1971 = arith.constant 0 : i32
      %dma_start3A_1972 = tpu.memref_slice %arg4[%add3A_1963, %dma_start3A_1970, %dma_start3A_1971] : memref<16384x200x128xf32, #tpu.memory_space<hbm>> -> memref<1x200x64xf32, #tpu.memory_space<hbm>>
      %dma_start3A_1973 = tpu.memref_squeeze %dma_start3A_1972 : memref<1x200x64xf32, #tpu.memory_space<hbm>> -> memref<200x64xf32, #tpu.memory_space<hbm>>
      %dma_start3A_1974 = arith.constant 0 : i32
      %dma_start3A_1975 = arith.constant 0 : i32
      %dma_start3A_1976 = tpu.memref_slice %arg4[%add3A_1963, %dma_start3A_1974, %dma_start3A_1975] : memref<16384x200x128xf32, #tpu.memory_space<hbm>> -> memref<1x200x64xf32, #tpu.memory_space<hbm>>
      %dma_start3A_1977 = tpu.memref_squeeze %dma_start3A_1976 : memref<1x200x64xf32, #tpu.memory_space<hbm>> -> memref<200x64xf32, #tpu.memory_space<hbm>>
      %dma_start3A_1978 = arith.constant 0 : i32
      %dma_start3A_1979 = arith.constant 0 : i32
      %dma_start3A_1980 = tpu.memref_slice %arg6[%dma_start3A_1964, %dma_start3A_1965, %dma_start3A_1978, %dma_start3A_1979] : memref<2x4x200x64xf32, #tpu.memory_space<vmem>> -> memref<1x1x200x64xf32, #tpu.memory_space<vmem>>
      %dma_start3A_1981 = tpu.memref_squeeze %dma_start3A_1980 : memref<1x1x200x64xf32, #tpu.memory_space<vmem>> -> memref<200x64xf32, #tpu.memory_space<vmem>>
      tpu.enqueue_dma source(%dma_start3A_1981 : memref<200x64xf32, #tpu.memory_space<vmem>>) target(%dma_start3A_1977 : memref<200x64xf32, #tpu.memory_space<hbm>>) target_semaphore(%arg12 : memref<!tpu.dma_semaphore, #tpu.memory_space<semaphore_mem>>)
    }
    %scan3A_519 = arith.constant 62 : i32
    %dma_wait3A_520 = arith.constant 0 : i32
    %dma_wait3A_521 = arith.constant 0 : i32
    %dma_wait3A_522 = arith.constant 0 : i32
    %dma_wait3A_523 = tpu.memref_slice %arg5[%dma_wait3A_520, %dma_wait3A_521, %dma_wait3A_522] : memref<2x4x200xi32, #tpu.memory_space<vmem>> -> memref<1x4x200xi32, #tpu.memory_space<vmem>>
    %dma_wait3A_524 = tpu.memref_squeeze %dma_wait3A_523 : memref<1x4x200xi32, #tpu.memory_space<vmem>> -> memref<4x200xi32, #tpu.memory_space<vmem>>
    %dma_wait3A_525 = arith.constant 0 : i32
    %dma_wait3A_526 = arith.constant 0 : i32
    %dma_wait3A_527 = tpu.memref_slice %arg2[%dma_wait3A_525, %dma_wait3A_526] : memref<16384x200xi32, #tpu.memory_space<hbm>> -> memref<4x200xi32, #tpu.memory_space<hbm>>
    %dma_wait3A_528 = arith.constant 0 : i32
    %dma_wait3A_529 = arith.constant 0 : i32
    %dma_wait3A_530 = tpu.memref_slice %arg5[%dma_wait3A_520, %dma_wait3A_528, %dma_wait3A_529] : memref<2x4x200xi32, #tpu.memory_space<vmem>> -> memref<1x4x200xi32, #tpu.memory_space<vmem>>
    %dma_wait3A_531 = tpu.memref_squeeze %dma_wait3A_530 : memref<1x4x200xi32, #tpu.memory_space<vmem>> -> memref<4x200xi32, #tpu.memory_space<vmem>>
    %dma_wait3A_532 = arith.constant 0 : i32
    %dma_wait3A_533 = arith.constant 0 : i32
    %dma_wait3A_534 = tpu.memref_slice %arg2[%dma_wait3A_532, %dma_wait3A_533] : memref<16384x200xi32, #tpu.memory_space<hbm>> -> memref<4x200xi32, #tpu.memory_space<hbm>>
    tpu.wait_dma2 semaphore(%arg7 : memref<!tpu.dma_semaphore, #tpu.memory_space<semaphore_mem>>) src(%dma_wait3A_534 : memref<4x200xi32, #tpu.memory_space<hbm>>) dst(%dma_wait3A_531 : memref<4x200xi32, #tpu.memory_space<vmem>>)
    %dma_wait3A_535 = arith.constant 0 : i32
    %dma_wait3A_536 = arith.constant 0 : i32
    %dma_wait3A_537 = arith.constant 0 : i32
    %dma_wait3A_538 = arith.constant 0 : i32
    %dma_wait3A_539 = arith.constant 0 : i32
    %dma_wait3A_540 = tpu.memref_slice %arg6[%dma_wait3A_535, %dma_wait3A_536, %dma_wait3A_538, %dma_wait3A_539] : memref<2x4x200x64xf32, #tpu.memory_space<vmem>> -> memref<1x1x200x64xf32, #tpu.memory_space<vmem>>
    %dma_wait3A_541 = tpu.memref_squeeze %dma_wait3A_540 : memref<1x1x200x64xf32, #tpu.memory_space<vmem>> -> memref<200x64xf32, #tpu.memory_space<vmem>>
    %dma_wait3A_542 = arith.constant 0 : i32
    %dma_wait3A_543 = arith.constant 0 : i32
    %dma_wait3A_544 = tpu.memref_slice %arg4[%dma_wait3A_537, %dma_wait3A_542, %dma_wait3A_543] : memref<16384x200x128xf32, #tpu.memory_space<hbm>> -> memref<1x200x64xf32, #tpu.memory_space<hbm>>
    %dma_wait3A_545 = tpu.memref_squeeze %dma_wait3A_544 : memref<1x200x64xf32, #tpu.memory_space<hbm>> -> memref<200x64xf32, #tpu.memory_space<hbm>>
    %dma_wait3A_546 = arith.constant 0 : i32
    %dma_wait3A_547 = arith.constant 0 : i32
    %dma_wait3A_548 = tpu.memref_slice %arg4[%dma_wait3A_537, %dma_wait3A_546, %dma_wait3A_547] : memref<16384x200x128xf32, #tpu.memory_space<hbm>> -> memref<1x200x64xf32, #tpu.memory_space<hbm>>
    %dma_wait3A_549 = tpu.memref_squeeze %dma_wait3A_548 : memref<1x200x64xf32, #tpu.memory_space<hbm>> -> memref<200x64xf32, #tpu.memory_space<hbm>>
    %dma_wait3A_550 = arith.constant 0 : i32
    %dma_wait3A_551 = arith.constant 0 : i32
    %dma_wait3A_552 = tpu.memref_slice %arg6[%dma_wait3A_535, %dma_wait3A_536, %dma_wait3A_550, %dma_wait3A_551] : memref<2x4x200x64xf32, #tpu.memory_space<vmem>> -> memref<1x1x200x64xf32, #tpu.memory_space<vmem>>
    %dma_wait3A_553 = tpu.memref_squeeze %dma_wait3A_552 : memref<1x1x200x64xf32, #tpu.memory_space<vmem>> -> memref<200x64xf32, #tpu.memory_space<vmem>>
    tpu.wait_dma2 semaphore(%arg11 : memref<!tpu.dma_semaphore, #tpu.memory_space<semaphore_mem>>) src(%dma_wait3A_553 : memref<200x64xf32, #tpu.memory_space<vmem>>) dst(%dma_wait3A_549 : memref<200x64xf32, #tpu.memory_space<hbm>>)
    %dma_wait3A_554 = arith.constant 0 : i32
    %dma_wait3A_555 = arith.constant 1 : i32
    %dma_wait3A_556 = arith.constant 0 : i32
    %dma_wait3A_557 = arith.constant 0 : i32
    %dma_wait3A_558 = arith.constant 0 : i32
    %dma_wait3A_559 = tpu.memref_slice %arg6[%dma_wait3A_554, %dma_wait3A_555, %dma_wait3A_557, %dma_wait3A_558] : memref<2x4x200x64xf32, #tpu.memory_space<vmem>> -> memref<1x1x200x64xf32, #tpu.memory_space<vmem>>
    %dma_wait3A_560 = tpu.memref_squeeze %dma_wait3A_559 : memref<1x1x200x64xf32, #tpu.memory_space<vmem>> -> memref<200x64xf32, #tpu.memory_space<vmem>>
    %dma_wait3A_561 = arith.constant 0 : i32
    %dma_wait3A_562 = arith.constant 0 : i32
    %dma_wait3A_563 = tpu.memref_slice %arg4[%dma_wait3A_556, %dma_wait3A_561, %dma_wait3A_562] : memref<16384x200x128xf32, #tpu.memory_space<hbm>> -> memref<1x200x64xf32, #tpu.memory_space<hbm>>
    %dma_wait3A_564 = tpu.memref_squeeze %dma_wait3A_563 : memref<1x200x64xf32, #tpu.memory_space<hbm>> -> memref<200x64xf32, #tpu.memory_space<hbm>>
    %dma_wait3A_565 = arith.constant 0 : i32
    %dma_wait3A_566 = arith.constant 0 : i32
    %dma_wait3A_567 = tpu.memref_slice %arg4[%dma_wait3A_556, %dma_wait3A_565, %dma_wait3A_566] : memref<16384x200x128xf32, #tpu.memory_space<hbm>> -> memref<1x200x64xf32, #tpu.memory_space<hbm>>
    %dma_wait3A_568 = tpu.memref_squeeze %dma_wait3A_567 : memref<1x200x64xf32, #tpu.memory_space<hbm>> -> memref<200x64xf32, #tpu.memory_space<hbm>>
    %dma_wait3A_569 = arith.constant 0 : i32
    %dma_wait3A_570 = arith.constant 0 : i32
    %dma_wait3A_571 = tpu.memref_slice %arg6[%dma_wait3A_554, %dma_wait3A_555, %dma_wait3A_569, %dma_wait3A_570] : memref<2x4x200x64xf32, #tpu.memory_space<vmem>> -> memref<1x1x200x64xf32, #tpu.memory_space<vmem>>
    %dma_wait3A_572 = tpu.memref_squeeze %dma_wait3A_571 : memref<1x1x200x64xf32, #tpu.memory_space<vmem>> -> memref<200x64xf32, #tpu.memory_space<vmem>>
    tpu.wait_dma2 semaphore(%arg11 : memref<!tpu.dma_semaphore, #tpu.memory_space<semaphore_mem>>) src(%dma_wait3A_572 : memref<200x64xf32, #tpu.memory_space<vmem>>) dst(%dma_wait3A_568 : memref<200x64xf32, #tpu.memory_space<hbm>>)
    %dma_wait3A_573 = arith.constant 0 : i32
    %dma_wait3A_574 = arith.constant 2 : i32
    %dma_wait3A_575 = arith.constant 0 : i32
    %dma_wait3A_576 = arith.constant 0 : i32
    %dma_wait3A_577 = arith.constant 0 : i32
    %dma_wait3A_578 = tpu.memref_slice %arg6[%dma_wait3A_573, %dma_wait3A_574, %dma_wait3A_576, %dma_wait3A_577] : memref<2x4x200x64xf32, #tpu.memory_space<vmem>> -> memref<1x1x200x64xf32, #tpu.memory_space<vmem>>
    %dma_wait3A_579 = tpu.memref_squeeze %dma_wait3A_578 : memref<1x1x200x64xf32, #tpu.memory_space<vmem>> -> memref<200x64xf32, #tpu.memory_space<vmem>>
    %dma_wait3A_580 = arith.constant 0 : i32
    %dma_wait3A_581 = arith.constant 0 : i32
    %dma_wait3A_582 = tpu.memref_slice %arg4[%dma_wait3A_575, %dma_wait3A_580, %dma_wait3A_581] : memref<16384x200x128xf32, #tpu.memory_space<hbm>> -> memref<1x200x64xf32, #tpu.memory_space<hbm>>
    %dma_wait3A_583 = tpu.memref_squeeze %dma_wait3A_582 : memref<1x200x64xf32, #tpu.memory_space<hbm>> -> memref<200x64xf32, #tpu.memory_space<hbm>>
    %dma_wait3A_584 = arith.constant 0 : i32
    %dma_wait3A_585 = arith.constant 0 : i32
    %dma_wait3A_586 = tpu.memref_slice %arg4[%dma_wait3A_575, %dma_wait3A_584, %dma_wait3A_585] : memref<16384x200x128xf32, #tpu.memory_space<hbm>> -> memref<1x200x64xf32, #tpu.memory_space<hbm>>
    %dma_wait3A_587 = tpu.memref_squeeze %dma_wait3A_586 : memref<1x200x64xf32, #tpu.memory_space<hbm>> -> memref<200x64xf32, #tpu.memory_space<hbm>>
    %dma_wait3A_588 = arith.constant 0 : i32
    %dma_wait3A_589 = arith.constant 0 : i32
    %dma_wait3A_590 = tpu.memref_slice %arg6[%dma_wait3A_573, %dma_wait3A_574, %dma_wait3A_588, %dma_wait3A_589] : memref<2x4x200x64xf32, #tpu.memory_space<vmem>> -> memref<1x1x200x64xf32, #tpu.memory_space<vmem>>
    %dma_wait3A_591 = tpu.memref_squeeze %dma_wait3A_590 : memref<1x1x200x64xf32, #tpu.memory_space<vmem>> -> memref<200x64xf32, #tpu.memory_space<vmem>>
    tpu.wait_dma2 semaphore(%arg11 : memref<!tpu.dma_semaphore, #tpu.memory_space<semaphore_mem>>) src(%dma_wait3A_591 : memref<200x64xf32, #tpu.memory_space<vmem>>) dst(%dma_wait3A_587 : memref<200x64xf32, #tpu.memory_space<hbm>>)
    %dma_wait3A_592 = arith.constant 0 : i32
    %dma_wait3A_593 = arith.constant 3 : i32
    %dma_wait3A_594 = arith.constant 0 : i32
    %dma_wait3A_595 = arith.constant 0 : i32
    %dma_wait3A_596 = arith.constant 0 : i32
    %dma_wait3A_597 = tpu.memref_slice %arg6[%dma_wait3A_592, %dma_wait3A_593, %dma_wait3A_595, %dma_wait3A_596] : memref<2x4x200x64xf32, #tpu.memory_space<vmem>> -> memref<1x1x200x64xf32, #tpu.memory_space<vmem>>
    %dma_wait3A_598 = tpu.memref_squeeze %dma_wait3A_597 : memref<1x1x200x64xf32, #tpu.memory_space<vmem>> -> memref<200x64xf32, #tpu.memory_space<vmem>>
    %dma_wait3A_599 = arith.constant 0 : i32
    %dma_wait3A_600 = arith.constant 0 : i32
    %dma_wait3A_601 = tpu.memref_slice %arg4[%dma_wait3A_594, %dma_wait3A_599, %dma_wait3A_600] : memref<16384x200x128xf32, #tpu.memory_space<hbm>> -> memref<1x200x64xf32, #tpu.memory_space<hbm>>
    %dma_wait3A_602 = tpu.memref_squeeze %dma_wait3A_601 : memref<1x200x64xf32, #tpu.memory_space<hbm>> -> memref<200x64xf32, #tpu.memory_space<hbm>>
    %dma_wait3A_603 = arith.constant 0 : i32
    %dma_wait3A_604 = arith.constant 0 : i32
    %dma_wait3A_605 = tpu.memref_slice %arg4[%dma_wait3A_594, %dma_wait3A_603, %dma_wait3A_604] : memref<16384x200x128xf32, #tpu.memory_space<hbm>> -> memref<1x200x64xf32, #tpu.memory_space<hbm>>
    %dma_wait3A_606 = tpu.memref_squeeze %dma_wait3A_605 : memref<1x200x64xf32, #tpu.memory_space<hbm>> -> memref<200x64xf32, #tpu.memory_space<hbm>>
    %dma_wait3A_607 = arith.constant 0 : i32
    %dma_wait3A_608 = arith.constant 0 : i32
    %dma_wait3A_609 = tpu.memref_slice %arg6[%dma_wait3A_592, %dma_wait3A_593, %dma_wait3A_607, %dma_wait3A_608] : memref<2x4x200x64xf32, #tpu.memory_space<vmem>> -> memref<1x1x200x64xf32, #tpu.memory_space<vmem>>
    %dma_wait3A_610 = tpu.memref_squeeze %dma_wait3A_609 : memref<1x1x200x64xf32, #tpu.memory_space<vmem>> -> memref<200x64xf32, #tpu.memory_space<vmem>>
    tpu.wait_dma2 semaphore(%arg11 : memref<!tpu.dma_semaphore, #tpu.memory_space<semaphore_mem>>) src(%dma_wait3A_610 : memref<200x64xf32, #tpu.memory_space<vmem>>) dst(%dma_wait3A_606 : memref<200x64xf32, #tpu.memory_space<hbm>>)
    %dma_start3A_611 = arith.constant 0 : i32
    %dma_start3A_612 = arith.constant 0 : i32
    %dma_start3A_613 = arith.constant 0 : i32
    %dma_start3A_614 = arith.constant 0 : i32
    %dma_start3A_615 = arith.constant 0 : i32
    %dma_start3A_616 = arith.constant 0 : i32
    %dma_start3A_617 = tpu.memref_slice %arg6[%dma_start3A_613, %dma_start3A_614, %dma_start3A_615, %dma_start3A_616] : memref<2x4x200x64xf32, #tpu.memory_space<vmem>> -> memref<1x1x200x64xf32, #tpu.memory_space<vmem>>
    %dma_start3A_618 = tpu.memref_squeeze %dma_start3A_617 : memref<1x1x200x64xf32, #tpu.memory_space<vmem>> -> memref<200x64xf32, #tpu.memory_space<vmem>>
    %dma_start3A_619 = arith.constant 0 : i32
    %dma_start3A_620 = tpu.memref_slice %arg5[%dma_start3A_611, %dma_start3A_612, %dma_start3A_619] : memref<2x4x200xi32, #tpu.memory_space<vmem>> -> memref<1x1x200xi32, #tpu.memory_space<vmem>>
    %dma_start3A_621 = tpu.memref_squeeze %dma_start3A_620 : memref<1x1x200xi32, #tpu.memory_space<vmem>> -> memref<200xi32, #tpu.memory_space<vmem>>
    %dma_start3A_622 = arith.constant 0 : i32
    %dma_start3A_623 = arith.constant 0 : i32
    %dma_start3A_624 = tpu.memref_slice %arg3[%dma_start3A_622, %dma_start3A_623] : memref<1000000x64xf32, #tpu.memory_space<hbm>> -> memref<1000000x64xf32, #tpu.memory_space<hbm>>
    tpu.enqueue_indirect_dma source(%dma_start3A_624 : memref<1000000x64xf32, #tpu.memory_space<hbm>>) target(%dma_start3A_618 : memref<200x64xf32, #tpu.memory_space<vmem>>) offsets(%dma_start3A_621 : memref<200xi32, #tpu.memory_space<vmem>>) semaphore(%arg9 : memref<!tpu.dma_semaphore, #tpu.memory_space<semaphore_mem>>)
    %dma_start3A_625 = arith.constant 0 : i32
    %dma_start3A_626 = arith.constant 1 : i32
    %dma_start3A_627 = arith.constant 0 : i32
    %dma_start3A_628 = arith.constant 1 : i32
    %dma_start3A_629 = arith.constant 0 : i32
    %dma_start3A_630 = arith.constant 0 : i32
    %dma_start3A_631 = tpu.memref_slice %arg6[%dma_start3A_627, %dma_start3A_628, %dma_start3A_629, %dma_start3A_630] : memref<2x4x200x64xf32, #tpu.memory_space<vmem>> -> memref<1x1x200x64xf32, #tpu.memory_space<vmem>>
    %dma_start3A_632 = tpu.memref_squeeze %dma_start3A_631 : memref<1x1x200x64xf32, #tpu.memory_space<vmem>> -> memref<200x64xf32, #tpu.memory_space<vmem>>
    %dma_start3A_633 = arith.constant 0 : i32
    %dma_start3A_634 = tpu.memref_slice %arg5[%dma_start3A_625, %dma_start3A_626, %dma_start3A_633] : memref<2x4x200xi32, #tpu.memory_space<vmem>> -> memref<1x1x200xi32, #tpu.memory_space<vmem>>
    %dma_start3A_635 = tpu.memref_squeeze %dma_start3A_634 : memref<1x1x200xi32, #tpu.memory_space<vmem>> -> memref<200xi32, #tpu.memory_space<vmem>>
    %dma_start3A_636 = arith.constant 0 : i32
    %dma_start3A_637 = arith.constant 0 : i32
    %dma_start3A_638 = tpu.memref_slice %arg3[%dma_start3A_636, %dma_start3A_637] : memref<1000000x64xf32, #tpu.memory_space<hbm>> -> memref<1000000x64xf32, #tpu.memory_space<hbm>>
    tpu.enqueue_indirect_dma source(%dma_start3A_638 : memref<1000000x64xf32, #tpu.memory_space<hbm>>) target(%dma_start3A_632 : memref<200x64xf32, #tpu.memory_space<vmem>>) offsets(%dma_start3A_635 : memref<200xi32, #tpu.memory_space<vmem>>) semaphore(%arg9 : memref<!tpu.dma_semaphore, #tpu.memory_space<semaphore_mem>>)
    %dma_start3A_639 = arith.constant 0 : i32
    %dma_start3A_640 = arith.constant 2 : i32
    %dma_start3A_641 = arith.constant 0 : i32
    %dma_start3A_642 = arith.constant 2 : i32
    %dma_start3A_643 = arith.constant 0 : i32
    %dma_start3A_644 = arith.constant 0 : i32
    %dma_start3A_645 = tpu.memref_slice %arg6[%dma_start3A_641, %dma_start3A_642, %dma_start3A_643, %dma_start3A_644] : memref<2x4x200x64xf32, #tpu.memory_space<vmem>> -> memref<1x1x200x64xf32, #tpu.memory_space<vmem>>
    %dma_start3A_646 = tpu.memref_squeeze %dma_start3A_645 : memref<1x1x200x64xf32, #tpu.memory_space<vmem>> -> memref<200x64xf32, #tpu.memory_space<vmem>>
    %dma_start3A_647 = arith.constant 0 : i32
    %dma_start3A_648 = tpu.memref_slice %arg5[%dma_start3A_639, %dma_start3A_640, %dma_start3A_647] : memref<2x4x200xi32, #tpu.memory_space<vmem>> -> memref<1x1x200xi32, #tpu.memory_space<vmem>>
    %dma_start3A_649 = tpu.memref_squeeze %dma_start3A_648 : memref<1x1x200xi32, #tpu.memory_space<vmem>> -> memref<200xi32, #tpu.memory_space<vmem>>
    %dma_start3A_650 = arith.constant 0 : i32
    %dma_start3A_651 = arith.constant 0 : i32
    %dma_start3A_652 = tpu.memref_slice %arg3[%dma_start3A_650, %dma_start3A_651] : memref<1000000x64xf32, #tpu.memory_space<hbm>> -> memref<1000000x64xf32, #tpu.memory_space<hbm>>
    tpu.enqueue_indirect_dma source(%dma_start3A_652 : memref<1000000x64xf32, #tpu.memory_space<hbm>>) target(%dma_start3A_646 : memref<200x64xf32, #tpu.memory_space<vmem>>) offsets(%dma_start3A_649 : memref<200xi32, #tpu.memory_space<vmem>>) semaphore(%arg9 : memref<!tpu.dma_semaphore, #tpu.memory_space<semaphore_mem>>)
    %dma_start3A_653 = arith.constant 0 : i32
    %dma_start3A_654 = arith.constant 3 : i32
    %dma_start3A_655 = arith.constant 0 : i32
    %dma_start3A_656 = arith.constant 3 : i32
    %dma_start3A_657 = arith.constant 0 : i32
    %dma_start3A_658 = arith.constant 0 : i32
    %dma_start3A_659 = tpu.memref_slice %arg6[%dma_start3A_655, %dma_start3A_656, %dma_start3A_657, %dma_start3A_658] : memref<2x4x200x64xf32, #tpu.memory_space<vmem>> -> memref<1x1x200x64xf32, #tpu.memory_space<vmem>>
    %dma_start3A_660 = tpu.memref_squeeze %dma_start3A_659 : memref<1x1x200x64xf32, #tpu.memory_space<vmem>> -> memref<200x64xf32, #tpu.memory_space<vmem>>
    %dma_start3A_661 = arith.constant 0 : i32
    %dma_start3A_662 = tpu.memref_slice %arg5[%dma_start3A_653, %dma_start3A_654, %dma_start3A_661] : memref<2x4x200xi32, #tpu.memory_space<vmem>> -> memref<1x1x200xi32, #tpu.memory_space<vmem>>
    %dma_start3A_663 = tpu.memref_squeeze %dma_start3A_662 : memref<1x1x200xi32, #tpu.memory_space<vmem>> -> memref<200xi32, #tpu.memory_space<vmem>>
    %dma_start3A_664 = arith.constant 0 : i32
    %dma_start3A_665 = arith.constant 0 : i32
    %dma_start3A_666 = tpu.memref_slice %arg3[%dma_start3A_664, %dma_start3A_665] : memref<1000000x64xf32, #tpu.memory_space<hbm>> -> memref<1000000x64xf32, #tpu.memory_space<hbm>>
    tpu.enqueue_indirect_dma source(%dma_start3A_666 : memref<1000000x64xf32, #tpu.memory_space<hbm>>) target(%dma_start3A_660 : memref<200x64xf32, #tpu.memory_space<vmem>>) offsets(%dma_start3A_663 : memref<200xi32, #tpu.memory_space<vmem>>) semaphore(%arg9 : memref<!tpu.dma_semaphore, #tpu.memory_space<semaphore_mem>>)
    %add3A_667 = arith.constant 508 : i32
    %add3A_668 = arith.addi %mul3A_2, %add3A_667 : i32
    %dma_start3A_669 = arith.constant 1 : i32
    %dma_start3A_670 = arith.constant 0 : i32
    %dma_start3A_671 = arith.constant 0 : i32
    %dma_start3A_672 = tpu.memref_slice %arg5[%dma_start3A_669, %dma_start3A_670, %dma_start3A_671] : memref<2x4x200xi32, #tpu.memory_space<vmem>> -> memref<1x4x200xi32, #tpu.memory_space<vmem>>
    %dma_start3A_673 = tpu.memref_squeeze %dma_start3A_672 : memref<1x4x200xi32, #tpu.memory_space<vmem>> -> memref<4x200xi32, #tpu.memory_space<vmem>>
    %dma_start3A_674 = arith.constant 0 : i32
    %dma_start3A_675 = tpu.memref_slice %arg2[%add3A_668, %dma_start3A_674] : memref<16384x200xi32, #tpu.memory_space<hbm>> -> memref<4x200xi32, #tpu.memory_space<hbm>>
    %dma_start3A_676 = arith.constant 0 : i32
    %dma_start3A_677 = arith.constant 0 : i32
    %dma_start3A_678 = tpu.memref_slice %arg5[%dma_start3A_669, %dma_start3A_676, %dma_start3A_677] : memref<2x4x200xi32, #tpu.memory_space<vmem>> -> memref<1x4x200xi32, #tpu.memory_space<vmem>>
    %dma_start3A_679 = tpu.memref_squeeze %dma_start3A_678 : memref<1x4x200xi32, #tpu.memory_space<vmem>> -> memref<4x200xi32, #tpu.memory_space<vmem>>
    %dma_start3A_680 = arith.constant 0 : i32
    %dma_start3A_681 = tpu.memref_slice %arg2[%add3A_668, %dma_start3A_680] : memref<16384x200xi32, #tpu.memory_space<hbm>> -> memref<4x200xi32, #tpu.memory_space<hbm>>
    tpu.enqueue_dma source(%dma_start3A_681 : memref<4x200xi32, #tpu.memory_space<hbm>>) target(%dma_start3A_679 : memref<4x200xi32, #tpu.memory_space<vmem>>) target_semaphore(%arg8 : memref<!tpu.dma_semaphore, #tpu.memory_space<semaphore_mem>>)
    %dma_wait3A_682 = arith.constant 0 : i32
    %dma_wait3A_683 = arith.constant 0 : i32
    %dma_wait3A_684 = arith.constant 0 : i32
    %dma_wait3A_685 = arith.constant 0 : i32
    %dma_wait3A_686 = arith.constant 0 : i32
    %dma_wait3A_687 = tpu.memref_slice %arg6[%dma_wait3A_683, %dma_wait3A_684, %dma_wait3A_685, %dma_wait3A_686] : memref<2x4x200x64xf32, #tpu.memory_space<vmem>> -> memref<1x1x200x64xf32, #tpu.memory_space<vmem>>
    %dma_wait3A_688 = tpu.memref_squeeze %dma_wait3A_687 : memref<1x1x200x64xf32, #tpu.memory_space<vmem>> -> memref<200x64xf32, #tpu.memory_space<vmem>>
    %dma_wait3A_689 = arith.constant 0 : i32
    %dma_wait3A_690 = arith.constant 0 : i32
    %dma_wait3A_691 = tpu.memref_slice %arg4[%dma_wait3A_682, %dma_wait3A_689, %dma_wait3A_690] : memref<16384x200x128xf32, #tpu.memory_space<hbm>> -> memref<1x200x64xf32, #tpu.memory_space<hbm>>
    %dma_wait3A_692 = tpu.memref_squeeze %dma_wait3A_691 : memref<1x200x64xf32, #tpu.memory_space<hbm>> -> memref<200x64xf32, #tpu.memory_space<hbm>>
    %dma_wait3A_693 = arith.constant 0 : i32
    %dma_wait3A_694 = arith.constant 0 : i32
    %dma_wait3A_695 = tpu.memref_slice %arg6[%dma_wait3A_683, %dma_wait3A_684, %dma_wait3A_693, %dma_wait3A_694] : memref<2x4x200x64xf32, #tpu.memory_space<vmem>> -> memref<1x1x200x64xf32, #tpu.memory_space<vmem>>
    %dma_wait3A_696 = tpu.memref_squeeze %dma_wait3A_695 : memref<1x1x200x64xf32, #tpu.memory_space<vmem>> -> memref<200x64xf32, #tpu.memory_space<vmem>>
    %dma_wait3A_697 = arith.constant 0 : i32
    %dma_wait3A_698 = arith.constant 0 : i32
    %dma_wait3A_699 = tpu.memref_slice %arg4[%dma_wait3A_682, %dma_wait3A_697, %dma_wait3A_698] : memref<16384x200x128xf32, #tpu.memory_space<hbm>> -> memref<1x200x64xf32, #tpu.memory_space<hbm>>
    %dma_wait3A_700 = tpu.memref_squeeze %dma_wait3A_699 : memref<1x200x64xf32, #tpu.memory_space<hbm>> -> memref<200x64xf32, #tpu.memory_space<hbm>>
    tpu.wait_dma2 semaphore(%arg9 : memref<!tpu.dma_semaphore, #tpu.memory_space<semaphore_mem>>) src(%dma_wait3A_700 : memref<200x64xf32, #tpu.memory_space<hbm>>) dst(%dma_wait3A_696 : memref<200x64xf32, #tpu.memory_space<vmem>>)
    %dma_wait3A_701 = arith.constant 0 : i32
    %dma_wait3A_702 = arith.constant 0 : i32
    %dma_wait3A_703 = arith.constant 1 : i32
    %dma_wait3A_704 = arith.constant 0 : i32
    %dma_wait3A_705 = arith.constant 0 : i32
    %dma_wait3A_706 = tpu.memref_slice %arg6[%dma_wait3A_702, %dma_wait3A_703, %dma_wait3A_704, %dma_wait3A_705] : memref<2x4x200x64xf32, #tpu.memory_space<vmem>> -> memref<1x1x200x64xf32, #tpu.memory_space<vmem>>
    %dma_wait3A_707 = tpu.memref_squeeze %dma_wait3A_706 : memref<1x1x200x64xf32, #tpu.memory_space<vmem>> -> memref<200x64xf32, #tpu.memory_space<vmem>>
    %dma_wait3A_708 = arith.constant 0 : i32
    %dma_wait3A_709 = arith.constant 0 : i32
    %dma_wait3A_710 = tpu.memref_slice %arg4[%dma_wait3A_701, %dma_wait3A_708, %dma_wait3A_709] : memref<16384x200x128xf32, #tpu.memory_space<hbm>> -> memref<1x200x64xf32, #tpu.memory_space<hbm>>
    %dma_wait3A_711 = tpu.memref_squeeze %dma_wait3A_710 : memref<1x200x64xf32, #tpu.memory_space<hbm>> -> memref<200x64xf32, #tpu.memory_space<hbm>>
    %dma_wait3A_712 = arith.constant 0 : i32
    %dma_wait3A_713 = arith.constant 0 : i32
    %dma_wait3A_714 = tpu.memref_slice %arg6[%dma_wait3A_702, %dma_wait3A_703, %dma_wait3A_712, %dma_wait3A_713] : memref<2x4x200x64xf32, #tpu.memory_space<vmem>> -> memref<1x1x200x64xf32, #tpu.memory_space<vmem>>
    %dma_wait3A_715 = tpu.memref_squeeze %dma_wait3A_714 : memref<1x1x200x64xf32, #tpu.memory_space<vmem>> -> memref<200x64xf32, #tpu.memory_space<vmem>>
    %dma_wait3A_716 = arith.constant 0 : i32
    %dma_wait3A_717 = arith.constant 0 : i32
    %dma_wait3A_718 = tpu.memref_slice %arg4[%dma_wait3A_701, %dma_wait3A_716, %dma_wait3A_717] : memref<16384x200x128xf32, #tpu.memory_space<hbm>> -> memref<1x200x64xf32, #tpu.memory_space<hbm>>
    %dma_wait3A_719 = tpu.memref_squeeze %dma_wait3A_718 : memref<1x200x64xf32, #tpu.memory_space<hbm>> -> memref<200x64xf32, #tpu.memory_space<hbm>>
    tpu.wait_dma2 semaphore(%arg9 : memref<!tpu.dma_semaphore, #tpu.memory_space<semaphore_mem>>) src(%dma_wait3A_719 : memref<200x64xf32, #tpu.memory_space<hbm>>) dst(%dma_wait3A_715 : memref<200x64xf32, #tpu.memory_space<vmem>>)
    %dma_wait3A_720 = arith.constant 0 : i32
    %dma_wait3A_721 = arith.constant 0 : i32
    %dma_wait3A_722 = arith.constant 2 : i32
    %dma_wait3A_723 = arith.constant 0 : i32
    %dma_wait3A_724 = arith.constant 0 : i32
    %dma_wait3A_725 = tpu.memref_slice %arg6[%dma_wait3A_721, %dma_wait3A_722, %dma_wait3A_723, %dma_wait3A_724] : memref<2x4x200x64xf32, #tpu.memory_space<vmem>> -> memref<1x1x200x64xf32, #tpu.memory_space<vmem>>
    %dma_wait3A_726 = tpu.memref_squeeze %dma_wait3A_725 : memref<1x1x200x64xf32, #tpu.memory_space<vmem>> -> memref<200x64xf32, #tpu.memory_space<vmem>>
    %dma_wait3A_727 = arith.constant 0 : i32
    %dma_wait3A_728 = arith.constant 0 : i32
    %dma_wait3A_729 = tpu.memref_slice %arg4[%dma_wait3A_720, %dma_wait3A_727, %dma_wait3A_728] : memref<16384x200x128xf32, #tpu.memory_space<hbm>> -> memref<1x200x64xf32, #tpu.memory_space<hbm>>
    %dma_wait3A_730 = tpu.memref_squeeze %dma_wait3A_729 : memref<1x200x64xf32, #tpu.memory_space<hbm>> -> memref<200x64xf32, #tpu.memory_space<hbm>>
    %dma_wait3A_731 = arith.constant 0 : i32
    %dma_wait3A_732 = arith.constant 0 : i32
    %dma_wait3A_733 = tpu.memref_slice %arg6[%dma_wait3A_721, %dma_wait3A_722, %dma_wait3A_731, %dma_wait3A_732] : memref<2x4x200x64xf32, #tpu.memory_space<vmem>> -> memref<1x1x200x64xf32, #tpu.memory_space<vmem>>
    %dma_wait3A_734 = tpu.memref_squeeze %dma_wait3A_733 : memref<1x1x200x64xf32, #tpu.memory_space<vmem>> -> memref<200x64xf32, #tpu.memory_space<vmem>>
    %dma_wait3A_735 = arith.constant 0 : i32
    %dma_wait3A_736 = arith.constant 0 : i32
    %dma_wait3A_737 = tpu.memref_slice %arg4[%dma_wait3A_720, %dma_wait3A_735, %dma_wait3A_736] : memref<16384x200x128xf32, #tpu.memory_space<hbm>> -> memref<1x200x64xf32, #tpu.memory_space<hbm>>
    %dma_wait3A_738 = tpu.memref_squeeze %dma_wait3A_737 : memref<1x200x64xf32, #tpu.memory_space<hbm>> -> memref<200x64xf32, #tpu.memory_space<hbm>>
    tpu.wait_dma2 semaphore(%arg9 : memref<!tpu.dma_semaphore, #tpu.memory_space<semaphore_mem>>) src(%dma_wait3A_738 : memref<200x64xf32, #tpu.memory_space<hbm>>) dst(%dma_wait3A_734 : memref<200x64xf32, #tpu.memory_space<vmem>>)
    %dma_wait3A_739 = arith.constant 0 : i32
    %dma_wait3A_740 = arith.constant 0 : i32
    %dma_wait3A_741 = arith.constant 3 : i32
    %dma_wait3A_742 = arith.constant 0 : i32
    %dma_wait3A_743 = arith.constant 0 : i32
    %dma_wait3A_744 = tpu.memref_slice %arg6[%dma_wait3A_740, %dma_wait3A_741, %dma_wait3A_742, %dma_wait3A_743] : memref<2x4x200x64xf32, #tpu.memory_space<vmem>> -> memref<1x1x200x64xf32, #tpu.memory_space<vmem>>
    %dma_wait3A_745 = tpu.memref_squeeze %dma_wait3A_744 : memref<1x1x200x64xf32, #tpu.memory_space<vmem>> -> memref<200x64xf32, #tpu.memory_space<vmem>>
    %dma_wait3A_746 = arith.constant 0 : i32
    %dma_wait3A_747 = arith.constant 0 : i32
    %dma_wait3A_748 = tpu.memref_slice %arg4[%dma_wait3A_739, %dma_wait3A_746, %dma_wait3A_747] : memref<16384x200x128xf32, #tpu.memory_space<hbm>> -> memref<1x200x64xf32, #tpu.memory_space<hbm>>
    %dma_wait3A_749 = tpu.memref_squeeze %dma_wait3A_748 : memref<1x200x64xf32, #tpu.memory_space<hbm>> -> memref<200x64xf32, #tpu.memory_space<hbm>>
    %dma_wait3A_750 = arith.constant 0 : i32
    %dma_wait3A_751 = arith.constant 0 : i32
    %dma_wait3A_752 = tpu.memref_slice %arg6[%dma_wait3A_740, %dma_wait3A_741, %dma_wait3A_750, %dma_wait3A_751] : memref<2x4x200x64xf32, #tpu.memory_space<vmem>> -> memref<1x1x200x64xf32, #tpu.memory_space<vmem>>
    %dma_wait3A_753 = tpu.memref_squeeze %dma_wait3A_752 : memref<1x1x200x64xf32, #tpu.memory_space<vmem>> -> memref<200x64xf32, #tpu.memory_space<vmem>>
    %dma_wait3A_754 = arith.constant 0 : i32
    %dma_wait3A_755 = arith.constant 0 : i32
    %dma_wait3A_756 = tpu.memref_slice %arg4[%dma_wait3A_739, %dma_wait3A_754, %dma_wait3A_755] : memref<16384x200x128xf32, #tpu.memory_space<hbm>> -> memref<1x200x64xf32, #tpu.memory_space<hbm>>
    %dma_wait3A_757 = tpu.memref_squeeze %dma_wait3A_756 : memref<1x200x64xf32, #tpu.memory_space<hbm>> -> memref<200x64xf32, #tpu.memory_space<hbm>>
    tpu.wait_dma2 semaphore(%arg9 : memref<!tpu.dma_semaphore, #tpu.memory_space<semaphore_mem>>) src(%dma_wait3A_757 : memref<200x64xf32, #tpu.memory_space<hbm>>) dst(%dma_wait3A_753 : memref<200x64xf32, #tpu.memory_space<vmem>>)
    %add3A_758 = arith.constant 504 : i32
    %add3A_759 = arith.addi %mul3A_2, %add3A_758 : i32
    %add3A_760 = arith.constant 0 : i32
    %add3A_761 = arith.addi %add3A_759, %add3A_760 : i32
    %dma_start3A_762 = arith.constant 0 : i32
    %dma_start3A_763 = arith.constant 0 : i32
    %dma_start3A_764 = arith.constant 0 : i32
    %dma_start3A_765 = arith.constant 0 : i32
    %dma_start3A_766 = tpu.memref_slice %arg6[%dma_start3A_762, %dma_start3A_763, %dma_start3A_764, %dma_start3A_765] : memref<2x4x200x64xf32, #tpu.memory_space<vmem>> -> memref<1x1x200x64xf32, #tpu.memory_space<vmem>>
    %dma_start3A_767 = tpu.memref_squeeze %dma_start3A_766 : memref<1x1x200x64xf32, #tpu.memory_space<vmem>> -> memref<200x64xf32, #tpu.memory_space<vmem>>
    %dma_start3A_768 = arith.constant 0 : i32
    %dma_start3A_769 = arith.constant 0 : i32
    %dma_start3A_770 = tpu.memref_slice %arg4[%add3A_761, %dma_start3A_768, %dma_start3A_769] : memref<16384x200x128xf32, #tpu.memory_space<hbm>> -> memref<1x200x64xf32, #tpu.memory_space<hbm>>
    %dma_start3A_771 = tpu.memref_squeeze %dma_start3A_770 : memref<1x200x64xf32, #tpu.memory_space<hbm>> -> memref<200x64xf32, #tpu.memory_space<hbm>>
    %dma_start3A_772 = arith.constant 0 : i32
    %dma_start3A_773 = arith.constant 0 : i32
    %dma_start3A_774 = tpu.memref_slice %arg4[%add3A_761, %dma_start3A_772, %dma_start3A_773] : memref<16384x200x128xf32, #tpu.memory_space<hbm>> -> memref<1x200x64xf32, #tpu.memory_space<hbm>>
    %dma_start3A_775 = tpu.memref_squeeze %dma_start3A_774 : memref<1x200x64xf32, #tpu.memory_space<hbm>> -> memref<200x64xf32, #tpu.memory_space<hbm>>
    %dma_start3A_776 = arith.constant 0 : i32
    %dma_start3A_777 = arith.constant 0 : i32
    %dma_start3A_778 = tpu.memref_slice %arg6[%dma_start3A_762, %dma_start3A_763, %dma_start3A_776, %dma_start3A_777] : memref<2x4x200x64xf32, #tpu.memory_space<vmem>> -> memref<1x1x200x64xf32, #tpu.memory_space<vmem>>
    %dma_start3A_779 = tpu.memref_squeeze %dma_start3A_778 : memref<1x1x200x64xf32, #tpu.memory_space<vmem>> -> memref<200x64xf32, #tpu.memory_space<vmem>>
    tpu.enqueue_dma source(%dma_start3A_779 : memref<200x64xf32, #tpu.memory_space<vmem>>) target(%dma_start3A_775 : memref<200x64xf32, #tpu.memory_space<hbm>>) target_semaphore(%arg11 : memref<!tpu.dma_semaphore, #tpu.memory_space<semaphore_mem>>)
    %add3A_780 = arith.constant 504 : i32
    %add3A_781 = arith.addi %mul3A_2, %add3A_780 : i32
    %add3A_782 = arith.constant 1 : i32
    %add3A_783 = arith.addi %add3A_781, %add3A_782 : i32
    %dma_start3A_784 = arith.constant 0 : i32
    %dma_start3A_785 = arith.constant 1 : i32
    %dma_start3A_786 = arith.constant 0 : i32
    %dma_start3A_787 = arith.constant 0 : i32
    %dma_start3A_788 = tpu.memref_slice %arg6[%dma_start3A_784, %dma_start3A_785, %dma_start3A_786, %dma_start3A_787] : memref<2x4x200x64xf32, #tpu.memory_space<vmem>> -> memref<1x1x200x64xf32, #tpu.memory_space<vmem>>
    %dma_start3A_789 = tpu.memref_squeeze %dma_start3A_788 : memref<1x1x200x64xf32, #tpu.memory_space<vmem>> -> memref<200x64xf32, #tpu.memory_space<vmem>>
    %dma_start3A_790 = arith.constant 0 : i32
    %dma_start3A_791 = arith.constant 0 : i32
    %dma_start3A_792 = tpu.memref_slice %arg4[%add3A_783, %dma_start3A_790, %dma_start3A_791] : memref<16384x200x128xf32, #tpu.memory_space<hbm>> -> memref<1x200x64xf32, #tpu.memory_space<hbm>>
    %dma_start3A_793 = tpu.memref_squeeze %dma_start3A_792 : memref<1x200x64xf32, #tpu.memory_space<hbm>> -> memref<200x64xf32, #tpu.memory_space<hbm>>
    %dma_start3A_794 = arith.constant 0 : i32
    %dma_start3A_795 = arith.constant 0 : i32
    %dma_start3A_796 = tpu.memref_slice %arg4[%add3A_783, %dma_start3A_794, %dma_start3A_795] : memref<16384x200x128xf32, #tpu.memory_space<hbm>> -> memref<1x200x64xf32, #tpu.memory_space<hbm>>
    %dma_start3A_797 = tpu.memref_squeeze %dma_start3A_796 : memref<1x200x64xf32, #tpu.memory_space<hbm>> -> memref<200x64xf32, #tpu.memory_space<hbm>>
    %dma_start3A_798 = arith.constant 0 : i32
    %dma_start3A_799 = arith.constant 0 : i32
    %dma_start3A_800 = tpu.memref_slice %arg6[%dma_start3A_784, %dma_start3A_785, %dma_start3A_798, %dma_start3A_799] : memref<2x4x200x64xf32, #tpu.memory_space<vmem>> -> memref<1x1x200x64xf32, #tpu.memory_space<vmem>>
    %dma_start3A_801 = tpu.memref_squeeze %dma_start3A_800 : memref<1x1x200x64xf32, #tpu.memory_space<vmem>> -> memref<200x64xf32, #tpu.memory_space<vmem>>
    tpu.enqueue_dma source(%dma_start3A_801 : memref<200x64xf32, #tpu.memory_space<vmem>>) target(%dma_start3A_797 : memref<200x64xf32, #tpu.memory_space<hbm>>) target_semaphore(%arg11 : memref<!tpu.dma_semaphore, #tpu.memory_space<semaphore_mem>>)
    %add3A_802 = arith.constant 504 : i32
    %add3A_803 = arith.addi %mul3A_2, %add3A_802 : i32
    %add3A_804 = arith.constant 2 : i32
    %add3A_805 = arith.addi %add3A_803, %add3A_804 : i32
    %dma_start3A_806 = arith.constant 0 : i32
    %dma_start3A_807 = arith.constant 2 : i32
    %dma_start3A_808 = arith.constant 0 : i32
    %dma_start3A_809 = arith.constant 0 : i32
    %dma_start3A_810 = tpu.memref_slice %arg6[%dma_start3A_806, %dma_start3A_807, %dma_start3A_808, %dma_start3A_809] : memref<2x4x200x64xf32, #tpu.memory_space<vmem>> -> memref<1x1x200x64xf32, #tpu.memory_space<vmem>>
    %dma_start3A_811 = tpu.memref_squeeze %dma_start3A_810 : memref<1x1x200x64xf32, #tpu.memory_space<vmem>> -> memref<200x64xf32, #tpu.memory_space<vmem>>
    %dma_start3A_812 = arith.constant 0 : i32
    %dma_start3A_813 = arith.constant 0 : i32
    %dma_start3A_814 = tpu.memref_slice %arg4[%add3A_805, %dma_start3A_812, %dma_start3A_813] : memref<16384x200x128xf32, #tpu.memory_space<hbm>> -> memref<1x200x64xf32, #tpu.memory_space<hbm>>
    %dma_start3A_815 = tpu.memref_squeeze %dma_start3A_814 : memref<1x200x64xf32, #tpu.memory_space<hbm>> -> memref<200x64xf32, #tpu.memory_space<hbm>>
    %dma_start3A_816 = arith.constant 0 : i32
    %dma_start3A_817 = arith.constant 0 : i32
    %dma_start3A_818 = tpu.memref_slice %arg4[%add3A_805, %dma_start3A_816, %dma_start3A_817] : memref<16384x200x128xf32, #tpu.memory_space<hbm>> -> memref<1x200x64xf32, #tpu.memory_space<hbm>>
    %dma_start3A_819 = tpu.memref_squeeze %dma_start3A_818 : memref<1x200x64xf32, #tpu.memory_space<hbm>> -> memref<200x64xf32, #tpu.memory_space<hbm>>
    %dma_start3A_820 = arith.constant 0 : i32
    %dma_start3A_821 = arith.constant 0 : i32
    %dma_start3A_822 = tpu.memref_slice %arg6[%dma_start3A_806, %dma_start3A_807, %dma_start3A_820, %dma_start3A_821] : memref<2x4x200x64xf32, #tpu.memory_space<vmem>> -> memref<1x1x200x64xf32, #tpu.memory_space<vmem>>
    %dma_start3A_823 = tpu.memref_squeeze %dma_start3A_822 : memref<1x1x200x64xf32, #tpu.memory_space<vmem>> -> memref<200x64xf32, #tpu.memory_space<vmem>>
    tpu.enqueue_dma source(%dma_start3A_823 : memref<200x64xf32, #tpu.memory_space<vmem>>) target(%dma_start3A_819 : memref<200x64xf32, #tpu.memory_space<hbm>>) target_semaphore(%arg11 : memref<!tpu.dma_semaphore, #tpu.memory_space<semaphore_mem>>)
    %add3A_824 = arith.constant 504 : i32
    %add3A_825 = arith.addi %mul3A_2, %add3A_824 : i32
    %add3A_826 = arith.constant 3 : i32
    %add3A_827 = arith.addi %add3A_825, %add3A_826 : i32
    %dma_start3A_828 = arith.constant 0 : i32
    %dma_start3A_829 = arith.constant 3 : i32
    %dma_start3A_830 = arith.constant 0 : i32
    %dma_start3A_831 = arith.constant 0 : i32
    %dma_start3A_832 = tpu.memref_slice %arg6[%dma_start3A_828, %dma_start3A_829, %dma_start3A_830, %dma_start3A_831] : memref<2x4x200x64xf32, #tpu.memory_space<vmem>> -> memref<1x1x200x64xf32, #tpu.memory_space<vmem>>
    %dma_start3A_833 = tpu.memref_squeeze %dma_start3A_832 : memref<1x1x200x64xf32, #tpu.memory_space<vmem>> -> memref<200x64xf32, #tpu.memory_space<vmem>>
    %dma_start3A_834 = arith.constant 0 : i32
    %dma_start3A_835 = arith.constant 0 : i32
    %dma_start3A_836 = tpu.memref_slice %arg4[%add3A_827, %dma_start3A_834, %dma_start3A_835] : memref<16384x200x128xf32, #tpu.memory_space<hbm>> -> memref<1x200x64xf32, #tpu.memory_space<hbm>>
    %dma_start3A_837 = tpu.memref_squeeze %dma_start3A_836 : memref<1x200x64xf32, #tpu.memory_space<hbm>> -> memref<200x64xf32, #tpu.memory_space<hbm>>
    %dma_start3A_838 = arith.constant 0 : i32
    %dma_start3A_839 = arith.constant 0 : i32
    %dma_start3A_840 = tpu.memref_slice %arg4[%add3A_827, %dma_start3A_838, %dma_start3A_839] : memref<16384x200x128xf32, #tpu.memory_space<hbm>> -> memref<1x200x64xf32, #tpu.memory_space<hbm>>
    %dma_start3A_841 = tpu.memref_squeeze %dma_start3A_840 : memref<1x200x64xf32, #tpu.memory_space<hbm>> -> memref<200x64xf32, #tpu.memory_space<hbm>>
    %dma_start3A_842 = arith.constant 0 : i32
    %dma_start3A_843 = arith.constant 0 : i32
    %dma_start3A_844 = tpu.memref_slice %arg6[%dma_start3A_828, %dma_start3A_829, %dma_start3A_842, %dma_start3A_843] : memref<2x4x200x64xf32, #tpu.memory_space<vmem>> -> memref<1x1x200x64xf32, #tpu.memory_space<vmem>>
    %dma_start3A_845 = tpu.memref_squeeze %dma_start3A_844 : memref<1x1x200x64xf32, #tpu.memory_space<vmem>> -> memref<200x64xf32, #tpu.memory_space<vmem>>
    tpu.enqueue_dma source(%dma_start3A_845 : memref<200x64xf32, #tpu.memory_space<vmem>>) target(%dma_start3A_841 : memref<200x64xf32, #tpu.memory_space<hbm>>) target_semaphore(%arg11 : memref<!tpu.dma_semaphore, #tpu.memory_space<semaphore_mem>>)
    %dma_wait3A_846 = arith.constant 1 : i32
    %dma_wait3A_847 = arith.constant 0 : i32
    %dma_wait3A_848 = arith.constant 0 : i32
    %dma_wait3A_849 = tpu.memref_slice %arg5[%dma_wait3A_846, %dma_wait3A_847, %dma_wait3A_848] : memref<2x4x200xi32, #tpu.memory_space<vmem>> -> memref<1x4x200xi32, #tpu.memory_space<vmem>>
    %dma_wait3A_850 = tpu.memref_squeeze %dma_wait3A_849 : memref<1x4x200xi32, #tpu.memory_space<vmem>> -> memref<4x200xi32, #tpu.memory_space<vmem>>
    %dma_wait3A_851 = arith.constant 0 : i32
    %dma_wait3A_852 = arith.constant 0 : i32
    %dma_wait3A_853 = tpu.memref_slice %arg2[%dma_wait3A_851, %dma_wait3A_852] : memref<16384x200xi32, #tpu.memory_space<hbm>> -> memref<4x200xi32, #tpu.memory_space<hbm>>
    %dma_wait3A_854 = arith.constant 0 : i32
    %dma_wait3A_855 = arith.constant 0 : i32
    %dma_wait3A_856 = tpu.memref_slice %arg5[%dma_wait3A_846, %dma_wait3A_854, %dma_wait3A_855] : memref<2x4x200xi32, #tpu.memory_space<vmem>> -> memref<1x4x200xi32, #tpu.memory_space<vmem>>
    %dma_wait3A_857 = tpu.memref_squeeze %dma_wait3A_856 : memref<1x4x200xi32, #tpu.memory_space<vmem>> -> memref<4x200xi32, #tpu.memory_space<vmem>>
    %dma_wait3A_858 = arith.constant 0 : i32
    %dma_wait3A_859 = arith.constant 0 : i32
    %dma_wait3A_860 = tpu.memref_slice %arg2[%dma_wait3A_858, %dma_wait3A_859] : memref<16384x200xi32, #tpu.memory_space<hbm>> -> memref<4x200xi32, #tpu.memory_space<hbm>>
    tpu.wait_dma2 semaphore(%arg8 : memref<!tpu.dma_semaphore, #tpu.memory_space<semaphore_mem>>) src(%dma_wait3A_860 : memref<4x200xi32, #tpu.memory_space<hbm>>) dst(%dma_wait3A_857 : memref<4x200xi32, #tpu.memory_space<vmem>>)
    %dma_wait3A_861 = arith.constant 1 : i32
    %dma_wait3A_862 = arith.constant 0 : i32
    %dma_wait3A_863 = arith.constant 0 : i32
    %dma_wait3A_864 = arith.constant 0 : i32
    %dma_wait3A_865 = arith.constant 0 : i32
    %dma_wait3A_866 = tpu.memref_slice %arg6[%dma_wait3A_861, %dma_wait3A_862, %dma_wait3A_864, %dma_wait3A_865] : memref<2x4x200x64xf32, #tpu.memory_space<vmem>> -> memref<1x1x200x64xf32, #tpu.memory_space<vmem>>
    %dma_wait3A_867 = tpu.memref_squeeze %dma_wait3A_866 : memref<1x1x200x64xf32, #tpu.memory_space<vmem>> -> memref<200x64xf32, #tpu.memory_space<vmem>>
    %dma_wait3A_868 = arith.constant 0 : i32
    %dma_wait3A_869 = arith.constant 0 : i32
    %dma_wait3A_870 = tpu.memref_slice %arg4[%dma_wait3A_863, %dma_wait3A_868, %dma_wait3A_869] : memref<16384x200x128xf32, #tpu.memory_space<hbm>> -> memref<1x200x64xf32, #tpu.memory_space<hbm>>
    %dma_wait3A_871 = tpu.memref_squeeze %dma_wait3A_870 : memref<1x200x64xf32, #tpu.memory_space<hbm>> -> memref<200x64xf32, #tpu.memory_space<hbm>>
    %dma_wait3A_872 = arith.constant 0 : i32
    %dma_wait3A_873 = arith.constant 0 : i32
    %dma_wait3A_874 = tpu.memref_slice %arg4[%dma_wait3A_863, %dma_wait3A_872, %dma_wait3A_873] : memref<16384x200x128xf32, #tpu.memory_space<hbm>> -> memref<1x200x64xf32, #tpu.memory_space<hbm>>
    %dma_wait3A_875 = tpu.memref_squeeze %dma_wait3A_874 : memref<1x200x64xf32, #tpu.memory_space<hbm>> -> memref<200x64xf32, #tpu.memory_space<hbm>>
    %dma_wait3A_876 = arith.constant 0 : i32
    %dma_wait3A_877 = arith.constant 0 : i32
    %dma_wait3A_878 = tpu.memref_slice %arg6[%dma_wait3A_861, %dma_wait3A_862, %dma_wait3A_876, %dma_wait3A_877] : memref<2x4x200x64xf32, #tpu.memory_space<vmem>> -> memref<1x1x200x64xf32, #tpu.memory_space<vmem>>
    %dma_wait3A_879 = tpu.memref_squeeze %dma_wait3A_878 : memref<1x1x200x64xf32, #tpu.memory_space<vmem>> -> memref<200x64xf32, #tpu.memory_space<vmem>>
    tpu.wait_dma2 semaphore(%arg12 : memref<!tpu.dma_semaphore, #tpu.memory_space<semaphore_mem>>) src(%dma_wait3A_879 : memref<200x64xf32, #tpu.memory_space<vmem>>) dst(%dma_wait3A_875 : memref<200x64xf32, #tpu.memory_space<hbm>>)
    %dma_wait3A_880 = arith.constant 1 : i32
    %dma_wait3A_881 = arith.constant 1 : i32
    %dma_wait3A_882 = arith.constant 0 : i32
    %dma_wait3A_883 = arith.constant 0 : i32
    %dma_wait3A_884 = arith.constant 0 : i32
    %dma_wait3A_885 = tpu.memref_slice %arg6[%dma_wait3A_880, %dma_wait3A_881, %dma_wait3A_883, %dma_wait3A_884] : memref<2x4x200x64xf32, #tpu.memory_space<vmem>> -> memref<1x1x200x64xf32, #tpu.memory_space<vmem>>
    %dma_wait3A_886 = tpu.memref_squeeze %dma_wait3A_885 : memref<1x1x200x64xf32, #tpu.memory_space<vmem>> -> memref<200x64xf32, #tpu.memory_space<vmem>>
    %dma_wait3A_887 = arith.constant 0 : i32
    %dma_wait3A_888 = arith.constant 0 : i32
    %dma_wait3A_889 = tpu.memref_slice %arg4[%dma_wait3A_882, %dma_wait3A_887, %dma_wait3A_888] : memref<16384x200x128xf32, #tpu.memory_space<hbm>> -> memref<1x200x64xf32, #tpu.memory_space<hbm>>
    %dma_wait3A_890 = tpu.memref_squeeze %dma_wait3A_889 : memref<1x200x64xf32, #tpu.memory_space<hbm>> -> memref<200x64xf32, #tpu.memory_space<hbm>>
    %dma_wait3A_891 = arith.constant 0 : i32
    %dma_wait3A_892 = arith.constant 0 : i32
    %dma_wait3A_893 = tpu.memref_slice %arg4[%dma_wait3A_882, %dma_wait3A_891, %dma_wait3A_892] : memref<16384x200x128xf32, #tpu.memory_space<hbm>> -> memref<1x200x64xf32, #tpu.memory_space<hbm>>
    %dma_wait3A_894 = tpu.memref_squeeze %dma_wait3A_893 : memref<1x200x64xf32, #tpu.memory_space<hbm>> -> memref<200x64xf32, #tpu.memory_space<hbm>>
    %dma_wait3A_895 = arith.constant 0 : i32
    %dma_wait3A_896 = arith.constant 0 : i32
    %dma_wait3A_897 = tpu.memref_slice %arg6[%dma_wait3A_880, %dma_wait3A_881, %dma_wait3A_895, %dma_wait3A_896] : memref<2x4x200x64xf32, #tpu.memory_space<vmem>> -> memref<1x1x200x64xf32, #tpu.memory_space<vmem>>
    %dma_wait3A_898 = tpu.memref_squeeze %dma_wait3A_897 : memref<1x1x200x64xf32, #tpu.memory_space<vmem>> -> memref<200x64xf32, #tpu.memory_space<vmem>>
    tpu.wait_dma2 semaphore(%arg12 : memref<!tpu.dma_semaphore, #tpu.memory_space<semaphore_mem>>) src(%dma_wait3A_898 : memref<200x64xf32, #tpu.memory_space<vmem>>) dst(%dma_wait3A_894 : memref<200x64xf32, #tpu.memory_space<hbm>>)
    %dma_wait3A_899 = arith.constant 1 : i32
    %dma_wait3A_900 = arith.constant 2 : i32
    %dma_wait3A_901 = arith.constant 0 : i32
    %dma_wait3A_902 = arith.constant 0 : i32
    %dma_wait3A_903 = arith.constant 0 : i32
    %dma_wait3A_904 = tpu.memref_slice %arg6[%dma_wait3A_899, %dma_wait3A_900, %dma_wait3A_902, %dma_wait3A_903] : memref<2x4x200x64xf32, #tpu.memory_space<vmem>> -> memref<1x1x200x64xf32, #tpu.memory_space<vmem>>
    %dma_wait3A_905 = tpu.memref_squeeze %dma_wait3A_904 : memref<1x1x200x64xf32, #tpu.memory_space<vmem>> -> memref<200x64xf32, #tpu.memory_space<vmem>>
    %dma_wait3A_906 = arith.constant 0 : i32
    %dma_wait3A_907 = arith.constant 0 : i32
    %dma_wait3A_908 = tpu.memref_slice %arg4[%dma_wait3A_901, %dma_wait3A_906, %dma_wait3A_907] : memref<16384x200x128xf32, #tpu.memory_space<hbm>> -> memref<1x200x64xf32, #tpu.memory_space<hbm>>
    %dma_wait3A_909 = tpu.memref_squeeze %dma_wait3A_908 : memref<1x200x64xf32, #tpu.memory_space<hbm>> -> memref<200x64xf32, #tpu.memory_space<hbm>>
    %dma_wait3A_910 = arith.constant 0 : i32
    %dma_wait3A_911 = arith.constant 0 : i32
    %dma_wait3A_912 = tpu.memref_slice %arg4[%dma_wait3A_901, %dma_wait3A_910, %dma_wait3A_911] : memref<16384x200x128xf32, #tpu.memory_space<hbm>> -> memref<1x200x64xf32, #tpu.memory_space<hbm>>
    %dma_wait3A_913 = tpu.memref_squeeze %dma_wait3A_912 : memref<1x200x64xf32, #tpu.memory_space<hbm>> -> memref<200x64xf32, #tpu.memory_space<hbm>>
    %dma_wait3A_914 = arith.constant 0 : i32
    %dma_wait3A_915 = arith.constant 0 : i32
    %dma_wait3A_916 = tpu.memref_slice %arg6[%dma_wait3A_899, %dma_wait3A_900, %dma_wait3A_914, %dma_wait3A_915] : memref<2x4x200x64xf32, #tpu.memory_space<vmem>> -> memref<1x1x200x64xf32, #tpu.memory_space<vmem>>
    %dma_wait3A_917 = tpu.memref_squeeze %dma_wait3A_916 : memref<1x1x200x64xf32, #tpu.memory_space<vmem>> -> memref<200x64xf32, #tpu.memory_space<vmem>>
    tpu.wait_dma2 semaphore(%arg12 : memref<!tpu.dma_semaphore, #tpu.memory_space<semaphore_mem>>) src(%dma_wait3A_917 : memref<200x64xf32, #tpu.memory_space<vmem>>) dst(%dma_wait3A_913 : memref<200x64xf32, #tpu.memory_space<hbm>>)
    %dma_wait3A_918 = arith.constant 1 : i32
    %dma_wait3A_919 = arith.constant 3 : i32
    %dma_wait3A_920 = arith.constant 0 : i32
    %dma_wait3A_921 = arith.constant 0 : i32
    %dma_wait3A_922 = arith.constant 0 : i32
    %dma_wait3A_923 = tpu.memref_slice %arg6[%dma_wait3A_918, %dma_wait3A_919, %dma_wait3A_921, %dma_wait3A_922] : memref<2x4x200x64xf32, #tpu.memory_space<vmem>> -> memref<1x1x200x64xf32, #tpu.memory_space<vmem>>
    %dma_wait3A_924 = tpu.memref_squeeze %dma_wait3A_923 : memref<1x1x200x64xf32, #tpu.memory_space<vmem>> -> memref<200x64xf32, #tpu.memory_space<vmem>>
    %dma_wait3A_925 = arith.constant 0 : i32
    %dma_wait3A_926 = arith.constant 0 : i32
    %dma_wait3A_927 = tpu.memref_slice %arg4[%dma_wait3A_920, %dma_wait3A_925, %dma_wait3A_926] : memref<16384x200x128xf32, #tpu.memory_space<hbm>> -> memref<1x200x64xf32, #tpu.memory_space<hbm>>
    %dma_wait3A_928 = tpu.memref_squeeze %dma_wait3A_927 : memref<1x200x64xf32, #tpu.memory_space<hbm>> -> memref<200x64xf32, #tpu.memory_space<hbm>>
    %dma_wait3A_929 = arith.constant 0 : i32
    %dma_wait3A_930 = arith.constant 0 : i32
    %dma_wait3A_931 = tpu.memref_slice %arg4[%dma_wait3A_920, %dma_wait3A_929, %dma_wait3A_930] : memref<16384x200x128xf32, #tpu.memory_space<hbm>> -> memref<1x200x64xf32, #tpu.memory_space<hbm>>
    %dma_wait3A_932 = tpu.memref_squeeze %dma_wait3A_931 : memref<1x200x64xf32, #tpu.memory_space<hbm>> -> memref<200x64xf32, #tpu.memory_space<hbm>>
    %dma_wait3A_933 = arith.constant 0 : i32
    %dma_wait3A_934 = arith.constant 0 : i32
    %dma_wait3A_935 = tpu.memref_slice %arg6[%dma_wait3A_918, %dma_wait3A_919, %dma_wait3A_933, %dma_wait3A_934] : memref<2x4x200x64xf32, #tpu.memory_space<vmem>> -> memref<1x1x200x64xf32, #tpu.memory_space<vmem>>
    %dma_wait3A_936 = tpu.memref_squeeze %dma_wait3A_935 : memref<1x1x200x64xf32, #tpu.memory_space<vmem>> -> memref<200x64xf32, #tpu.memory_space<vmem>>
    tpu.wait_dma2 semaphore(%arg12 : memref<!tpu.dma_semaphore, #tpu.memory_space<semaphore_mem>>) src(%dma_wait3A_936 : memref<200x64xf32, #tpu.memory_space<vmem>>) dst(%dma_wait3A_932 : memref<200x64xf32, #tpu.memory_space<hbm>>)
    %dma_start3A_937 = arith.constant 1 : i32
    %dma_start3A_938 = arith.constant 0 : i32
    %dma_start3A_939 = arith.constant 1 : i32
    %dma_start3A_940 = arith.constant 0 : i32
    %dma_start3A_941 = arith.constant 0 : i32
    %dma_start3A_942 = arith.constant 0 : i32
    %dma_start3A_943 = tpu.memref_slice %arg6[%dma_start3A_939, %dma_start3A_940, %dma_start3A_941, %dma_start3A_942] : memref<2x4x200x64xf32, #tpu.memory_space<vmem>> -> memref<1x1x200x64xf32, #tpu.memory_space<vmem>>
    %dma_start3A_944 = tpu.memref_squeeze %dma_start3A_943 : memref<1x1x200x64xf32, #tpu.memory_space<vmem>> -> memref<200x64xf32, #tpu.memory_space<vmem>>
    %dma_start3A_945 = arith.constant 0 : i32
    %dma_start3A_946 = tpu.memref_slice %arg5[%dma_start3A_937, %dma_start3A_938, %dma_start3A_945] : memref<2x4x200xi32, #tpu.memory_space<vmem>> -> memref<1x1x200xi32, #tpu.memory_space<vmem>>
    %dma_start3A_947 = tpu.memref_squeeze %dma_start3A_946 : memref<1x1x200xi32, #tpu.memory_space<vmem>> -> memref<200xi32, #tpu.memory_space<vmem>>
    %dma_start3A_948 = arith.constant 0 : i32
    %dma_start3A_949 = arith.constant 0 : i32
    %dma_start3A_950 = tpu.memref_slice %arg3[%dma_start3A_948, %dma_start3A_949] : memref<1000000x64xf32, #tpu.memory_space<hbm>> -> memref<1000000x64xf32, #tpu.memory_space<hbm>>
    tpu.enqueue_indirect_dma source(%dma_start3A_950 : memref<1000000x64xf32, #tpu.memory_space<hbm>>) target(%dma_start3A_944 : memref<200x64xf32, #tpu.memory_space<vmem>>) offsets(%dma_start3A_947 : memref<200xi32, #tpu.memory_space<vmem>>) semaphore(%arg10 : memref<!tpu.dma_semaphore, #tpu.memory_space<semaphore_mem>>)
    %dma_start3A_951 = arith.constant 1 : i32
    %dma_start3A_952 = arith.constant 1 : i32
    %dma_start3A_953 = arith.constant 1 : i32
    %dma_start3A_954 = arith.constant 1 : i32
    %dma_start3A_955 = arith.constant 0 : i32
    %dma_start3A_956 = arith.constant 0 : i32
    %dma_start3A_957 = tpu.memref_slice %arg6[%dma_start3A_953, %dma_start3A_954, %dma_start3A_955, %dma_start3A_956] : memref<2x4x200x64xf32, #tpu.memory_space<vmem>> -> memref<1x1x200x64xf32, #tpu.memory_space<vmem>>
    %dma_start3A_958 = tpu.memref_squeeze %dma_start3A_957 : memref<1x1x200x64xf32, #tpu.memory_space<vmem>> -> memref<200x64xf32, #tpu.memory_space<vmem>>
    %dma_start3A_959 = arith.constant 0 : i32
    %dma_start3A_960 = tpu.memref_slice %arg5[%dma_start3A_951, %dma_start3A_952, %dma_start3A_959] : memref<2x4x200xi32, #tpu.memory_space<vmem>> -> memref<1x1x200xi32, #tpu.memory_space<vmem>>
    %dma_start3A_961 = tpu.memref_squeeze %dma_start3A_960 : memref<1x1x200xi32, #tpu.memory_space<vmem>> -> memref<200xi32, #tpu.memory_space<vmem>>
    %dma_start3A_962 = arith.constant 0 : i32
    %dma_start3A_963 = arith.constant 0 : i32
    %dma_start3A_964 = tpu.memref_slice %arg3[%dma_start3A_962, %dma_start3A_963] : memref<1000000x64xf32, #tpu.memory_space<hbm>> -> memref<1000000x64xf32, #tpu.memory_space<hbm>>
    tpu.enqueue_indirect_dma source(%dma_start3A_964 : memref<1000000x64xf32, #tpu.memory_space<hbm>>) target(%dma_start3A_958 : memref<200x64xf32, #tpu.memory_space<vmem>>) offsets(%dma_start3A_961 : memref<200xi32, #tpu.memory_space<vmem>>) semaphore(%arg10 : memref<!tpu.dma_semaphore, #tpu.memory_space<semaphore_mem>>)
    %dma_start3A_965 = arith.constant 1 : i32
    %dma_start3A_966 = arith.constant 2 : i32
    %dma_start3A_967 = arith.constant 1 : i32
    %dma_start3A_968 = arith.constant 2 : i32
    %dma_start3A_969 = arith.constant 0 : i32
    %dma_start3A_970 = arith.constant 0 : i32
    %dma_start3A_971 = tpu.memref_slice %arg6[%dma_start3A_967, %dma_start3A_968, %dma_start3A_969, %dma_start3A_970] : memref<2x4x200x64xf32, #tpu.memory_space<vmem>> -> memref<1x1x200x64xf32, #tpu.memory_space<vmem>>
    %dma_start3A_972 = tpu.memref_squeeze %dma_start3A_971 : memref<1x1x200x64xf32, #tpu.memory_space<vmem>> -> memref<200x64xf32, #tpu.memory_space<vmem>>
    %dma_start3A_973 = arith.constant 0 : i32
    %dma_start3A_974 = tpu.memref_slice %arg5[%dma_start3A_965, %dma_start3A_966, %dma_start3A_973] : memref<2x4x200xi32, #tpu.memory_space<vmem>> -> memref<1x1x200xi32, #tpu.memory_space<vmem>>
    %dma_start3A_975 = tpu.memref_squeeze %dma_start3A_974 : memref<1x1x200xi32, #tpu.memory_space<vmem>> -> memref<200xi32, #tpu.memory_space<vmem>>
    %dma_start3A_976 = arith.constant 0 : i32
    %dma_start3A_977 = arith.constant 0 : i32
    %dma_start3A_978 = tpu.memref_slice %arg3[%dma_start3A_976, %dma_start3A_977] : memref<1000000x64xf32, #tpu.memory_space<hbm>> -> memref<1000000x64xf32, #tpu.memory_space<hbm>>
    tpu.enqueue_indirect_dma source(%dma_start3A_978 : memref<1000000x64xf32, #tpu.memory_space<hbm>>) target(%dma_start3A_972 : memref<200x64xf32, #tpu.memory_space<vmem>>) offsets(%dma_start3A_975 : memref<200xi32, #tpu.memory_space<vmem>>) semaphore(%arg10 : memref<!tpu.dma_semaphore, #tpu.memory_space<semaphore_mem>>)
    %dma_start3A_979 = arith.constant 1 : i32
    %dma_start3A_980 = arith.constant 3 : i32
    %dma_start3A_981 = arith.constant 1 : i32
    %dma_start3A_982 = arith.constant 3 : i32
    %dma_start3A_983 = arith.constant 0 : i32
    %dma_start3A_984 = arith.constant 0 : i32
    %dma_start3A_985 = tpu.memref_slice %arg6[%dma_start3A_981, %dma_start3A_982, %dma_start3A_983, %dma_start3A_984] : memref<2x4x200x64xf32, #tpu.memory_space<vmem>> -> memref<1x1x200x64xf32, #tpu.memory_space<vmem>>
    %dma_start3A_986 = tpu.memref_squeeze %dma_start3A_985 : memref<1x1x200x64xf32, #tpu.memory_space<vmem>> -> memref<200x64xf32, #tpu.memory_space<vmem>>
    %dma_start3A_987 = arith.constant 0 : i32
    %dma_start3A_988 = tpu.memref_slice %arg5[%dma_start3A_979, %dma_start3A_980, %dma_start3A_987] : memref<2x4x200xi32, #tpu.memory_space<vmem>> -> memref<1x1x200xi32, #tpu.memory_space<vmem>>
    %dma_start3A_989 = tpu.memref_squeeze %dma_start3A_988 : memref<1x1x200xi32, #tpu.memory_space<vmem>> -> memref<200xi32, #tpu.memory_space<vmem>>
    %dma_start3A_990 = arith.constant 0 : i32
    %dma_start3A_991 = arith.constant 0 : i32
    %dma_start3A_992 = tpu.memref_slice %arg3[%dma_start3A_990, %dma_start3A_991] : memref<1000000x64xf32, #tpu.memory_space<hbm>> -> memref<1000000x64xf32, #tpu.memory_space<hbm>>
    tpu.enqueue_indirect_dma source(%dma_start3A_992 : memref<1000000x64xf32, #tpu.memory_space<hbm>>) target(%dma_start3A_986 : memref<200x64xf32, #tpu.memory_space<vmem>>) offsets(%dma_start3A_989 : memref<200xi32, #tpu.memory_space<vmem>>) semaphore(%arg10 : memref<!tpu.dma_semaphore, #tpu.memory_space<semaphore_mem>>)
    %dma_wait3A_993 = arith.constant 0 : i32
    %dma_wait3A_994 = arith.constant 1 : i32
    %dma_wait3A_995 = arith.constant 0 : i32
    %dma_wait3A_996 = arith.constant 0 : i32
    %dma_wait3A_997 = arith.constant 0 : i32
    %dma_wait3A_998 = tpu.memref_slice %arg6[%dma_wait3A_994, %dma_wait3A_995, %dma_wait3A_996, %dma_wait3A_997] : memref<2x4x200x64xf32, #tpu.memory_space<vmem>> -> memref<1x1x200x64xf32, #tpu.memory_space<vmem>>
    %dma_wait3A_999 = tpu.memref_squeeze %dma_wait3A_998 : memref<1x1x200x64xf32, #tpu.memory_space<vmem>> -> memref<200x64xf32, #tpu.memory_space<vmem>>
    %dma_wait3A_1000 = arith.constant 0 : i32
    %dma_wait3A_1001 = arith.constant 0 : i32
    %dma_wait3A_1002 = tpu.memref_slice %arg4[%dma_wait3A_993, %dma_wait3A_1000, %dma_wait3A_1001] : memref<16384x200x128xf32, #tpu.memory_space<hbm>> -> memref<1x200x64xf32, #tpu.memory_space<hbm>>
    %dma_wait3A_1003 = tpu.memref_squeeze %dma_wait3A_1002 : memref<1x200x64xf32, #tpu.memory_space<hbm>> -> memref<200x64xf32, #tpu.memory_space<hbm>>
    %dma_wait3A_1004 = arith.constant 0 : i32
    %dma_wait3A_1005 = arith.constant 0 : i32
    %dma_wait3A_1006 = tpu.memref_slice %arg6[%dma_wait3A_994, %dma_wait3A_995, %dma_wait3A_1004, %dma_wait3A_1005] : memref<2x4x200x64xf32, #tpu.memory_space<vmem>> -> memref<1x1x200x64xf32, #tpu.memory_space<vmem>>
    %dma_wait3A_1007 = tpu.memref_squeeze %dma_wait3A_1006 : memref<1x1x200x64xf32, #tpu.memory_space<vmem>> -> memref<200x64xf32, #tpu.memory_space<vmem>>
    %dma_wait3A_1008 = arith.constant 0 : i32
    %dma_wait3A_1009 = arith.constant 0 : i32
    %dma_wait3A_1010 = tpu.memref_slice %arg4[%dma_wait3A_993, %dma_wait3A_1008, %dma_wait3A_1009] : memref<16384x200x128xf32, #tpu.memory_space<hbm>> -> memref<1x200x64xf32, #tpu.memory_space<hbm>>
    %dma_wait3A_1011 = tpu.memref_squeeze %dma_wait3A_1010 : memref<1x200x64xf32, #tpu.memory_space<hbm>> -> memref<200x64xf32, #tpu.memory_space<hbm>>
    tpu.wait_dma2 semaphore(%arg10 : memref<!tpu.dma_semaphore, #tpu.memory_space<semaphore_mem>>) src(%dma_wait3A_1011 : memref<200x64xf32, #tpu.memory_space<hbm>>) dst(%dma_wait3A_1007 : memref<200x64xf32, #tpu.memory_space<vmem>>)
    %dma_wait3A_1012 = arith.constant 0 : i32
    %dma_wait3A_1013 = arith.constant 1 : i32
    %dma_wait3A_1014 = arith.constant 1 : i32
    %dma_wait3A_1015 = arith.constant 0 : i32
    %dma_wait3A_1016 = arith.constant 0 : i32
    %dma_wait3A_1017 = tpu.memref_slice %arg6[%dma_wait3A_1013, %dma_wait3A_1014, %dma_wait3A_1015, %dma_wait3A_1016] : memref<2x4x200x64xf32, #tpu.memory_space<vmem>> -> memref<1x1x200x64xf32, #tpu.memory_space<vmem>>
    %dma_wait3A_1018 = tpu.memref_squeeze %dma_wait3A_1017 : memref<1x1x200x64xf32, #tpu.memory_space<vmem>> -> memref<200x64xf32, #tpu.memory_space<vmem>>
    %dma_wait3A_1019 = arith.constant 0 : i32
    %dma_wait3A_1020 = arith.constant 0 : i32
    %dma_wait3A_1021 = tpu.memref_slice %arg4[%dma_wait3A_1012, %dma_wait3A_1019, %dma_wait3A_1020] : memref<16384x200x128xf32, #tpu.memory_space<hbm>> -> memref<1x200x64xf32, #tpu.memory_space<hbm>>
    %dma_wait3A_1022 = tpu.memref_squeeze %dma_wait3A_1021 : memref<1x200x64xf32, #tpu.memory_space<hbm>> -> memref<200x64xf32, #tpu.memory_space<hbm>>
    %dma_wait3A_1023 = arith.constant 0 : i32
    %dma_wait3A_1024 = arith.constant 0 : i32
    %dma_wait3A_1025 = tpu.memref_slice %arg6[%dma_wait3A_1013, %dma_wait3A_1014, %dma_wait3A_1023, %dma_wait3A_1024] : memref<2x4x200x64xf32, #tpu.memory_space<vmem>> -> memref<1x1x200x64xf32, #tpu.memory_space<vmem>>
    %dma_wait3A_1026 = tpu.memref_squeeze %dma_wait3A_1025 : memref<1x1x200x64xf32, #tpu.memory_space<vmem>> -> memref<200x64xf32, #tpu.memory_space<vmem>>
    %dma_wait3A_1027 = arith.constant 0 : i32
    %dma_wait3A_1028 = arith.constant 0 : i32
    %dma_wait3A_1029 = tpu.memref_slice %arg4[%dma_wait3A_1012, %dma_wait3A_1027, %dma_wait3A_1028] : memref<16384x200x128xf32, #tpu.memory_space<hbm>> -> memref<1x200x64xf32, #tpu.memory_space<hbm>>
    %dma_wait3A_1030 = tpu.memref_squeeze %dma_wait3A_1029 : memref<1x200x64xf32, #tpu.memory_space<hbm>> -> memref<200x64xf32, #tpu.memory_space<hbm>>
    tpu.wait_dma2 semaphore(%arg10 : memref<!tpu.dma_semaphore, #tpu.memory_space<semaphore_mem>>) src(%dma_wait3A_1030 : memref<200x64xf32, #tpu.memory_space<hbm>>) dst(%dma_wait3A_1026 : memref<200x64xf32, #tpu.memory_space<vmem>>)
    %dma_wait3A_1031 = arith.constant 0 : i32
    %dma_wait3A_1032 = arith.constant 1 : i32
    %dma_wait3A_1033 = arith.constant 2 : i32
    %dma_wait3A_1034 = arith.constant 0 : i32
    %dma_wait3A_1035 = arith.constant 0 : i32
    %dma_wait3A_1036 = tpu.memref_slice %arg6[%dma_wait3A_1032, %dma_wait3A_1033, %dma_wait3A_1034, %dma_wait3A_1035] : memref<2x4x200x64xf32, #tpu.memory_space<vmem>> -> memref<1x1x200x64xf32, #tpu.memory_space<vmem>>
    %dma_wait3A_1037 = tpu.memref_squeeze %dma_wait3A_1036 : memref<1x1x200x64xf32, #tpu.memory_space<vmem>> -> memref<200x64xf32, #tpu.memory_space<vmem>>
    %dma_wait3A_1038 = arith.constant 0 : i32
    %dma_wait3A_1039 = arith.constant 0 : i32
    %dma_wait3A_1040 = tpu.memref_slice %arg4[%dma_wait3A_1031, %dma_wait3A_1038, %dma_wait3A_1039] : memref<16384x200x128xf32, #tpu.memory_space<hbm>> -> memref<1x200x64xf32, #tpu.memory_space<hbm>>
    %dma_wait3A_1041 = tpu.memref_squeeze %dma_wait3A_1040 : memref<1x200x64xf32, #tpu.memory_space<hbm>> -> memref<200x64xf32, #tpu.memory_space<hbm>>
    %dma_wait3A_1042 = arith.constant 0 : i32
    %dma_wait3A_1043 = arith.constant 0 : i32
    %dma_wait3A_1044 = tpu.memref_slice %arg6[%dma_wait3A_1032, %dma_wait3A_1033, %dma_wait3A_1042, %dma_wait3A_1043] : memref<2x4x200x64xf32, #tpu.memory_space<vmem>> -> memref<1x1x200x64xf32, #tpu.memory_space<vmem>>
    %dma_wait3A_1045 = tpu.memref_squeeze %dma_wait3A_1044 : memref<1x1x200x64xf32, #tpu.memory_space<vmem>> -> memref<200x64xf32, #tpu.memory_space<vmem>>
    %dma_wait3A_1046 = arith.constant 0 : i32
    %dma_wait3A_1047 = arith.constant 0 : i32
    %dma_wait3A_1048 = tpu.memref_slice %arg4[%dma_wait3A_1031, %dma_wait3A_1046, %dma_wait3A_1047] : memref<16384x200x128xf32, #tpu.memory_space<hbm>> -> memref<1x200x64xf32, #tpu.memory_space<hbm>>
    %dma_wait3A_1049 = tpu.memref_squeeze %dma_wait3A_1048 : memref<1x200x64xf32, #tpu.memory_space<hbm>> -> memref<200x64xf32, #tpu.memory_space<hbm>>
    tpu.wait_dma2 semaphore(%arg10 : memref<!tpu.dma_semaphore, #tpu.memory_space<semaphore_mem>>) src(%dma_wait3A_1049 : memref<200x64xf32, #tpu.memory_space<hbm>>) dst(%dma_wait3A_1045 : memref<200x64xf32, #tpu.memory_space<vmem>>)
    %dma_wait3A_1050 = arith.constant 0 : i32
    %dma_wait3A_1051 = arith.constant 1 : i32
    %dma_wait3A_1052 = arith.constant 3 : i32
    %dma_wait3A_1053 = arith.constant 0 : i32
    %dma_wait3A_1054 = arith.constant 0 : i32
    %dma_wait3A_1055 = tpu.memref_slice %arg6[%dma_wait3A_1051, %dma_wait3A_1052, %dma_wait3A_1053, %dma_wait3A_1054] : memref<2x4x200x64xf32, #tpu.memory_space<vmem>> -> memref<1x1x200x64xf32, #tpu.memory_space<vmem>>
    %dma_wait3A_1056 = tpu.memref_squeeze %dma_wait3A_1055 : memref<1x1x200x64xf32, #tpu.memory_space<vmem>> -> memref<200x64xf32, #tpu.memory_space<vmem>>
    %dma_wait3A_1057 = arith.constant 0 : i32
    %dma_wait3A_1058 = arith.constant 0 : i32
    %dma_wait3A_1059 = tpu.memref_slice %arg4[%dma_wait3A_1050, %dma_wait3A_1057, %dma_wait3A_1058] : memref<16384x200x128xf32, #tpu.memory_space<hbm>> -> memref<1x200x64xf32, #tpu.memory_space<hbm>>
    %dma_wait3A_1060 = tpu.memref_squeeze %dma_wait3A_1059 : memref<1x200x64xf32, #tpu.memory_space<hbm>> -> memref<200x64xf32, #tpu.memory_space<hbm>>
    %dma_wait3A_1061 = arith.constant 0 : i32
    %dma_wait3A_1062 = arith.constant 0 : i32
    %dma_wait3A_1063 = tpu.memref_slice %arg6[%dma_wait3A_1051, %dma_wait3A_1052, %dma_wait3A_1061, %dma_wait3A_1062] : memref<2x4x200x64xf32, #tpu.memory_space<vmem>> -> memref<1x1x200x64xf32, #tpu.memory_space<vmem>>
    %dma_wait3A_1064 = tpu.memref_squeeze %dma_wait3A_1063 : memref<1x1x200x64xf32, #tpu.memory_space<vmem>> -> memref<200x64xf32, #tpu.memory_space<vmem>>
    %dma_wait3A_1065 = arith.constant 0 : i32
    %dma_wait3A_1066 = arith.constant 0 : i32
    %dma_wait3A_1067 = tpu.memref_slice %arg4[%dma_wait3A_1050, %dma_wait3A_1065, %dma_wait3A_1066] : memref<16384x200x128xf32, #tpu.memory_space<hbm>> -> memref<1x200x64xf32, #tpu.memory_space<hbm>>
    %dma_wait3A_1068 = tpu.memref_squeeze %dma_wait3A_1067 : memref<1x200x64xf32, #tpu.memory_space<hbm>> -> memref<200x64xf32, #tpu.memory_space<hbm>>
    tpu.wait_dma2 semaphore(%arg10 : memref<!tpu.dma_semaphore, #tpu.memory_space<semaphore_mem>>) src(%dma_wait3A_1068 : memref<200x64xf32, #tpu.memory_space<hbm>>) dst(%dma_wait3A_1064 : memref<200x64xf32, #tpu.memory_space<vmem>>)
    %add3A_1069 = arith.constant 508 : i32
    %add3A_1070 = arith.addi %mul3A_2, %add3A_1069 : i32
    %add3A_1071 = arith.constant 0 : i32
    %add3A_1072 = arith.addi %add3A_1070, %add3A_1071 : i32
    %dma_start3A_1073 = arith.constant 1 : i32
    %dma_start3A_1074 = arith.constant 0 : i32
    %dma_start3A_1075 = arith.constant 0 : i32
    %dma_start3A_1076 = arith.constant 0 : i32
    %dma_start3A_1077 = tpu.memref_slice %arg6[%dma_start3A_1073, %dma_start3A_1074, %dma_start3A_1075, %dma_start3A_1076] : memref<2x4x200x64xf32, #tpu.memory_space<vmem>> -> memref<1x1x200x64xf32, #tpu.memory_space<vmem>>
    %dma_start3A_1078 = tpu.memref_squeeze %dma_start3A_1077 : memref<1x1x200x64xf32, #tpu.memory_space<vmem>> -> memref<200x64xf32, #tpu.memory_space<vmem>>
    %dma_start3A_1079 = arith.constant 0 : i32
    %dma_start3A_1080 = arith.constant 0 : i32
    %dma_start3A_1081 = tpu.memref_slice %arg4[%add3A_1072, %dma_start3A_1079, %dma_start3A_1080] : memref<16384x200x128xf32, #tpu.memory_space<hbm>> -> memref<1x200x64xf32, #tpu.memory_space<hbm>>
    %dma_start3A_1082 = tpu.memref_squeeze %dma_start3A_1081 : memref<1x200x64xf32, #tpu.memory_space<hbm>> -> memref<200x64xf32, #tpu.memory_space<hbm>>
    %dma_start3A_1083 = arith.constant 0 : i32
    %dma_start3A_1084 = arith.constant 0 : i32
    %dma_start3A_1085 = tpu.memref_slice %arg4[%add3A_1072, %dma_start3A_1083, %dma_start3A_1084] : memref<16384x200x128xf32, #tpu.memory_space<hbm>> -> memref<1x200x64xf32, #tpu.memory_space<hbm>>
    %dma_start3A_1086 = tpu.memref_squeeze %dma_start3A_1085 : memref<1x200x64xf32, #tpu.memory_space<hbm>> -> memref<200x64xf32, #tpu.memory_space<hbm>>
    %dma_start3A_1087 = arith.constant 0 : i32
    %dma_start3A_1088 = arith.constant 0 : i32
    %dma_start3A_1089 = tpu.memref_slice %arg6[%dma_start3A_1073, %dma_start3A_1074, %dma_start3A_1087, %dma_start3A_1088] : memref<2x4x200x64xf32, #tpu.memory_space<vmem>> -> memref<1x1x200x64xf32, #tpu.memory_space<vmem>>
    %dma_start3A_1090 = tpu.memref_squeeze %dma_start3A_1089 : memref<1x1x200x64xf32, #tpu.memory_space<vmem>> -> memref<200x64xf32, #tpu.memory_space<vmem>>
    tpu.enqueue_dma source(%dma_start3A_1090 : memref<200x64xf32, #tpu.memory_space<vmem>>) target(%dma_start3A_1086 : memref<200x64xf32, #tpu.memory_space<hbm>>) target_semaphore(%arg12 : memref<!tpu.dma_semaphore, #tpu.memory_space<semaphore_mem>>)
    %add3A_1091 = arith.constant 508 : i32
    %add3A_1092 = arith.addi %mul3A_2, %add3A_1091 : i32
    %add3A_1093 = arith.constant 1 : i32
    %add3A_1094 = arith.addi %add3A_1092, %add3A_1093 : i32
    %dma_start3A_1095 = arith.constant 1 : i32
    %dma_start3A_1096 = arith.constant 1 : i32
    %dma_start3A_1097 = arith.constant 0 : i32
    %dma_start3A_1098 = arith.constant 0 : i32
    %dma_start3A_1099 = tpu.memref_slice %arg6[%dma_start3A_1095, %dma_start3A_1096, %dma_start3A_1097, %dma_start3A_1098] : memref<2x4x200x64xf32, #tpu.memory_space<vmem>> -> memref<1x1x200x64xf32, #tpu.memory_space<vmem>>
    %dma_start3A_1100 = tpu.memref_squeeze %dma_start3A_1099 : memref<1x1x200x64xf32, #tpu.memory_space<vmem>> -> memref<200x64xf32, #tpu.memory_space<vmem>>
    %dma_start3A_1101 = arith.constant 0 : i32
    %dma_start3A_1102 = arith.constant 0 : i32
    %dma_start3A_1103 = tpu.memref_slice %arg4[%add3A_1094, %dma_start3A_1101, %dma_start3A_1102] : memref<16384x200x128xf32, #tpu.memory_space<hbm>> -> memref<1x200x64xf32, #tpu.memory_space<hbm>>
    %dma_start3A_1104 = tpu.memref_squeeze %dma_start3A_1103 : memref<1x200x64xf32, #tpu.memory_space<hbm>> -> memref<200x64xf32, #tpu.memory_space<hbm>>
    %dma_start3A_1105 = arith.constant 0 : i32
    %dma_start3A_1106 = arith.constant 0 : i32
    %dma_start3A_1107 = tpu.memref_slice %arg4[%add3A_1094, %dma_start3A_1105, %dma_start3A_1106] : memref<16384x200x128xf32, #tpu.memory_space<hbm>> -> memref<1x200x64xf32, #tpu.memory_space<hbm>>
    %dma_start3A_1108 = tpu.memref_squeeze %dma_start3A_1107 : memref<1x200x64xf32, #tpu.memory_space<hbm>> -> memref<200x64xf32, #tpu.memory_space<hbm>>
    %dma_start3A_1109 = arith.constant 0 : i32
    %dma_start3A_1110 = arith.constant 0 : i32
    %dma_start3A_1111 = tpu.memref_slice %arg6[%dma_start3A_1095, %dma_start3A_1096, %dma_start3A_1109, %dma_start3A_1110] : memref<2x4x200x64xf32, #tpu.memory_space<vmem>> -> memref<1x1x200x64xf32, #tpu.memory_space<vmem>>
    %dma_start3A_1112 = tpu.memref_squeeze %dma_start3A_1111 : memref<1x1x200x64xf32, #tpu.memory_space<vmem>> -> memref<200x64xf32, #tpu.memory_space<vmem>>
    tpu.enqueue_dma source(%dma_start3A_1112 : memref<200x64xf32, #tpu.memory_space<vmem>>) target(%dma_start3A_1108 : memref<200x64xf32, #tpu.memory_space<hbm>>) target_semaphore(%arg12 : memref<!tpu.dma_semaphore, #tpu.memory_space<semaphore_mem>>)
    %add3A_1113 = arith.constant 508 : i32
    %add3A_1114 = arith.addi %mul3A_2, %add3A_1113 : i32
    %add3A_1115 = arith.constant 2 : i32
    %add3A_1116 = arith.addi %add3A_1114, %add3A_1115 : i32
    %dma_start3A_1117 = arith.constant 1 : i32
    %dma_start3A_1118 = arith.constant 2 : i32
    %dma_start3A_1119 = arith.constant 0 : i32
    %dma_start3A_1120 = arith.constant 0 : i32
    %dma_start3A_1121 = tpu.memref_slice %arg6[%dma_start3A_1117, %dma_start3A_1118, %dma_start3A_1119, %dma_start3A_1120] : memref<2x4x200x64xf32, #tpu.memory_space<vmem>> -> memref<1x1x200x64xf32, #tpu.memory_space<vmem>>
    %dma_start3A_1122 = tpu.memref_squeeze %dma_start3A_1121 : memref<1x1x200x64xf32, #tpu.memory_space<vmem>> -> memref<200x64xf32, #tpu.memory_space<vmem>>
    %dma_start3A_1123 = arith.constant 0 : i32
    %dma_start3A_1124 = arith.constant 0 : i32
    %dma_start3A_1125 = tpu.memref_slice %arg4[%add3A_1116, %dma_start3A_1123, %dma_start3A_1124] : memref<16384x200x128xf32, #tpu.memory_space<hbm>> -> memref<1x200x64xf32, #tpu.memory_space<hbm>>
    %dma_start3A_1126 = tpu.memref_squeeze %dma_start3A_1125 : memref<1x200x64xf32, #tpu.memory_space<hbm>> -> memref<200x64xf32, #tpu.memory_space<hbm>>
    %dma_start3A_1127 = arith.constant 0 : i32
    %dma_start3A_1128 = arith.constant 0 : i32
    %dma_start3A_1129 = tpu.memref_slice %arg4[%add3A_1116, %dma_start3A_1127, %dma_start3A_1128] : memref<16384x200x128xf32, #tpu.memory_space<hbm>> -> memref<1x200x64xf32, #tpu.memory_space<hbm>>
    %dma_start3A_1130 = tpu.memref_squeeze %dma_start3A_1129 : memref<1x200x64xf32, #tpu.memory_space<hbm>> -> memref<200x64xf32, #tpu.memory_space<hbm>>
    %dma_start3A_1131 = arith.constant 0 : i32
    %dma_start3A_1132 = arith.constant 0 : i32
    %dma_start3A_1133 = tpu.memref_slice %arg6[%dma_start3A_1117, %dma_start3A_1118, %dma_start3A_1131, %dma_start3A_1132] : memref<2x4x200x64xf32, #tpu.memory_space<vmem>> -> memref<1x1x200x64xf32, #tpu.memory_space<vmem>>
    %dma_start3A_1134 = tpu.memref_squeeze %dma_start3A_1133 : memref<1x1x200x64xf32, #tpu.memory_space<vmem>> -> memref<200x64xf32, #tpu.memory_space<vmem>>
    tpu.enqueue_dma source(%dma_start3A_1134 : memref<200x64xf32, #tpu.memory_space<vmem>>) target(%dma_start3A_1130 : memref<200x64xf32, #tpu.memory_space<hbm>>) target_semaphore(%arg12 : memref<!tpu.dma_semaphore, #tpu.memory_space<semaphore_mem>>)
    %add3A_1135 = arith.constant 508 : i32
    %add3A_1136 = arith.addi %mul3A_2, %add3A_1135 : i32
    %add3A_1137 = arith.constant 3 : i32
    %add3A_1138 = arith.addi %add3A_1136, %add3A_1137 : i32
    %dma_start3A_1139 = arith.constant 1 : i32
    %dma_start3A_1140 = arith.constant 3 : i32
    %dma_start3A_1141 = arith.constant 0 : i32
    %dma_start3A_1142 = arith.constant 0 : i32
    %dma_start3A_1143 = tpu.memref_slice %arg6[%dma_start3A_1139, %dma_start3A_1140, %dma_start3A_1141, %dma_start3A_1142] : memref<2x4x200x64xf32, #tpu.memory_space<vmem>> -> memref<1x1x200x64xf32, #tpu.memory_space<vmem>>
    %dma_start3A_1144 = tpu.memref_squeeze %dma_start3A_1143 : memref<1x1x200x64xf32, #tpu.memory_space<vmem>> -> memref<200x64xf32, #tpu.memory_space<vmem>>
    %dma_start3A_1145 = arith.constant 0 : i32
    %dma_start3A_1146 = arith.constant 0 : i32
    %dma_start3A_1147 = tpu.memref_slice %arg4[%add3A_1138, %dma_start3A_1145, %dma_start3A_1146] : memref<16384x200x128xf32, #tpu.memory_space<hbm>> -> memref<1x200x64xf32, #tpu.memory_space<hbm>>
    %dma_start3A_1148 = tpu.memref_squeeze %dma_start3A_1147 : memref<1x200x64xf32, #tpu.memory_space<hbm>> -> memref<200x64xf32, #tpu.memory_space<hbm>>
    %dma_start3A_1149 = arith.constant 0 : i32
    %dma_start3A_1150 = arith.constant 0 : i32
    %dma_start3A_1151 = tpu.memref_slice %arg4[%add3A_1138, %dma_start3A_1149, %dma_start3A_1150] : memref<16384x200x128xf32, #tpu.memory_space<hbm>> -> memref<1x200x64xf32, #tpu.memory_space<hbm>>
    %dma_start3A_1152 = tpu.memref_squeeze %dma_start3A_1151 : memref<1x200x64xf32, #tpu.memory_space<hbm>> -> memref<200x64xf32, #tpu.memory_space<hbm>>
    %dma_start3A_1153 = arith.constant 0 : i32
    %dma_start3A_1154 = arith.constant 0 : i32
    %dma_start3A_1155 = tpu.memref_slice %arg6[%dma_start3A_1139, %dma_start3A_1140, %dma_start3A_1153, %dma_start3A_1154] : memref<2x4x200x64xf32, #tpu.memory_space<vmem>> -> memref<1x1x200x64xf32, #tpu.memory_space<vmem>>
    %dma_start3A_1156 = tpu.memref_squeeze %dma_start3A_1155 : memref<1x1x200x64xf32, #tpu.memory_space<vmem>> -> memref<200x64xf32, #tpu.memory_space<vmem>>
    tpu.enqueue_dma source(%dma_start3A_1156 : memref<200x64xf32, #tpu.memory_space<vmem>>) target(%dma_start3A_1152 : memref<200x64xf32, #tpu.memory_space<hbm>>) target_semaphore(%arg12 : memref<!tpu.dma_semaphore, #tpu.memory_space<semaphore_mem>>)
    %dma_wait3A_1157 = arith.constant 0 : i32
    %dma_wait3A_1158 = arith.constant 0 : i32
    %dma_wait3A_1159 = arith.constant 0 : i32
    %dma_wait3A_1160 = arith.constant 0 : i32
    %dma_wait3A_1161 = arith.constant 0 : i32
    %dma_wait3A_1162 = tpu.memref_slice %arg6[%dma_wait3A_1157, %dma_wait3A_1158, %dma_wait3A_1160, %dma_wait3A_1161] : memref<2x4x200x64xf32, #tpu.memory_space<vmem>> -> memref<1x1x200x64xf32, #tpu.memory_space<vmem>>
    %dma_wait3A_1163 = tpu.memref_squeeze %dma_wait3A_1162 : memref<1x1x200x64xf32, #tpu.memory_space<vmem>> -> memref<200x64xf32, #tpu.memory_space<vmem>>
    %dma_wait3A_1164 = arith.constant 0 : i32
    %dma_wait3A_1165 = arith.constant 0 : i32
    %dma_wait3A_1166 = tpu.memref_slice %arg4[%dma_wait3A_1159, %dma_wait3A_1164, %dma_wait3A_1165] : memref<16384x200x128xf32, #tpu.memory_space<hbm>> -> memref<1x200x64xf32, #tpu.memory_space<hbm>>
    %dma_wait3A_1167 = tpu.memref_squeeze %dma_wait3A_1166 : memref<1x200x64xf32, #tpu.memory_space<hbm>> -> memref<200x64xf32, #tpu.memory_space<hbm>>
    %dma_wait3A_1168 = arith.constant 0 : i32
    %dma_wait3A_1169 = arith.constant 0 : i32
    %dma_wait3A_1170 = tpu.memref_slice %arg4[%dma_wait3A_1159, %dma_wait3A_1168, %dma_wait3A_1169] : memref<16384x200x128xf32, #tpu.memory_space<hbm>> -> memref<1x200x64xf32, #tpu.memory_space<hbm>>
    %dma_wait3A_1171 = tpu.memref_squeeze %dma_wait3A_1170 : memref<1x200x64xf32, #tpu.memory_space<hbm>> -> memref<200x64xf32, #tpu.memory_space<hbm>>
    %dma_wait3A_1172 = arith.constant 0 : i32
    %dma_wait3A_1173 = arith.constant 0 : i32
    %dma_wait3A_1174 = tpu.memref_slice %arg6[%dma_wait3A_1157, %dma_wait3A_1158, %dma_wait3A_1172, %dma_wait3A_1173] : memref<2x4x200x64xf32, #tpu.memory_space<vmem>> -> memref<1x1x200x64xf32, #tpu.memory_space<vmem>>
    %dma_wait3A_1175 = tpu.memref_squeeze %dma_wait3A_1174 : memref<1x1x200x64xf32, #tpu.memory_space<vmem>> -> memref<200x64xf32, #tpu.memory_space<vmem>>
    tpu.wait_dma2 semaphore(%arg11 : memref<!tpu.dma_semaphore, #tpu.memory_space<semaphore_mem>>) src(%dma_wait3A_1175 : memref<200x64xf32, #tpu.memory_space<vmem>>) dst(%dma_wait3A_1171 : memref<200x64xf32, #tpu.memory_space<hbm>>)
    %dma_wait3A_1176 = arith.constant 0 : i32
    %dma_wait3A_1177 = arith.constant 1 : i32
    %dma_wait3A_1178 = arith.constant 0 : i32
    %dma_wait3A_1179 = arith.constant 0 : i32
    %dma_wait3A_1180 = arith.constant 0 : i32
    %dma_wait3A_1181 = tpu.memref_slice %arg6[%dma_wait3A_1176, %dma_wait3A_1177, %dma_wait3A_1179, %dma_wait3A_1180] : memref<2x4x200x64xf32, #tpu.memory_space<vmem>> -> memref<1x1x200x64xf32, #tpu.memory_space<vmem>>
    %dma_wait3A_1182 = tpu.memref_squeeze %dma_wait3A_1181 : memref<1x1x200x64xf32, #tpu.memory_space<vmem>> -> memref<200x64xf32, #tpu.memory_space<vmem>>
    %dma_wait3A_1183 = arith.constant 0 : i32
    %dma_wait3A_1184 = arith.constant 0 : i32
    %dma_wait3A_1185 = tpu.memref_slice %arg4[%dma_wait3A_1178, %dma_wait3A_1183, %dma_wait3A_1184] : memref<16384x200x128xf32, #tpu.memory_space<hbm>> -> memref<1x200x64xf32, #tpu.memory_space<hbm>>
    %dma_wait3A_1186 = tpu.memref_squeeze %dma_wait3A_1185 : memref<1x200x64xf32, #tpu.memory_space<hbm>> -> memref<200x64xf32, #tpu.memory_space<hbm>>
    %dma_wait3A_1187 = arith.constant 0 : i32
    %dma_wait3A_1188 = arith.constant 0 : i32
    %dma_wait3A_1189 = tpu.memref_slice %arg4[%dma_wait3A_1178, %dma_wait3A_1187, %dma_wait3A_1188] : memref<16384x200x128xf32, #tpu.memory_space<hbm>> -> memref<1x200x64xf32, #tpu.memory_space<hbm>>
    %dma_wait3A_1190 = tpu.memref_squeeze %dma_wait3A_1189 : memref<1x200x64xf32, #tpu.memory_space<hbm>> -> memref<200x64xf32, #tpu.memory_space<hbm>>
    %dma_wait3A_1191 = arith.constant 0 : i32
    %dma_wait3A_1192 = arith.constant 0 : i32
    %dma_wait3A_1193 = tpu.memref_slice %arg6[%dma_wait3A_1176, %dma_wait3A_1177, %dma_wait3A_1191, %dma_wait3A_1192] : memref<2x4x200x64xf32, #tpu.memory_space<vmem>> -> memref<1x1x200x64xf32, #tpu.memory_space<vmem>>
    %dma_wait3A_1194 = tpu.memref_squeeze %dma_wait3A_1193 : memref<1x1x200x64xf32, #tpu.memory_space<vmem>> -> memref<200x64xf32, #tpu.memory_space<vmem>>
    tpu.wait_dma2 semaphore(%arg11 : memref<!tpu.dma_semaphore, #tpu.memory_space<semaphore_mem>>) src(%dma_wait3A_1194 : memref<200x64xf32, #tpu.memory_space<vmem>>) dst(%dma_wait3A_1190 : memref<200x64xf32, #tpu.memory_space<hbm>>)
    %dma_wait3A_1195 = arith.constant 0 : i32
    %dma_wait3A_1196 = arith.constant 2 : i32
    %dma_wait3A_1197 = arith.constant 0 : i32
    %dma_wait3A_1198 = arith.constant 0 : i32
    %dma_wait3A_1199 = arith.constant 0 : i32
    %dma_wait3A_1200 = tpu.memref_slice %arg6[%dma_wait3A_1195, %dma_wait3A_1196, %dma_wait3A_1198, %dma_wait3A_1199] : memref<2x4x200x64xf32, #tpu.memory_space<vmem>> -> memref<1x1x200x64xf32, #tpu.memory_space<vmem>>
    %dma_wait3A_1201 = tpu.memref_squeeze %dma_wait3A_1200 : memref<1x1x200x64xf32, #tpu.memory_space<vmem>> -> memref<200x64xf32, #tpu.memory_space<vmem>>
    %dma_wait3A_1202 = arith.constant 0 : i32
    %dma_wait3A_1203 = arith.constant 0 : i32
    %dma_wait3A_1204 = tpu.memref_slice %arg4[%dma_wait3A_1197, %dma_wait3A_1202, %dma_wait3A_1203] : memref<16384x200x128xf32, #tpu.memory_space<hbm>> -> memref<1x200x64xf32, #tpu.memory_space<hbm>>
    %dma_wait3A_1205 = tpu.memref_squeeze %dma_wait3A_1204 : memref<1x200x64xf32, #tpu.memory_space<hbm>> -> memref<200x64xf32, #tpu.memory_space<hbm>>
    %dma_wait3A_1206 = arith.constant 0 : i32
    %dma_wait3A_1207 = arith.constant 0 : i32
    %dma_wait3A_1208 = tpu.memref_slice %arg4[%dma_wait3A_1197, %dma_wait3A_1206, %dma_wait3A_1207] : memref<16384x200x128xf32, #tpu.memory_space<hbm>> -> memref<1x200x64xf32, #tpu.memory_space<hbm>>
    %dma_wait3A_1209 = tpu.memref_squeeze %dma_wait3A_1208 : memref<1x200x64xf32, #tpu.memory_space<hbm>> -> memref<200x64xf32, #tpu.memory_space<hbm>>
    %dma_wait3A_1210 = arith.constant 0 : i32
    %dma_wait3A_1211 = arith.constant 0 : i32
    %dma_wait3A_1212 = tpu.memref_slice %arg6[%dma_wait3A_1195, %dma_wait3A_1196, %dma_wait3A_1210, %dma_wait3A_1211] : memref<2x4x200x64xf32, #tpu.memory_space<vmem>> -> memref<1x1x200x64xf32, #tpu.memory_space<vmem>>
    %dma_wait3A_1213 = tpu.memref_squeeze %dma_wait3A_1212 : memref<1x1x200x64xf32, #tpu.memory_space<vmem>> -> memref<200x64xf32, #tpu.memory_space<vmem>>
    tpu.wait_dma2 semaphore(%arg11 : memref<!tpu.dma_semaphore, #tpu.memory_space<semaphore_mem>>) src(%dma_wait3A_1213 : memref<200x64xf32, #tpu.memory_space<vmem>>) dst(%dma_wait3A_1209 : memref<200x64xf32, #tpu.memory_space<hbm>>)
    %dma_wait3A_1214 = arith.constant 0 : i32
    %dma_wait3A_1215 = arith.constant 3 : i32
    %dma_wait3A_1216 = arith.constant 0 : i32
    %dma_wait3A_1217 = arith.constant 0 : i32
    %dma_wait3A_1218 = arith.constant 0 : i32
    %dma_wait3A_1219 = tpu.memref_slice %arg6[%dma_wait3A_1214, %dma_wait3A_1215, %dma_wait3A_1217, %dma_wait3A_1218] : memref<2x4x200x64xf32, #tpu.memory_space<vmem>> -> memref<1x1x200x64xf32, #tpu.memory_space<vmem>>
    %dma_wait3A_1220 = tpu.memref_squeeze %dma_wait3A_1219 : memref<1x1x200x64xf32, #tpu.memory_space<vmem>> -> memref<200x64xf32, #tpu.memory_space<vmem>>
    %dma_wait3A_1221 = arith.constant 0 : i32
    %dma_wait3A_1222 = arith.constant 0 : i32
    %dma_wait3A_1223 = tpu.memref_slice %arg4[%dma_wait3A_1216, %dma_wait3A_1221, %dma_wait3A_1222] : memref<16384x200x128xf32, #tpu.memory_space<hbm>> -> memref<1x200x64xf32, #tpu.memory_space<hbm>>
    %dma_wait3A_1224 = tpu.memref_squeeze %dma_wait3A_1223 : memref<1x200x64xf32, #tpu.memory_space<hbm>> -> memref<200x64xf32, #tpu.memory_space<hbm>>
    %dma_wait3A_1225 = arith.constant 0 : i32
    %dma_wait3A_1226 = arith.constant 0 : i32
    %dma_wait3A_1227 = tpu.memref_slice %arg4[%dma_wait3A_1216, %dma_wait3A_1225, %dma_wait3A_1226] : memref<16384x200x128xf32, #tpu.memory_space<hbm>> -> memref<1x200x64xf32, #tpu.memory_space<hbm>>
    %dma_wait3A_1228 = tpu.memref_squeeze %dma_wait3A_1227 : memref<1x200x64xf32, #tpu.memory_space<hbm>> -> memref<200x64xf32, #tpu.memory_space<hbm>>
    %dma_wait3A_1229 = arith.constant 0 : i32
    %dma_wait3A_1230 = arith.constant 0 : i32
    %dma_wait3A_1231 = tpu.memref_slice %arg6[%dma_wait3A_1214, %dma_wait3A_1215, %dma_wait3A_1229, %dma_wait3A_1230] : memref<2x4x200x64xf32, #tpu.memory_space<vmem>> -> memref<1x1x200x64xf32, #tpu.memory_space<vmem>>
    %dma_wait3A_1232 = tpu.memref_squeeze %dma_wait3A_1231 : memref<1x1x200x64xf32, #tpu.memory_space<vmem>> -> memref<200x64xf32, #tpu.memory_space<vmem>>
    tpu.wait_dma2 semaphore(%arg11 : memref<!tpu.dma_semaphore, #tpu.memory_space<semaphore_mem>>) src(%dma_wait3A_1232 : memref<200x64xf32, #tpu.memory_space<vmem>>) dst(%dma_wait3A_1228 : memref<200x64xf32, #tpu.memory_space<hbm>>)
    %dma_wait3A_1233 = arith.constant 1 : i32
    %dma_wait3A_1234 = arith.constant 0 : i32
    %dma_wait3A_1235 = arith.constant 0 : i32
    %dma_wait3A_1236 = arith.constant 0 : i32
    %dma_wait3A_1237 = arith.constant 0 : i32
    %dma_wait3A_1238 = tpu.memref_slice %arg6[%dma_wait3A_1233, %dma_wait3A_1234, %dma_wait3A_1236, %dma_wait3A_1237] : memref<2x4x200x64xf32, #tpu.memory_space<vmem>> -> memref<1x1x200x64xf32, #tpu.memory_space<vmem>>
    %dma_wait3A_1239 = tpu.memref_squeeze %dma_wait3A_1238 : memref<1x1x200x64xf32, #tpu.memory_space<vmem>> -> memref<200x64xf32, #tpu.memory_space<vmem>>
    %dma_wait3A_1240 = arith.constant 0 : i32
    %dma_wait3A_1241 = arith.constant 0 : i32
    %dma_wait3A_1242 = tpu.memref_slice %arg4[%dma_wait3A_1235, %dma_wait3A_1240, %dma_wait3A_1241] : memref<16384x200x128xf32, #tpu.memory_space<hbm>> -> memref<1x200x64xf32, #tpu.memory_space<hbm>>
    %dma_wait3A_1243 = tpu.memref_squeeze %dma_wait3A_1242 : memref<1x200x64xf32, #tpu.memory_space<hbm>> -> memref<200x64xf32, #tpu.memory_space<hbm>>
    %dma_wait3A_1244 = arith.constant 0 : i32
    %dma_wait3A_1245 = arith.constant 0 : i32
    %dma_wait3A_1246 = tpu.memref_slice %arg4[%dma_wait3A_1235, %dma_wait3A_1244, %dma_wait3A_1245] : memref<16384x200x128xf32, #tpu.memory_space<hbm>> -> memref<1x200x64xf32, #tpu.memory_space<hbm>>
    %dma_wait3A_1247 = tpu.memref_squeeze %dma_wait3A_1246 : memref<1x200x64xf32, #tpu.memory_space<hbm>> -> memref<200x64xf32, #tpu.memory_space<hbm>>
    %dma_wait3A_1248 = arith.constant 0 : i32
    %dma_wait3A_1249 = arith.constant 0 : i32
    %dma_wait3A_1250 = tpu.memref_slice %arg6[%dma_wait3A_1233, %dma_wait3A_1234, %dma_wait3A_1248, %dma_wait3A_1249] : memref<2x4x200x64xf32, #tpu.memory_space<vmem>> -> memref<1x1x200x64xf32, #tpu.memory_space<vmem>>
    %dma_wait3A_1251 = tpu.memref_squeeze %dma_wait3A_1250 : memref<1x1x200x64xf32, #tpu.memory_space<vmem>> -> memref<200x64xf32, #tpu.memory_space<vmem>>
    tpu.wait_dma2 semaphore(%arg12 : memref<!tpu.dma_semaphore, #tpu.memory_space<semaphore_mem>>) src(%dma_wait3A_1251 : memref<200x64xf32, #tpu.memory_space<vmem>>) dst(%dma_wait3A_1247 : memref<200x64xf32, #tpu.memory_space<hbm>>)
    %dma_wait3A_1252 = arith.constant 1 : i32
    %dma_wait3A_1253 = arith.constant 1 : i32
    %dma_wait3A_1254 = arith.constant 0 : i32
    %dma_wait3A_1255 = arith.constant 0 : i32
    %dma_wait3A_1256 = arith.constant 0 : i32
    %dma_wait3A_1257 = tpu.memref_slice %arg6[%dma_wait3A_1252, %dma_wait3A_1253, %dma_wait3A_1255, %dma_wait3A_1256] : memref<2x4x200x64xf32, #tpu.memory_space<vmem>> -> memref<1x1x200x64xf32, #tpu.memory_space<vmem>>
    %dma_wait3A_1258 = tpu.memref_squeeze %dma_wait3A_1257 : memref<1x1x200x64xf32, #tpu.memory_space<vmem>> -> memref<200x64xf32, #tpu.memory_space<vmem>>
    %dma_wait3A_1259 = arith.constant 0 : i32
    %dma_wait3A_1260 = arith.constant 0 : i32
    %dma_wait3A_1261 = tpu.memref_slice %arg4[%dma_wait3A_1254, %dma_wait3A_1259, %dma_wait3A_1260] : memref<16384x200x128xf32, #tpu.memory_space<hbm>> -> memref<1x200x64xf32, #tpu.memory_space<hbm>>
    %dma_wait3A_1262 = tpu.memref_squeeze %dma_wait3A_1261 : memref<1x200x64xf32, #tpu.memory_space<hbm>> -> memref<200x64xf32, #tpu.memory_space<hbm>>
    %dma_wait3A_1263 = arith.constant 0 : i32
    %dma_wait3A_1264 = arith.constant 0 : i32
    %dma_wait3A_1265 = tpu.memref_slice %arg4[%dma_wait3A_1254, %dma_wait3A_1263, %dma_wait3A_1264] : memref<16384x200x128xf32, #tpu.memory_space<hbm>> -> memref<1x200x64xf32, #tpu.memory_space<hbm>>
    %dma_wait3A_1266 = tpu.memref_squeeze %dma_wait3A_1265 : memref<1x200x64xf32, #tpu.memory_space<hbm>> -> memref<200x64xf32, #tpu.memory_space<hbm>>
    %dma_wait3A_1267 = arith.constant 0 : i32
    %dma_wait3A_1268 = arith.constant 0 : i32
    %dma_wait3A_1269 = tpu.memref_slice %arg6[%dma_wait3A_1252, %dma_wait3A_1253, %dma_wait3A_1267, %dma_wait3A_1268] : memref<2x4x200x64xf32, #tpu.memory_space<vmem>> -> memref<1x1x200x64xf32, #tpu.memory_space<vmem>>
    %dma_wait3A_1270 = tpu.memref_squeeze %dma_wait3A_1269 : memref<1x1x200x64xf32, #tpu.memory_space<vmem>> -> memref<200x64xf32, #tpu.memory_space<vmem>>
    tpu.wait_dma2 semaphore(%arg12 : memref<!tpu.dma_semaphore, #tpu.memory_space<semaphore_mem>>) src(%dma_wait3A_1270 : memref<200x64xf32, #tpu.memory_space<vmem>>) dst(%dma_wait3A_1266 : memref<200x64xf32, #tpu.memory_space<hbm>>)
    %dma_wait3A_1271 = arith.constant 1 : i32
    %dma_wait3A_1272 = arith.constant 2 : i32
    %dma_wait3A_1273 = arith.constant 0 : i32
    %dma_wait3A_1274 = arith.constant 0 : i32
    %dma_wait3A_1275 = arith.constant 0 : i32
    %dma_wait3A_1276 = tpu.memref_slice %arg6[%dma_wait3A_1271, %dma_wait3A_1272, %dma_wait3A_1274, %dma_wait3A_1275] : memref<2x4x200x64xf32, #tpu.memory_space<vmem>> -> memref<1x1x200x64xf32, #tpu.memory_space<vmem>>
    %dma_wait3A_1277 = tpu.memref_squeeze %dma_wait3A_1276 : memref<1x1x200x64xf32, #tpu.memory_space<vmem>> -> memref<200x64xf32, #tpu.memory_space<vmem>>
    %dma_wait3A_1278 = arith.constant 0 : i32
    %dma_wait3A_1279 = arith.constant 0 : i32
    %dma_wait3A_1280 = tpu.memref_slice %arg4[%dma_wait3A_1273, %dma_wait3A_1278, %dma_wait3A_1279] : memref<16384x200x128xf32, #tpu.memory_space<hbm>> -> memref<1x200x64xf32, #tpu.memory_space<hbm>>
    %dma_wait3A_1281 = tpu.memref_squeeze %dma_wait3A_1280 : memref<1x200x64xf32, #tpu.memory_space<hbm>> -> memref<200x64xf32, #tpu.memory_space<hbm>>
    %dma_wait3A_1282 = arith.constant 0 : i32
    %dma_wait3A_1283 = arith.constant 0 : i32
    %dma_wait3A_1284 = tpu.memref_slice %arg4[%dma_wait3A_1273, %dma_wait3A_1282, %dma_wait3A_1283] : memref<16384x200x128xf32, #tpu.memory_space<hbm>> -> memref<1x200x64xf32, #tpu.memory_space<hbm>>
    %dma_wait3A_1285 = tpu.memref_squeeze %dma_wait3A_1284 : memref<1x200x64xf32, #tpu.memory_space<hbm>> -> memref<200x64xf32, #tpu.memory_space<hbm>>
    %dma_wait3A_1286 = arith.constant 0 : i32
    %dma_wait3A_1287 = arith.constant 0 : i32
    %dma_wait3A_1288 = tpu.memref_slice %arg6[%dma_wait3A_1271, %dma_wait3A_1272, %dma_wait3A_1286, %dma_wait3A_1287] : memref<2x4x200x64xf32, #tpu.memory_space<vmem>> -> memref<1x1x200x64xf32, #tpu.memory_space<vmem>>
    %dma_wait3A_1289 = tpu.memref_squeeze %dma_wait3A_1288 : memref<1x1x200x64xf32, #tpu.memory_space<vmem>> -> memref<200x64xf32, #tpu.memory_space<vmem>>
    tpu.wait_dma2 semaphore(%arg12 : memref<!tpu.dma_semaphore, #tpu.memory_space<semaphore_mem>>) src(%dma_wait3A_1289 : memref<200x64xf32, #tpu.memory_space<vmem>>) dst(%dma_wait3A_1285 : memref<200x64xf32, #tpu.memory_space<hbm>>)
    %dma_wait3A_1290 = arith.constant 1 : i32
    %dma_wait3A_1291 = arith.constant 3 : i32
    %dma_wait3A_1292 = arith.constant 0 : i32
    %dma_wait3A_1293 = arith.constant 0 : i32
    %dma_wait3A_1294 = arith.constant 0 : i32
    %dma_wait3A_1295 = tpu.memref_slice %arg6[%dma_wait3A_1290, %dma_wait3A_1291, %dma_wait3A_1293, %dma_wait3A_1294] : memref<2x4x200x64xf32, #tpu.memory_space<vmem>> -> memref<1x1x200x64xf32, #tpu.memory_space<vmem>>
    %dma_wait3A_1296 = tpu.memref_squeeze %dma_wait3A_1295 : memref<1x1x200x64xf32, #tpu.memory_space<vmem>> -> memref<200x64xf32, #tpu.memory_space<vmem>>
    %dma_wait3A_1297 = arith.constant 0 : i32
    %dma_wait3A_1298 = arith.constant 0 : i32
    %dma_wait3A_1299 = tpu.memref_slice %arg4[%dma_wait3A_1292, %dma_wait3A_1297, %dma_wait3A_1298] : memref<16384x200x128xf32, #tpu.memory_space<hbm>> -> memref<1x200x64xf32, #tpu.memory_space<hbm>>
    %dma_wait3A_1300 = tpu.memref_squeeze %dma_wait3A_1299 : memref<1x200x64xf32, #tpu.memory_space<hbm>> -> memref<200x64xf32, #tpu.memory_space<hbm>>
    %dma_wait3A_1301 = arith.constant 0 : i32
    %dma_wait3A_1302 = arith.constant 0 : i32
    %dma_wait3A_1303 = tpu.memref_slice %arg4[%dma_wait3A_1292, %dma_wait3A_1301, %dma_wait3A_1302] : memref<16384x200x128xf32, #tpu.memory_space<hbm>> -> memref<1x200x64xf32, #tpu.memory_space<hbm>>
    %dma_wait3A_1304 = tpu.memref_squeeze %dma_wait3A_1303 : memref<1x200x64xf32, #tpu.memory_space<hbm>> -> memref<200x64xf32, #tpu.memory_space<hbm>>
    %dma_wait3A_1305 = arith.constant 0 : i32
    %dma_wait3A_1306 = arith.constant 0 : i32
    %dma_wait3A_1307 = tpu.memref_slice %arg6[%dma_wait3A_1290, %dma_wait3A_1291, %dma_wait3A_1305, %dma_wait3A_1306] : memref<2x4x200x64xf32, #tpu.memory_space<vmem>> -> memref<1x1x200x64xf32, #tpu.memory_space<vmem>>
    %dma_wait3A_1308 = tpu.memref_squeeze %dma_wait3A_1307 : memref<1x1x200x64xf32, #tpu.memory_space<vmem>> -> memref<200x64xf32, #tpu.memory_space<vmem>>
    tpu.wait_dma2 semaphore(%arg12 : memref<!tpu.dma_semaphore, #tpu.memory_space<semaphore_mem>>) src(%dma_wait3A_1308 : memref<200x64xf32, #tpu.memory_space<vmem>>) dst(%dma_wait3A_1304 : memref<200x64xf32, #tpu.memory_space<hbm>>)
    return
  }
}

</mosaic_0001>

<sc_bundles>
// kernel: kernel.3.cloned.1.call-start
scs
__scs_entry_jumppad:
0x0: {  	(pc) =	sbr.rel $0x88, $3  }
0x1: {  	(tag) =	ssettag $0x0;
	lr =	simm.s32 $0x1  }
0x2: {  	[smem:$0x3F9F] =	sst lr;
	_ =	strace $0xD0000000  }
0x3: {  	_ = 	snop  }
0x4: {  	_ = 	snop  }
0x5: {  	_ = 	snop  }
0x6: {  	_ = 	snop  }
0x7: {  	_ = 	snop  }
__scs_overlays_trampoline_lowered:
0x8: {  	[smem:$0x3FAE] =	sst s0  }
0x9: {  	[smem:$0x3FAF] =	sst s1  }
0xa: {  	[smem:$0x3FB0] =	sst s2  }
0xb: {  	[smem:$0x3FB1] =	sst s3  }
0xc: {  	[smem:$0x3FB2] =	sst s4  }
0xd: {  	[smem:$0x3FB3] =	sst s5  }
0xe: {  	[smem:$0x3FB4] =	sst s6  }
0xf: {  	[smem:$0x3FB5] =	sst s7  }
0x10: {  	[smem:$0x3FB6] =	sst s8  }
0x11: {  	[smem:$0x3FB7] =	sst s9;
	s0 =	simm.s32 @!p0 $0x0  }
0x12: {  	s1 =	sld [smem:$0x3F9D];
	s0 =	simm.s32 @p0 $0x1  }
0x13: {  	[smem:$0x3FB8] =	sst s0;
	s0 =	simm.s32 @!p1 $0x0  }
0x14: {  	s2 =	sld [smem:$0x3F9C];
	s0 =	simm.s32 @p1 $0x1  }
0x15: {  	[smem:$0x3FB9] =	sst s0;
	s0 =	simm.s32 @!p2 $0x0  }
0x16: {  	s3 =	sld [smem:$0x3FDB];
	s0 =	simm.s32 @p2 $0x1  }
0x17: {  	s4 =	simm.s32 $0x1BF5;
	[smem:$0x3FBB] =	sst s0  }
0x18: {  	s0 =	sld [smem:$0x3F9E];
	_ =	swait.ge [sflag:s4], $0x0  }
0x19: {  	s7 =	sld [smem:$0x3F9F]  }
0x1a: {  	s8 =	sadd.s32 $0xFFFFE003, lr  }
0x1b: {  	s9 =	sadd.s32 $0xFFFFFEF7, lr;
	s5 =	simm.s32 $0xFFFFFFFF;
	p2 =	slt.u32 s8, $0xFFFFF086  }
0x1c: {  	p1 =	slt.u32 s9, $0xF7A;
	s5 =	simm.s32 @!p2 $0x0  }
0x1d: {  	s5 =	simm.s32 @p1 $0x1;
	p0 =	seq.s32 s7, s2  }
0x1e: {  	s7 =	smul.u32 @!p0 $0xF7A, s2;
	p2 =	seq.s32 @!p0 s5, $0x0  }
0x1f: {  	s9 =	smul.u32 $0xF7A, s1;
	s8 =	simm.s32 @!p0 $0x1BF5;
	p2 =	por !p2, p0  }
0x20: {  	[sflag:s8] =	ssyncset.s32 @!p0 $0xFFFFF086;
	s6 =	sadd.s32 @!p0 s3, s7;
	s7 =	simm.s32 @!p0 $0x108  }
0x21: {  	s3 =	sadd.s32 s3, s9;
	s6 =	sadd.s32 @!p0 $0x88, s6;
	s7 =	simm.s32 @p2 $0x1082  }
0x22: {  	[simem:s7], [sflag:s8] =	dma.local @!p0 [hbm:s6], $0xF7A  }
0x23: {  	s9 =	sor.u32 $0xD0000000, s2;
	s6 =	simm.s32 $0x108;
	_ =	swait.ge @!p0 [sflag:s8], $0x0  }
0x24: {  	s3 =	sadd.s32 $0x88, s3;
	s6 =	simm.s32 @!p1 $0x1082;
	[sflag:s4] =	ssyncset.s32 $0xFFFFF086  }
0x25: {  	[simem:s6], [sflag:s4] =	dma.local [hbm:s3], $0xF7A  }
0x26: {  	[smem:$0x3F9F] =	sst s1;
	(tag) =	ssettag s2;
	_ =	strace s9  }
0x27: {  	s1 =	sld [smem:$0x3FAF]  }
0x28: {  	s2 =	sld [smem:$0x3FB0]  }
0x29: {  	s4 =	sld [smem:$0x3FB2]  }
0x2a: {  	p0 =	seq.s32 s5, $0x0;
	s5 =	sld [smem:$0x3FB3]  }
0x2b: {  	s6 =	sld [smem:$0x3FB4]  }
0x2c: {  	s7 =	sld [smem:$0x3FB5]  }
0x2d: {  	s3 =	simm.s32 $0x108;
	s8 =	sld [smem:$0x3FB6]  }
0x2e: {  	s3 =	simm.s32 @!p0 $0x1082;
	s9 =	sld [smem:$0x3FB7]  }
0x2f: {  	lr =	sadd.s32 s0, s3;
	s0 =	sld [smem:$0x3FAE]  }
0x30: {  	s3 =	sld [smem:$0x3FB1]  }
0x31: {  	[smem:$0x3FBA] =	sst s10  }
0x32: {  	s10 =	sld [smem:$0x3FB8];
	_ =	sdelay $0x3  }
0x33: {  	p0 =	seq.s32 s10, $0x1;
	s10 =	sld [smem:$0x3FBA];
	_ =	sdelay $0x3  }
0x34: {  	[smem:$0x3FBA] =	sst s10  }
0x35: {  	s10 =	sld [smem:$0x3FB9];
	_ =	sdelay $0x3  }
0x36: {  	p1 =	seq.s32 s10, $0x1;
	s10 =	sld [smem:$0x3FBA];
	_ =	sdelay $0x3  }
0x37: {  	[smem:$0x3FBA] =	sst s10  }
0x38: {  	s10 =	sld [smem:$0x3FBB]  }
0x39: {  	_ = 	snop;
	(pc) =	sbr.ind lr, $3  }
0x3a: {  	_ = 	snop  }
0x3b: {  	_ = 	snop  }
0x3c: {  	p2 =	seq.s32 s10, $0x1;
	s10 =	sld [smem:$0x3FBA]  }
0x3d: {  	_ =	shalt  }
0x3e: {  	_ =	shalt  }
0x3f: {  	_ =	shalt  }
0x40: {  	_ =	shalt  }
0x41: {  	_ =	shalt  }
0x42: {  	_ =	shalt  }
0x43: {  	_ =	shalt  }
0x44: {  	_ =	shalt  }
0x45: {  	_ =	shalt  }
0x46: {  	_ =	shalt  }
0x47: {  	_ =	shalt  }
0x48: {  	_ =	shalt  }
0x49: {  	_ =	shalt  }
0x4a: {  	_ =	shalt  }
0x4b: {  	_ =	shalt  }
0x4c: {  	_ =	shalt  }
0x4d: {  	_ =	shalt  }
0x4e: {  	_ =	shalt  }
0x4f: {  	_ =	shalt  }
0x50: {  	_ =	shalt  }
0x51: {  	_ =	shalt  }
0x52: {  	_ =	shalt  }
0x53: {  	_ =	shalt  }
0x54: {  	_ =	shalt  }
0x55: {  	_ =	shalt  }
0x56: {  	_ =	shalt  }
0x57: {  	_ =	shalt  }
0x58: {  	_ =	shalt  }
0x59: {  	_ =	shalt  }
0x5a: {  	_ =	shalt  }
0x5b: {  	_ =	shalt  }
0x5c: {  	_ =	shalt  }
0x5d: {  	_ =	shalt  }
0x5e: {  	_ =	shalt  }
0x5f: {  	_ =	shalt  }
0x60: {  	_ =	shalt  }
0x61: {  	_ =	shalt  }
0x62: {  	_ =	shalt  }
0x63: {  	_ =	shalt  }
0x64: {  	_ =	shalt  }
0x65: {  	_ =	shalt  }
0x66: {  	_ =	shalt  }
0x67: {  	_ =	shalt  }
0x68: {  	_ =	shalt  }
0x69: {  	_ =	shalt  }
0x6a: {  	_ =	shalt  }
0x6b: {  	_ =	shalt  }
0x6c: {  	_ =	shalt  }
0x6d: {  	_ =	shalt  }
0x6e: {  	_ =	shalt  }
0x6f: {  	_ =	shalt  }
0x70: {  	_ =	shalt  }
0x71: {  	_ =	shalt  }
0x72: {  	_ =	shalt  }
0x73: {  	_ =	shalt  }
0x74: {  	_ =	shalt  }
0x75: {  	_ =	shalt  }
0x76: {  	_ =	shalt  }
0x77: {  	_ =	shalt  }
0x78: {  	_ =	shalt  }
0x79: {  	_ =	shalt  }
0x7a: {  	_ =	shalt  }
0x7b: {  	_ =	shalt  }
0x7c: {  	_ =	shalt  }
0x7d: {  	_ =	shalt  }
0x7e: {  	_ =	shalt  }
0x7f: {  	_ =	shalt  }
0x80: {  	_ =	shalt  }
0x81: {  	_ =	shalt  }
0x82: {  	_ =	shalt  }
0x83: {  	_ =	shalt  }
0x84: {  	_ =	shalt  }
0x85: {  	_ =	shalt  }
0x86: {  	_ =	shalt  }
0x87: {  	_ =	shalt  }
.Lfunc_end0:
.L_simem_size_0:
called_computation.1_lowered:
.L_overlay_start_0:
0x88: {  	s2 =	sld [smem:$0x3FD9]  }
0x89: {  	s3 =	sld [smem:$0x3FFE];
	_ =	sdelay $0x1  }
0x8a: {  	s1 =	srdreg.scid  }
0x8b: {  	s0 =	sand.u32 $0x1, s1  }
0x8c: {  	s16 =	sshll.u32 s0, $0xA;
	s2 =	sadd.s32 s3, s2  }
0x8d: {  	s2 =	sadd.s32 s2, s16  }
0x8e: {  	[smem:$0x3FC6] =	sst s2  }
0x8f: {  	_ = 	snop  }
0x90: {  	(tm) =	ssettm $0x1  }
0x91: {  	s17 =	sld [smem:$0x3FFB];
	_ =	sdelay $0x3  }
0x92: {  	_ =	strace s17  }
0x93: {  	s2 =	sld [smem:$0x3FFC];
	_ =	sdelay $0x3  }
0x94: {  	_ =	strace s2  }
0x95: {  	s2 =	sld [smem:$0x3FFD];
	_ =	sdelay $0x3  }
0x96: {  	_ =	strace s2  }
0x97: {  	_ =	strace $0x8FFFFFFF  }
0x98: {  	s18 =	sld [smem:$0x3FDB];
	_ =	sdelay $0x1  }
0x99: {  	s19 =	simm.s32 $_scs_section_size  }
0x9a: {  	s4 =	simm.s32 $_size__tile_overlayer_lowered;
	s5 =	simm.s32 $_tile_overlayer_lowered  }
0x9b: {  	s22 =	simm.s32 $0x1BFF;
	s21 =	sshll.u32 s5, $0x1;
	s2 =	sadd.s32 s19, s18  }
0x9c: {  	s6 =	simm.s32 $0x0;
	s20 =	sshll.u32 s4, $0x1;
	s4 =	sadd.s32 s21, s2  }
0x9d: {  	[timem:s6], [sflag:s22] =	dma.local [hbm:s4], s20  }
0x9e: {  	_ =	swait.ge [sflag:s22], s20  }
0x9f: {  	s3 =	ssub.s32 $0x0, s20;
	[sflag:s22] =	ssyncset.done $0x0  }
0xa0: {  	[sflag:s22] =	ssyncadd.s32 s3;
	_ =	sdelay $0x1  }
0xa1: {  	s23 =	simm.s32 $0x1B8B  }
0xa2: {  	_ =	swait.ge [sflag:s23], $0x1  }
0xa3: {  	[sflag:s23] =	ssyncset.done $0x0  }
0xa4: {  	s25 =	simm.s32 $0x1B8E;
	s24 =	sld [smem:$0x3FFE];
	[sflag:s23] =	ssyncadd.s32 $0xFFFFFFFF  }
0xa5: {  	s26 =	simm.s32 $execute0_lowered;
	[smem:$0x3FD2] =	sst s25  }
0xa6: {  	s4 =	sshll.u32 s26, $0x1;
	_ =	strace $0x80000046;
	[dreg:$0x1] =	wrdreg $0xFFFFFFFF  }
0xa7: {  	s28 =	simm.s32 $_size_execute0_lowered;
	s2 =	sadd.s32 s2, s4;
	[dreg:$0x0] =	wrdreg $0x0  }
0xa8: {  	s4 =	sshll.u32 s28, $0x1;
	[dreg:$0x2] =	wrdreg s2  }
0xa9: {  	[dreg:$0x3] =	wrdreg s4  }
0xaa: {  	[dreg:$0x4] =	wrdreg $0xC0  }
0xab: {  	_ =	task [dreg:s6], $0x5FFFF  }
0xac: {  	[dreg:$0x1] =	wrdreg $0xFFFFFFFF  }
0xad: {  	[dreg:$0x0] =	wrdreg $0x60  }
0xae: {  	[dreg:$0x2] =	wrdreg s24  }
0xaf: {  	[dreg:$0x3] =	wrdreg $0x9  }
0xb0: {  	_ =	task.clear_ibuf [dreg:s6], $0x4FFFF;
	_ =	strace $0x90000046  }
0xb1: {  	s29 =	simm.s32 $0x9;
	_ =	strace $0x80000048  }
0xb2: {  	_ =	swait.ge [sflag:s29], $0x1  }
0xb3: {  	[sflag:s29] =	ssyncadd.s32 $0xFFFFFFFF  }
0xb4: {  	_ =	strace $0x90000048  }
0xb5: {  	_ =	sfence  }
0xb6: {  	s30 =	sld [smem:$0x0];
	_ =	sdelay $0x2  }
0xb7: {  	s31 =	sshll.u32 s1, $0xD;
	s1 =	sshrl.u32 s1, $0x2  }
0xb8: {  	s3 =	sand.u32 $0x4000, s31;
	s1 =	sadd.s32 s1, s30  }
0xb9: {  	s0 =	sor.u32 s3, s0;
	s1 =	sshll.u32 s1, $0x11  }
0xba: {  	s0 =	sor.u32 s1, s0  }
0xbb: {  	s0 =	sadd.s32 $0x8F2B, s0  }
0xbc: {  	[sflag:s0] =	ssyncadd.remote.s32 $0x1  }
0xbd: {  	_ =	sfence.sel $0xFFFF  }
0xbe: {  	[dreg:$0x0] =	wrdreg $0xFFFFFFFF;
	(pc) =	sbr.abs _section_cstart, $3  }
0xbf: {  	[dreg:$0x1] =	wrdreg $0xFFFFFFFF  }
0xc0: {  	_ =	task.clear_ibuf [dreg:s6], $0x2FFFF;
	_ =	strace $0x9FFFFFFF  }
0xc1: {  	(tm) =	ssettm $0x7FFFFFFF  }
tec
execute0_lowered:
.L_overlay_start_1:
0x0: {  	(tag) =	ssettag $0x1  }
0x1: {  	s0 =	rddreg [dreg:$0x0];
	s1 =	srdreg.scid;
	s2 =	simm.s32 $0x0  }
0x2: {  	s12 =	stileid.u32;
	s28 =	simm.s32 $0xC8;
	s29 =	simm.s32 $0x640  }
0x3: {  	s30 =	simm.s32 $0x3840;
	s1 =	sand.u32 $0x1, s1;
	[smem:$0x7FF] =	sst s2  }
0x4: {  	s3 =	sshll.u32 s12, $0xA;
	s5 =	sadd.s32 $0x800, s0;
	s23 =	smul.u32 $0x320000, s12  }
0x5: {  	s10 =	sadd.s32 $0x805A00, s0;
	s4 =	sshll.u32 s1, $0x9;
	s17 =	smul.u32 $0x3200, s1  }
0x6: {  	_ =	strace $0x80000047;
	s8 =	ssub.s32 $0x2, s1;
	s22 =	smul.u32 $0xC80000, s1  }
0x7: {  	s1 =	smul.u32 $0x190000, s1;
	s4 =	sor.u32 s4, s3;
	s24 =	sshrl.u32 s8, $0x1  }
0x8: {  	s3 =	sadd.s32 $0x64800, s0;
	s0 =	ssub.s32 s8, s24;
	s24 =	sadd.s32 s23, s10  }
0x9: {  	s6 =	smul.u32 $0x19, s4;
	s7 =	sor.u32 $0x4, s4;
	s1 =	sadd.s32 s1, s24  }
0xa: {  	s11 =	smul.u32 $0xC80, s4;
	s0 =	smax.u32 s0, $0x1;
	[dreg:$0x2] =	wrdreg s1  }
0xb: {  	s9 =	smul.u32 $0x19, s7;
	s13 =	sadd.s32 s5, s6;
	[dreg:$0x1d] =	wrdreg s0  }
0xc: {  	s15 =	smul.u32 $0x6400, s12;
	s14 =	sadd.s32 s10, s11;
	[dreg:$0x9] =	wrdreg s13  }
0xd: {  	s20 =	smul.u32 $0x1900000, s12;
	s9 =	sadd.s32 s5, s9;
	[dreg:$0xa] =	wrdreg s14  }
0xe: {  	s8 =	sor.u32 $0x1FC, s4;
	s26 =	sadd.s32 $0xC80, s14;
	[dreg:$0xb] =	wrdreg s9  }
0xf: {  	s4 =	smul.u32 $0x6400, s4;
	s31 =	sadd.s32 $0x1900, s14;
	[dreg:$0xc] =	wrdreg s26  }
0x10: {  	s7 =	smul.u32 $0xC80, s7;
	s11 =	sadd.s32 $0x2580, s14;
	[dreg:$0xd] =	wrdreg s31  }
0x11: {  	s25 =	smul.u32 $0x19, s8;
	s16 =	sadd.s32 $0xC8, s13;
	[dreg:$0xe] =	wrdreg s11  }
0x12: {  	s8 =	smul.u32 $0xC80, s8;
	s7 =	sadd.s32 s10, s7;
	[dreg:$0xf] =	wrdreg s16  }
0x13: {  	s4 =	sshrl.u32 s4, $0x3;
	s18 =	sadd.s32 $0x3E80, s14;
	[dreg:$0x10] =	wrdreg s7  }
0x14: {  	s0 =	simm.s32 $0x6A40;
	s19 =	sadd.s32 $0x4B00, s14;
	[dreg:$0x11] =	wrdreg s18  }
0x15: {  	s21 =	sadd.s32 $0x5780, s14;
	s6 =	sadd.s32 s5, s25;
	[dreg:$0x12] =	wrdreg s19  }
0x16: {  	s5 =	sadd.s32 s15, s5;
	s4 =	sadd.s32 s10, s4;
	[dreg:$0x13] =	wrdreg s21  }
0x17: {  	s23 =	sadd.s32 s10, s8;
	s8 =	simm.s32 $0x3;
	[dreg:$0x14] =	wrdreg s6  }
0x18: {  	s6 =	sadd.s32 s22, s20;
	s5 =	sadd.s32 s17, s5;
	s26 =	sadd.s32 $0x189C00, s4  }
0x19: {  	s14 =	sadd.s32 $0x18A880, s4;
	s20 =	sadd.s32 $0x18B500, s4;
	[dreg:$0x19] =	wrdreg s23  }
0x1a: {  	s22 =	sadd.s32 $0x18C180, s4;
	s24 =	sadd.s32 $0x18DA80, s4;
	[dreg:$0x15] =	wrdreg s26  }
0x1b: {  	s25 =	sor.u32 $0x44C00, s6;
	s11 =	sor.u32 $0x3E800, s6;
	[dreg:$0x16] =	wrdreg s14  }
0x1c: {  	s13 =	sor.u32 $0x38400, s6;
	s16 =	sor.u32 $0x5DC00, s6;
	[dreg:$0x17] =	wrdreg s20  }
0x1d: {  	s18 =	sor.u32 $0x57800, s6;
	s6 =	sor.u32 $0x51400, s6;
	[dreg:$0x18] =	wrdreg s22  }
0x1e: {  	[dreg:$0x1a] =	wrdreg s24;
	s26 =	sadd.s32 $0x18F380, s4;
	s14 =	simm.s32 $0x10040  }
0x1f: {  	s20 =	simm.s32 $0x6;
	s31 =	sshrl.u32 s25, $0x3;
	s12 =	sshrl.u32 s11, $0x3  }
0x20: {  	s7 =	sshrl.u32 s13, $0x3;
	s17 =	sshrl.u32 s16, $0x3;
	s21 =	sshrl.u32 s6, $0x3  }
0x21: {  	s25 =	sadd.s32 $0x18E700, s4;
	[dreg:$0x1c] =	wrdreg s26;
	s26 =	simm.s32 $0x1  }
0x22: {  	s6 =	simm.s32 $0x9C40;
	s11 =	simm.s32 $0x2;
	s13 =	simm.s32 $0x258  }
0x23: {  	s4 =	simm.s32 $0x3E8;
	s16 =	simm.s32 $0x4B0;
	s9 =	sadd.s32 s31, s10  }
0x24: {  	s1 =	sadd.s32 s12, s10;
	s15 =	sadd.s32 s7, s10;
	[dreg:$0x1b] =	wrdreg s25  }
0x25: {  	s7 =	sshrl.u32 s18, $0x3;
	s31 =	sadd.s32 $0x190, s5;
	[dreg:$0x3] =	wrdreg s9  }
0x26: {  	s12 =	simm.s32 $0xCE40;
	s18 =	simm.s32 $0x4;
	[dreg:$0x4] =	wrdreg s1  }
0x27: {  	[dreg:$0x5] =	wrdreg s15;
	s1 =	sadd.s32 s17, s10;
	s19 =	sadd.s32 s7, s10  }
0x28: {  	[dreg:$0x1e] =	wrdreg s31;
	s7 =	simm.s32 $0x320;
	s9 =	simm.s32 $0x40  }
0x29: {  	s15 =	simm.s32 $0x13240;
	s17 =	simm.s32 $0x16440;
	[dreg:$0x6] =	wrdreg s1  }
0x2a: {  	[dreg:$0x7] =	wrdreg s19;
	s1 =	sadd.s32 s21, s10;
	s10 =	simm.s32 $0x80  }
0x2b: {  	s19 =	simm.s32 $0x5;
	[dreg:$0x8] =	wrdreg s1;
	s1 =	simm.s32 $0x0  }
.LBB2_1:
0x2c: {  	[dreg:$0x1f] =	wrdreg s1  }
0x2d: {  	s5 =	rddreg [dreg:$0x9]  }
0x2e: {  	[tilespmem:s2], [sflag:$0x1] =	stream.linear.gather [hbm4b:s5+s2], $0x320, $0x38;
	[tilespmem:$0x19640] =	vst v63  }
0x2f: {  	_ =	swait.ge [sflag:s26], $0x320  }
0x30: {  	[sflag:s26] =	ssyncset.done $0x0  }
0x31: {  	[sflag:s26] =	ssyncadd.s32 $0xFFFFFCE0  }
0x32: {  	[tilespmem:s29], [sflag:$0x3] =	stream.indirect.gather [hbm4b:s3+s28], $0x40, s2, s28, $0xb8;
	[tilespmem:$0x19640] =	vst v63  }
0x33: {  	_ = 	snop  }
0x34: {  	[tilespmem:s30], [sflag:$0x3] =	stream.indirect.gather [hbm4b:s3+s28], $0x40, s28, s28, $0xb8;
	[tilespmem:$0x19640] =	vst v63  }
0x35: {  	s21 =	simm.s32 $0x190  }
0x36: {  	[tilespmem:s0], [sflag:$0x3] =	stream.indirect.gather [hbm4b:s3+s28], $0x40, s21, s28, $0xb8;
	[tilespmem:$0x19640] =	vst v63  }
0x37: {  	s22 =	simm.s32 $0x258  }
0x38: {  	[tilespmem:s6], [sflag:$0x3] =	stream.indirect.gather [hbm4b:s3+s28], $0x40, s22, s28, $0xb8;
	[tilespmem:$0x19640] =	vst v63  }
0x39: {  	s1 =	rddreg [dreg:$0xb]  }
0x3a: {  	[tilespmem:s7], [sflag:$0x2] =	stream.linear.gather [hbm4b:s1+s2], $0x320, $0x38;
	[tilespmem:$0x19640] =	vst v63  }
0x3b: {  	_ =	swait.ge [sflag:s8], $0x3200  }
0x3c: {  	[sflag:s8] =	ssyncset.done $0x0  }
0x3d: {  	[sflag:s8] =	ssyncadd.s32 $0xFFFFCE00  }
0x3e: {  	_ =	swait.ge [sflag:s8], $0x3200  }
0x3f: {  	[sflag:s8] =	ssyncset.done $0x0  }
0x40: {  	[sflag:s8] =	ssyncadd.s32 $0xFFFFCE00  }
0x41: {  	_ =	swait.ge [sflag:s8], $0x3200  }
0x42: {  	[sflag:s8] =	ssyncset.done $0x0  }
0x43: {  	[sflag:s8] =	ssyncadd.s32 $0xFFFFCE00  }
0x44: {  	_ =	swait.ge [sflag:s8], $0x3200  }
0x45: {  	[sflag:s8] =	ssyncset.done $0x0  }
0x46: {  	s23 =	rddreg [dreg:$0xa];
	[sflag:s8] =	ssyncadd.s32 $0xFFFFCE00  }
0x47: {  	[hbm4b:s23+s9] =	stream.strided.scatter [tilespmem:s29], [sflag:$0x5], $0x3200, s10, s9, $0x38;
	[tilespmem:$0x19640] =	vst v63  }
0x48: {  	s24 =	rddreg [dreg:$0xc]  }
0x49: {  	[hbm4b:s24+s9] =	stream.strided.scatter [tilespmem:s30], [sflag:$0x5], $0x3200, s10, s9, $0x38;
	[tilespmem:$0x19640] =	vst v63  }
0x4a: {  	s25 =	rddreg [dreg:$0xd]  }
0x4b: {  	[hbm4b:s25+s9] =	stream.strided.scatter [tilespmem:s0], [sflag:$0x5], $0x3200, s10, s9, $0x38;
	[tilespmem:$0x19640] =	vst v63  }
0x4c: {  	s31 =	rddreg [dreg:$0xe]  }
0x4d: {  	[hbm4b:s31+s9] =	stream.strided.scatter [tilespmem:s6], [sflag:$0x5], $0x3200, s10, s9, $0x38;
	[tilespmem:$0x19640] =	vst v63  }
0x4e: {  	_ =	swait.ge [sflag:s11], $0x320  }
0x4f: {  	[sflag:s11] =	ssyncset.done $0x0  }
0x50: {  	[sflag:s11] =	ssyncadd.s32 $0xFFFFFCE0  }
0x51: {  	[tilespmem:s12], [sflag:$0x4] =	stream.indirect.gather [hbm4b:s3+s28], $0x40, s7, s28, $0xb8;
	[tilespmem:$0x19640] =	vst v63  }
0x52: {  	s24 =	simm.s32 $0x3E8  }
0x53: {  	[tilespmem:s14], [sflag:$0x4] =	stream.indirect.gather [hbm4b:s3+s28], $0x40, s24, s28, $0xb8;
	[tilespmem:$0x19640] =	vst v63  }
0x54: {  	s25 =	simm.s32 $0x4B0  }
0x55: {  	[tilespmem:s15], [sflag:$0x4] =	stream.indirect.gather [hbm4b:s3+s28], $0x40, s25, s28, $0xb8;
	[tilespmem:$0x19640] =	vst v63  }
0x56: {  	s31 =	simm.s32 $0x578  }
0x57: {  	[tilespmem:s17], [sflag:$0x4] =	stream.indirect.gather [hbm4b:s3+s28], $0x40, s31, s28, $0xb8;
	[tilespmem:$0x19640] =	vst v63  }
0x58: {  	s1 =	rddreg [dreg:$0xf]  }
0x59: {  	[tilespmem:s2], [sflag:$0x1] =	stream.linear.gather [hbm4b:s1+s2], $0x320, $0x38;
	[tilespmem:$0x19640] =	vst v63  }
0x5a: {  	_ =	swait.ge [sflag:s18], $0x3200  }
0x5b: {  	[sflag:s18] =	ssyncset.done $0x0  }
0x5c: {  	[sflag:s18] =	ssyncadd.s32 $0xFFFFCE00  }
0x5d: {  	_ =	swait.ge [sflag:s18], $0x3200  }
0x5e: {  	[sflag:s18] =	ssyncset.done $0x0  }
0x5f: {  	[sflag:s18] =	ssyncadd.s32 $0xFFFFCE00  }
0x60: {  	_ =	swait.ge [sflag:s18], $0x3200  }
0x61: {  	[sflag:s18] =	ssyncset.done $0x0  }
0x62: {  	[sflag:s18] =	ssyncadd.s32 $0xFFFFCE00  }
0x63: {  	_ =	swait.ge [sflag:s18], $0x3200  }
0x64: {  	[sflag:s18] =	ssyncset.done $0x0  }
0x65: {  	s23 =	rddreg [dreg:$0x10];
	[sflag:s18] =	ssyncadd.s32 $0xFFFFCE00  }
0x66: {  	[hbm4b:s23+s9] =	stream.strided.scatter [tilespmem:s12], [sflag:$0x6], $0x3200, s10, s9, $0x38;
	[tilespmem:$0x19640] =	vst v63  }
0x67: {  	s1 =	rddreg [dreg:$0x11]  }
0x68: {  	[hbm4b:s1+s9] =	stream.strided.scatter [tilespmem:s14], [sflag:$0x6], $0x3200, s10, s9, $0x38;
	[tilespmem:$0x19640] =	vst v63  }
0x69: {  	s23 =	rddreg [dreg:$0x12]  }
0x6a: {  	[hbm4b:s23+s9] =	stream.strided.scatter [tilespmem:s15], [sflag:$0x6], $0x3200, s10, s9, $0x38;
	[tilespmem:$0x19640] =	vst v63  }
0x6b: {  	s1 =	rddreg [dreg:$0x13]  }
0x6c: {  	[hbm4b:s1+s9] =	stream.strided.scatter [tilespmem:s17], [sflag:$0x6], $0x3200, s10, s9, $0x38;
	[tilespmem:$0x19640] =	vst v63  }
0x6d: {  	_ =	swait.ge [sflag:s26], $0x320  }
0x6e: {  	[sflag:s26] =	ssyncset.done $0x0  }
0x6f: {  	[sflag:s26] =	ssyncadd.s32 $0xFFFFFCE0  }
0x70: {  	_ =	swait.ge [sflag:s19], $0x3200  }
0x71: {  	[sflag:s19] =	ssyncset.done $0x0  }
0x72: {  	[sflag:s19] =	ssyncadd.s32 $0xFFFFCE00  }
0x73: {  	_ =	swait.ge [sflag:s19], $0x3200  }
0x74: {  	[sflag:s19] =	ssyncset.done $0x0  }
0x75: {  	[sflag:s19] =	ssyncadd.s32 $0xFFFFCE00  }
0x76: {  	_ =	swait.ge [sflag:s19], $0x3200  }
0x77: {  	[sflag:s19] =	ssyncset.done $0x0  }
0x78: {  	[sflag:s19] =	ssyncadd.s32 $0xFFFFCE00  }
0x79: {  	_ =	swait.ge [sflag:s19], $0x3200  }
0x7a: {  	[sflag:s19] =	ssyncset.done $0x0  }
0x7b: {  	[sflag:s19] =	ssyncadd.s32 $0xFFFFCE00  }
0x7c: {  	[tilespmem:s29], [sflag:$0x3] =	stream.indirect.gather [hbm4b:s3+s28], $0x40, s2, s28, $0xb8;
	[tilespmem:$0x19640] =	vst v63  }
0x7d: {  	_ = 	snop  }
0x7e: {  	[tilespmem:s30], [sflag:$0x3] =	stream.indirect.gather [hbm4b:s3+s28], $0x40, s28, s28, $0xb8;
	[tilespmem:$0x19640] =	vst v63  }
0x7f: {  	_ = 	snop  }
0x80: {  	[tilespmem:s0], [sflag:$0x3] =	stream.indirect.gather [hbm4b:s3+s28], $0x40, s21, s28, $0xb8;
	[tilespmem:$0x19640] =	vst v63  }
0x81: {  	s21 =	rddreg [dreg:$0x1e]  }
0x82: {  	[tilespmem:s6], [sflag:$0x3] =	stream.indirect.gather [hbm4b:s3+s28], $0x40, s22, s28, $0xb8;
	[tilespmem:$0x19640] =	vst v63  }
0x83: {  	s22 =	sadd.s32 $0xFFFFFF9C, s21  }
0x84: {  	[tilespmem:s7], [sflag:$0x2] =	stream.linear.gather [hbm4b:s22+s2], $0x320, $0x38;
	[tilespmem:$0x19640] =	vst v63  }
0x85: {  	_ =	swait.ge [sflag:s8], $0x3200  }
0x86: {  	[sflag:s8] =	ssyncset.done $0x0  }
0x87: {  	[sflag:s8] =	ssyncadd.s32 $0xFFFFCE00  }
0x88: {  	_ =	swait.ge [sflag:s8], $0x3200  }
0x89: {  	[sflag:s8] =	ssyncset.done $0x0  }
0x8a: {  	[sflag:s8] =	ssyncadd.s32 $0xFFFFCE00  }
0x8b: {  	_ =	swait.ge [sflag:s8], $0x3200  }
0x8c: {  	[sflag:s8] =	ssyncset.done $0x0  }
0x8d: {  	[sflag:s8] =	ssyncadd.s32 $0xFFFFCE00  }
0x8e: {  	_ =	swait.ge [sflag:s8], $0x3200  }
0x8f: {  	s23 =	rddreg [dreg:$0x2]  }
0x90: {  	[sflag:s8] =	ssyncset.done $0x0;
	s5 =	sadd.s32 $0x0, s23  }
0x91: {  	s1 =	rddreg [dreg:$0x5];
	[sflag:s8] =	ssyncadd.s32 $0xFFFFCE00;
	s23 =	sadd.s32 $0x6400, s5  }
0x92: {  	[hbm4b:s23+s9] =	stream.strided.scatter [tilespmem:s29], [sflag:$0x5], $0x3200, s10, s9, $0x38;
	[tilespmem:$0x19640] =	vst v63  }
0x93: {  	s22 =	sadd.s32 $0x0, s1;
	s23 =	rddreg [dreg:$0x4]  }
0x94: {  	[hbm4b:s22+s9] =	stream.strided.scatter [tilespmem:s30], [sflag:$0x5], $0x3200, s10, s9, $0x38;
	[tilespmem:$0x19640] =	vst v63  }
0x95: {  	s1 =	rddreg [dreg:$0x3];
	s23 =	sadd.s32 $0x0, s23  }
0x96: {  	[hbm4b:s23+s9] =	stream.strided.scatter [tilespmem:s0], [sflag:$0x5], $0x3200, s10, s9, $0x38;
	[tilespmem:$0x19640] =	vst v63  }
0x97: {  	s22 =	sadd.s32 $0x0, s1  }
0x98: {  	[hbm4b:s22+s9] =	stream.strided.scatter [tilespmem:s6], [sflag:$0x5], $0x3200, s10, s9, $0x38;
	[tilespmem:$0x19640] =	vst v63  }
0x99: {  	_ =	swait.ge [sflag:s11], $0x320  }
0x9a: {  	[sflag:s11] =	ssyncset.done $0x0  }
0x9b: {  	[sflag:s11] =	ssyncadd.s32 $0xFFFFFCE0  }
0x9c: {  	_ =	swait.ge [sflag:s20], $0x3200  }
0x9d: {  	[sflag:s20] =	ssyncset.done $0x0  }
0x9e: {  	[sflag:s20] =	ssyncadd.s32 $0xFFFFCE00  }
0x9f: {  	_ =	swait.ge [sflag:s20], $0x3200  }
0xa0: {  	[sflag:s20] =	ssyncset.done $0x0  }
0xa1: {  	[sflag:s20] =	ssyncadd.s32 $0xFFFFCE00  }
0xa2: {  	_ =	swait.ge [sflag:s20], $0x3200  }
0xa3: {  	[sflag:s20] =	ssyncset.done $0x0  }
0xa4: {  	[sflag:s20] =	ssyncadd.s32 $0xFFFFCE00  }
0xa5: {  	_ =	swait.ge [sflag:s20], $0x3200  }
0xa6: {  	[sflag:s20] =	ssyncset.done $0x0  }
0xa7: {  	[sflag:s20] =	ssyncadd.s32 $0xFFFFCE00  }
0xa8: {  	[tilespmem:s12], [sflag:$0x4] =	stream.indirect.gather [hbm4b:s3+s28], $0x40, s7, s28, $0xb8;
	[tilespmem:$0x19640] =	vst v63  }
0xa9: {  	_ = 	snop  }
0xaa: {  	[tilespmem:s14], [sflag:$0x4] =	stream.indirect.gather [hbm4b:s3+s28], $0x40, s24, s28, $0xb8;
	[tilespmem:$0x19640] =	vst v63  }
0xab: {  	_ = 	snop  }
0xac: {  	[tilespmem:s15], [sflag:$0x4] =	stream.indirect.gather [hbm4b:s3+s28], $0x40, s25, s28, $0xb8;
	[tilespmem:$0x19640] =	vst v63  }
0xad: {  	_ = 	snop  }
0xae: {  	[tilespmem:s17], [sflag:$0x4] =	stream.indirect.gather [hbm4b:s3+s28], $0x40, s31, s28, $0xb8;
	[tilespmem:$0x19640] =	vst v63  }
0xaf: {  	_ = 	snop  }
0xb0: {  	[tilespmem:s2], [sflag:$0x1] =	stream.linear.gather [hbm4b:s21+s2], $0x320, $0x38;
	[tilespmem:$0x19640] =	vst v63  }
0xb1: {  	_ =	swait.ge [sflag:s18], $0x3200  }
0xb2: {  	[sflag:s18] =	ssyncset.done $0x0  }
0xb3: {  	[sflag:s18] =	ssyncadd.s32 $0xFFFFCE00  }
0xb4: {  	_ =	swait.ge [sflag:s18], $0x3200  }
0xb5: {  	[sflag:s18] =	ssyncset.done $0x0  }
0xb6: {  	[sflag:s18] =	ssyncadd.s32 $0xFFFFCE00  }
0xb7: {  	_ =	swait.ge [sflag:s18], $0x3200  }
0xb8: {  	[sflag:s18] =	ssyncset.done $0x0  }
0xb9: {  	[sflag:s18] =	ssyncadd.s32 $0xFFFFCE00  }
0xba: {  	_ =	swait.ge [sflag:s18], $0x3200  }
0xbb: {  	s5 =	sadd.s32 $0x9600, s5;
	[sflag:s18] =	ssyncset.done $0x0;
	s25 =	rddreg [dreg:$0x8]  }
0xbc: {  	s1 =	simm.s32 $0x578;
	s31 =	rddreg [dreg:$0x7];
	[sflag:s18] =	ssyncadd.s32 $0xFFFFCE00  }
0xbd: {  	[hbm4b:s5+s9] =	stream.strided.scatter [tilespmem:s12], [sflag:$0x6], $0x3200, s10, s9, $0x38;
	[tilespmem:$0x19640] =	vst v63  }
0xbe: {  	s23 =	sadd.s32 $0xC8, s21;
	s24 =	sadd.s32 $0x0, s25;
	s25 =	rddreg [dreg:$0x6]  }
0xbf: {  	[hbm4b:s24+s9] =	stream.strided.scatter [tilespmem:s14], [sflag:$0x6], $0x3200, s10, s9, $0x38;
	[tilespmem:$0x19640] =	vst v63  }
0xc0: {  	s22 =	simm.s32 $0x6400;
	s31 =	sadd.s32 $0x0, s31;
	s5 =	sadd.s32 $0x0, s25  }
0xc1: {  	[hbm4b:s31+s9] =	stream.strided.scatter [tilespmem:s15], [sflag:$0x6], $0x3200, s10, s9, $0x38;
	[tilespmem:$0x19640] =	vst v63  }
.LBB2_2:
0xc2: {  	[hbm4b:s5+s9] =	stream.strided.scatter [tilespmem:s17], [sflag:$0x6], $0x3200, s10, s9, $0x38;
	[tilespmem:$0x19640] =	vst v63  }
0xc3: {  	_ =	swait.ge [sflag:s26], $0x320  }
0xc4: {  	[sflag:s26] =	ssyncset.done $0x0  }
0xc5: {  	[sflag:s26] =	ssyncadd.s32 $0xFFFFFCE0  }
0xc6: {  	_ =	swait.ge [sflag:s19], $0x3200  }
0xc7: {  	[sflag:s19] =	ssyncset.done $0x0  }
0xc8: {  	[sflag:s19] =	ssyncadd.s32 $0xFFFFCE00  }
0xc9: {  	_ =	swait.ge [sflag:s19], $0x3200  }
0xca: {  	[sflag:s19] =	ssyncset.done $0x0  }
0xcb: {  	[sflag:s19] =	ssyncadd.s32 $0xFFFFCE00  }
0xcc: {  	_ =	swait.ge [sflag:s19], $0x3200  }
0xcd: {  	[sflag:s19] =	ssyncset.done $0x0  }
0xce: {  	[sflag:s19] =	ssyncadd.s32 $0xFFFFCE00  }
0xcf: {  	_ =	swait.ge [sflag:s19], $0x3200  }
0xd0: {  	[sflag:s19] =	ssyncset.done $0x0  }
0xd1: {  	[sflag:s19] =	ssyncadd.s32 $0xFFFFCE00  }
0xd2: {  	[tilespmem:s29], [sflag:$0x3] =	stream.indirect.gather [hbm4b:s3+s28], $0x40, s2, s28, $0xb8;
	[tilespmem:$0x19640] =	vst v63  }
0xd3: {  	_ = 	snop  }
0xd4: {  	[tilespmem:s30], [sflag:$0x3] =	stream.indirect.gather [hbm4b:s3+s28], $0x40, s28, s28, $0xb8;
	[tilespmem:$0x19640] =	vst v63  }
0xd5: {  	s31 =	simm.s32 $0x190  }
0xd6: {  	[tilespmem:s0], [sflag:$0x3] =	stream.indirect.gather [hbm4b:s3+s28], $0x40, s31, s28, $0xb8;
	[tilespmem:$0x19640] =	vst v63  }
0xd7: {  	_ = 	snop  }
0xd8: {  	[tilespmem:s6], [sflag:$0x3] =	stream.indirect.gather [hbm4b:s3+s28], $0x40, s13, s28, $0xb8;
	[tilespmem:$0x19640] =	vst v63  }
0xd9: {  	s21 =	sadd.s32 $0xFFFFFF9C, s23  }
0xda: {  	[tilespmem:s7], [sflag:$0x2] =	stream.linear.gather [hbm4b:s21+s2], $0x320, $0x38;
	[tilespmem:$0x19640] =	vst v63  }
0xdb: {  	_ =	swait.ge [sflag:s8], $0x3200  }
0xdc: {  	[sflag:s8] =	ssyncset.done $0x0  }
0xdd: {  	[sflag:s8] =	ssyncadd.s32 $0xFFFFCE00  }
0xde: {  	_ =	swait.ge [sflag:s8], $0x3200  }
0xdf: {  	[sflag:s8] =	ssyncset.done $0x0  }
0xe0: {  	[sflag:s8] =	ssyncadd.s32 $0xFFFFCE00  }
0xe1: {  	_ =	swait.ge [sflag:s8], $0x3200  }
0xe2: {  	[sflag:s8] =	ssyncset.done $0x0  }
0xe3: {  	[sflag:s8] =	ssyncadd.s32 $0xFFFFCE00  }
0xe4: {  	_ =	swait.ge [sflag:s8], $0x3200  }
0xe5: {  	s24 =	smov.u32 s22;
	s25 =	rddreg [dreg:$0x2]  }
0xe6: {  	[sflag:s8] =	ssyncset.done $0x0;
	s5 =	sadd.s32 s24, s25  }
0xe7: {  	s25 =	rddreg [dreg:$0x5];
	[sflag:s8] =	ssyncadd.s32 $0xFFFFCE00;
	s21 =	sadd.s32 $0x6400, s5  }
0xe8: {  	[hbm4b:s21+s9] =	stream.strided.scatter [tilespmem:s29], [sflag:$0x5], $0x3200, s10, s9, $0x38;
	[tilespmem:$0x19640] =	vst v63  }
0xe9: {  	s31 =	rddreg [dreg:$0x4];
	s21 =	sadd.s32 s24, s25  }
0xea: {  	[hbm4b:s21+s9] =	stream.strided.scatter [tilespmem:s30], [sflag:$0x5], $0x3200, s10, s9, $0x38;
	[tilespmem:$0x19640] =	vst v63  }
0xeb: {  	s31 =	sadd.s32 s24, s31;
	s25 =	rddreg [dreg:$0x3]  }
0xec: {  	[hbm4b:s31+s9] =	stream.strided.scatter [tilespmem:s0], [sflag:$0x5], $0x3200, s10, s9, $0x38;
	[tilespmem:$0x19640] =	vst v63  }
0xed: {  	s25 =	sadd.s32 s24, s25  }
0xee: {  	[hbm4b:s25+s9] =	stream.strided.scatter [tilespmem:s6], [sflag:$0x5], $0x3200, s10, s9, $0x38;
	[tilespmem:$0x19640] =	vst v63  }
0xef: {  	_ =	swait.ge [sflag:s11], $0x320  }
0xf0: {  	[sflag:s11] =	ssyncset.done $0x0  }
0xf1: {  	[sflag:s11] =	ssyncadd.s32 $0xFFFFFCE0  }
0xf2: {  	_ =	swait.ge [sflag:s20], $0x3200  }
0xf3: {  	[sflag:s20] =	ssyncset.done $0x0  }
0xf4: {  	[sflag:s20] =	ssyncadd.s32 $0xFFFFCE00  }
0xf5: {  	_ =	swait.ge [sflag:s20], $0x3200  }
0xf6: {  	[sflag:s20] =	ssyncset.done $0x0  }
0xf7: {  	[sflag:s20] =	ssyncadd.s32 $0xFFFFCE00  }
0xf8: {  	_ =	swait.ge [sflag:s20], $0x3200  }
0xf9: {  	[sflag:s20] =	ssyncset.done $0x0  }
0xfa: {  	[sflag:s20] =	ssyncadd.s32 $0xFFFFCE00  }
0xfb: {  	_ =	swait.ge [sflag:s20], $0x3200  }
0xfc: {  	[sflag:s20] =	ssyncset.done $0x0  }
0xfd: {  	[sflag:s20] =	ssyncadd.s32 $0xFFFFCE00  }
0xfe: {  	[tilespmem:s12], [sflag:$0x4] =	stream.indirect.gather [hbm4b:s3+s28], $0x40, s7, s28, $0xb8;
	[tilespmem:$0x19640] =	vst v63  }
0xff: {  	_ = 	snop  }
0x100: {  	[tilespmem:s14], [sflag:$0x4] =	stream.indirect.gather [hbm4b:s3+s28], $0x40, s4, s28, $0xb8;
	[tilespmem:$0x19640] =	vst v63  }
0x101: {  	_ = 	snop  }
0x102: {  	[tilespmem:s15], [sflag:$0x4] =	stream.indirect.gather [hbm4b:s3+s28], $0x40, s16, s28, $0xb8;
	[tilespmem:$0x19640] =	vst v63  }
0x103: {  	_ = 	snop  }
0x104: {  	[tilespmem:s17], [sflag:$0x4] =	stream.indirect.gather [hbm4b:s3+s28], $0x40, s1, s28, $0xb8;
	[tilespmem:$0x19640] =	vst v63  }
0x105: {  	_ = 	snop  }
0x106: {  	[tilespmem:s2], [sflag:$0x1] =	stream.linear.gather [hbm4b:s23+s2], $0x320, $0x38;
	[tilespmem:$0x19640] =	vst v63  }
0x107: {  	_ =	swait.ge [sflag:s18], $0x3200  }
0x108: {  	[sflag:s18] =	ssyncset.done $0x0  }
0x109: {  	[sflag:s18] =	ssyncadd.s32 $0xFFFFCE00  }
0x10a: {  	_ =	swait.ge [sflag:s18], $0x3200  }
0x10b: {  	[sflag:s18] =	ssyncset.done $0x0  }
0x10c: {  	[sflag:s18] =	ssyncadd.s32 $0xFFFFCE00  }
0x10d: {  	_ =	swait.ge [sflag:s18], $0x3200  }
0x10e: {  	[sflag:s18] =	ssyncset.done $0x0  }
0x10f: {  	[sflag:s18] =	ssyncadd.s32 $0xFFFFCE00  }
0x110: {  	_ =	swait.ge [sflag:s18], $0x3200  }
0x111: {  	p0 =	sne.s32 s22, $0x17D400;
	[sflag:s18] =	ssyncset.done $0x0  }
0x112: {  	s5 =	sadd.s32 $0x9600, s5;
	s31 =	rddreg [dreg:$0x8];
	[sflag:s18] =	ssyncadd.s32 $0xFFFFCE00  }
0x113: {  	[hbm4b:s5+s9] =	stream.strided.scatter [tilespmem:s12], [sflag:$0x6], $0x3200, s10, s9, $0x38;
	[tilespmem:$0x19640] =	vst v63  }
.Ltmp0:
0x114: {  	s25 =	rddreg [dreg:$0x7];
	(pc) =	sbr.rel @p0 .LBB2_2-.Ltmp0, $4  }
0x115: {  	s22 =	sadd.s32 $0x6400, s22;
	s21 =	rddreg [dreg:$0x6];
	s31 =	sadd.s32 s24, s31  }
0x116: {  	[hbm4b:s31+s9] =	stream.strided.scatter [tilespmem:s14], [sflag:$0x6], $0x3200, s10, s9, $0x38;
	[tilespmem:$0x19640] =	vst v63  }
0x117: {  	s23 =	sadd.s32 $0xC8, s23;
	s5 =	sadd.s32 s24, s21;
	s31 =	sadd.s32 s24, s25  }
0x118: {  	[hbm4b:s31+s9] =	stream.strided.scatter [tilespmem:s15], [sflag:$0x6], $0x3200, s10, s9, $0x38;
	[tilespmem:$0x19640] =	vst v63  }
0x119: {  	[hbm4b:s5+s9] =	stream.strided.scatter [tilespmem:s17], [sflag:$0x6], $0x3200, s10, s9, $0x38;
	[tilespmem:$0x19640] =	vst v63  }
0x11a: {  	_ =	swait.ge [sflag:s26], $0x320  }
0x11b: {  	[sflag:s26] =	ssyncset.done $0x0  }
0x11c: {  	[sflag:s26] =	ssyncadd.s32 $0xFFFFFCE0  }
0x11d: {  	_ =	swait.ge [sflag:s19], $0x3200  }
0x11e: {  	[sflag:s19] =	ssyncset.done $0x0  }
0x11f: {  	[sflag:s19] =	ssyncadd.s32 $0xFFFFCE00  }
0x120: {  	_ =	swait.ge [sflag:s19], $0x3200  }
0x121: {  	[sflag:s19] =	ssyncset.done $0x0  }
0x122: {  	[sflag:s19] =	ssyncadd.s32 $0xFFFFCE00  }
0x123: {  	_ =	swait.ge [sflag:s19], $0x3200  }
0x124: {  	[sflag:s19] =	ssyncset.done $0x0  }
0x125: {  	[sflag:s19] =	ssyncadd.s32 $0xFFFFCE00  }
0x126: {  	_ =	swait.ge [sflag:s19], $0x3200  }
0x127: {  	[sflag:s19] =	ssyncset.done $0x0  }
0x128: {  	[sflag:s19] =	ssyncadd.s32 $0xFFFFCE00  }
0x129: {  	[tilespmem:s29], [sflag:$0x3] =	stream.indirect.gather [hbm4b:s3+s28], $0x40, s2, s28, $0xb8;
	[tilespmem:$0x19640] =	vst v63  }
0x12a: {  	_ = 	snop  }
0x12b: {  	[tilespmem:s30], [sflag:$0x3] =	stream.indirect.gather [hbm4b:s3+s28], $0x40, s28, s28, $0xb8;
	[tilespmem:$0x19640] =	vst v63  }
0x12c: {  	s21 =	simm.s32 $0x190  }
0x12d: {  	[tilespmem:s0], [sflag:$0x3] =	stream.indirect.gather [hbm4b:s3+s28], $0x40, s21, s28, $0xb8;
	[tilespmem:$0x19640] =	vst v63  }
0x12e: {  	_ = 	snop  }
0x12f: {  	[tilespmem:s6], [sflag:$0x3] =	stream.indirect.gather [hbm4b:s3+s28], $0x40, s13, s28, $0xb8;
	[tilespmem:$0x19640] =	vst v63  }
0x130: {  	s22 =	rddreg [dreg:$0x14]  }
0x131: {  	[tilespmem:s7], [sflag:$0x2] =	stream.linear.gather [hbm4b:s22+s2], $0x320, $0x38;
	[tilespmem:$0x19640] =	vst v63  }
0x132: {  	_ =	swait.ge [sflag:s8], $0x3200  }
0x133: {  	[sflag:s8] =	ssyncset.done $0x0  }
0x134: {  	[sflag:s8] =	ssyncadd.s32 $0xFFFFCE00  }
0x135: {  	_ =	swait.ge [sflag:s8], $0x3200  }
0x136: {  	[sflag:s8] =	ssyncset.done $0x0  }
0x137: {  	[sflag:s8] =	ssyncadd.s32 $0xFFFFCE00  }
0x138: {  	_ =	swait.ge [sflag:s8], $0x3200  }
0x139: {  	[sflag:s8] =	ssyncset.done $0x0  }
0x13a: {  	[sflag:s8] =	ssyncadd.s32 $0xFFFFCE00  }
0x13b: {  	_ =	swait.ge [sflag:s8], $0x3200  }
0x13c: {  	[sflag:s8] =	ssyncset.done $0x0  }
0x13d: {  	s23 =	rddreg [dreg:$0x15];
	[sflag:s8] =	ssyncadd.s32 $0xFFFFCE00  }
0x13e: {  	[hbm4b:s23+s9] =	stream.strided.scatter [tilespmem:s29], [sflag:$0x5], $0x3200, s10, s9, $0x38;
	[tilespmem:$0x19640] =	vst v63  }
0x13f: {  	s24 =	rddreg [dreg:$0x16]  }
0x140: {  	[hbm4b:s24+s9] =	stream.strided.scatter [tilespmem:s30], [sflag:$0x5], $0x3200, s10, s9, $0x38;
	[tilespmem:$0x19640] =	vst v63  }
0x141: {  	s25 =	rddreg [dreg:$0x17]  }
0x142: {  	[hbm4b:s25+s9] =	stream.strided.scatter [tilespmem:s0], [sflag:$0x5], $0x3200, s10, s9, $0x38;
	[tilespmem:$0x19640] =	vst v63  }
0x143: {  	s31 =	rddreg [dreg:$0x18]  }
0x144: {  	[hbm4b:s31+s9] =	stream.strided.scatter [tilespmem:s6], [sflag:$0x5], $0x3200, s10, s9, $0x38;
	[tilespmem:$0x19640] =	vst v63  }
0x145: {  	_ =	swait.ge [sflag:s11], $0x320  }
0x146: {  	[sflag:s11] =	ssyncset.done $0x0  }
0x147: {  	[sflag:s11] =	ssyncadd.s32 $0xFFFFFCE0  }
0x148: {  	_ =	swait.ge [sflag:s20], $0x3200  }
0x149: {  	[sflag:s20] =	ssyncset.done $0x0  }
0x14a: {  	[sflag:s20] =	ssyncadd.s32 $0xFFFFCE00  }
0x14b: {  	_ =	swait.ge [sflag:s20], $0x3200  }
0x14c: {  	[sflag:s20] =	ssyncset.done $0x0  }
0x14d: {  	[sflag:s20] =	ssyncadd.s32 $0xFFFFCE00  }
0x14e: {  	_ =	swait.ge [sflag:s20], $0x3200  }
0x14f: {  	[sflag:s20] =	ssyncset.done $0x0  }
0x150: {  	[sflag:s20] =	ssyncadd.s32 $0xFFFFCE00  }
0x151: {  	_ =	swait.ge [sflag:s20], $0x3200  }
0x152: {  	[sflag:s20] =	ssyncset.done $0x0  }
0x153: {  	[sflag:s20] =	ssyncadd.s32 $0xFFFFCE00  }
0x154: {  	[tilespmem:s12], [sflag:$0x4] =	stream.indirect.gather [hbm4b:s3+s28], $0x40, s7, s28, $0xb8;
	[tilespmem:$0x19640] =	vst v63  }
0x155: {  	_ = 	snop  }
0x156: {  	[tilespmem:s14], [sflag:$0x4] =	stream.indirect.gather [hbm4b:s3+s28], $0x40, s4, s28, $0xb8;
	[tilespmem:$0x19640] =	vst v63  }
0x157: {  	_ = 	snop  }
0x158: {  	[tilespmem:s15], [sflag:$0x4] =	stream.indirect.gather [hbm4b:s3+s28], $0x40, s16, s28, $0xb8;
	[tilespmem:$0x19640] =	vst v63  }
0x159: {  	_ = 	snop  }
0x15a: {  	[tilespmem:s17], [sflag:$0x4] =	stream.indirect.gather [hbm4b:s3+s28], $0x40, s1, s28, $0xb8;
	[tilespmem:$0x19640] =	vst v63  }
0x15b: {  	_ =	swait.ge [sflag:s18], $0x3200  }
0x15c: {  	[sflag:s18] =	ssyncset.done $0x0  }
0x15d: {  	[sflag:s18] =	ssyncadd.s32 $0xFFFFCE00  }
0x15e: {  	_ =	swait.ge [sflag:s18], $0x3200  }
0x15f: {  	[sflag:s18] =	ssyncset.done $0x0  }
0x160: {  	[sflag:s18] =	ssyncadd.s32 $0xFFFFCE00  }
0x161: {  	_ =	swait.ge [sflag:s18], $0x3200  }
0x162: {  	[sflag:s18] =	ssyncset.done $0x0  }
0x163: {  	[sflag:s18] =	ssyncadd.s32 $0xFFFFCE00  }
0x164: {  	_ =	swait.ge [sflag:s18], $0x3200  }
0x165: {  	[sflag:s18] =	ssyncset.done $0x0  }
0x166: {  	s21 =	rddreg [dreg:$0x19];
	[sflag:s18] =	ssyncadd.s32 $0xFFFFCE00  }
0x167: {  	[hbm4b:s21+s9] =	stream.strided.scatter [tilespmem:s12], [sflag:$0x6], $0x3200, s10, s9, $0x38;
	[tilespmem:$0x19640] =	vst v63  }
0x168: {  	s22 =	rddreg [dreg:$0x1a]  }
0x169: {  	[hbm4b:s22+s9] =	stream.strided.scatter [tilespmem:s14], [sflag:$0x6], $0x3200, s10, s9, $0x38;
	[tilespmem:$0x19640] =	vst v63  }
0x16a: {  	s23 =	rddreg [dreg:$0x1b]  }
0x16b: {  	[hbm4b:s23+s9] =	stream.strided.scatter [tilespmem:s15], [sflag:$0x6], $0x3200, s10, s9, $0x38;
	[tilespmem:$0x19640] =	vst v63  }
0x16c: {  	s24 =	rddreg [dreg:$0x1c]  }
0x16d: {  	[hbm4b:s24+s9] =	stream.strided.scatter [tilespmem:s17], [sflag:$0x6], $0x3200, s10, s9, $0x38;
	[tilespmem:$0x19640] =	vst v63  }
0x16e: {  	_ =	swait.ge [sflag:s19], $0x3200  }
0x16f: {  	[sflag:s19] =	ssyncset.done $0x0  }
0x170: {  	[sflag:s19] =	ssyncadd.s32 $0xFFFFCE00  }
0x171: {  	_ =	swait.ge [sflag:s19], $0x3200  }
0x172: {  	[sflag:s19] =	ssyncset.done $0x0  }
0x173: {  	[sflag:s19] =	ssyncadd.s32 $0xFFFFCE00  }
0x174: {  	_ =	swait.ge [sflag:s19], $0x3200  }
0x175: {  	[sflag:s19] =	ssyncset.done $0x0  }
0x176: {  	[sflag:s19] =	ssyncadd.s32 $0xFFFFCE00  }
0x177: {  	_ =	swait.ge [sflag:s19], $0x3200  }
0x178: {  	[sflag:s19] =	ssyncset.done $0x0  }
0x179: {  	[sflag:s19] =	ssyncadd.s32 $0xFFFFCE00  }
0x17a: {  	_ =	swait.ge [sflag:s20], $0x3200  }
0x17b: {  	[sflag:s20] =	ssyncset.done $0x0  }
0x17c: {  	[sflag:s20] =	ssyncadd.s32 $0xFFFFCE00  }
0x17d: {  	_ =	swait.ge [sflag:s20], $0x3200  }
0x17e: {  	[sflag:s20] =	ssyncset.done $0x0  }
0x17f: {  	[sflag:s20] =	ssyncadd.s32 $0xFFFFCE00  }
0x180: {  	_ =	swait.ge [sflag:s20], $0x3200  }
0x181: {  	[sflag:s20] =	ssyncset.done $0x0  }
0x182: {  	[sflag:s20] =	ssyncadd.s32 $0xFFFFCE00  }
0x183: {  	_ =	swait.ge [sflag:s20], $0x3200  }
0x184: {  	s25 =	rddreg [dreg:$0x1f]  }
0x185: {  	s31 =	rddreg [dreg:$0x1d];
	s1 =	sadd.s32 $0x1, s25  }
0x186: {  	p0 =	sne.s32 s1, s31  }
.Ltmp1:
0x187: {  	_ = 	snop;
	(pc) =	sbr.rel @p0 .LBB2_1-.Ltmp1, $3  }
0x188: {  	_ =	sdelay $0x1  }
0x189: {  	[sflag:s20] =	ssyncset.done $0x0  }
0x18a: {  	[sflag:s20] =	ssyncadd.s32 $0xFFFFCE00  }
0x18b: {  	_ =	sfence.sel $0x180000  }
0x18c: {  	[bflag:$0x0] =	sbarrier.arrive $0xFFFF  }
0x18d: {  	_ =	strace $0x90000047  }
0x18e: {  	s0 =	stileid.u32;
	[bflag:$0x2] =	sbarrier.arrive $0xFFFF  }
0x18f: {  	p0 =	sne.s32 s0, $0x0;
	s0 =	rddreg [dreg:$0x1]  }
0x190: {  	s0 =	sadd.s32 @!p0 $0x100000, s0  }
0x191: {  	[sflag:s0] =	ssyncadd.tile.s32 @!p0 $0x1;
	_ =	shalt  }
.Lfunc_end2:
_tile_overlayer_lowered:
.L_overlay_start_2:
0x192: {  	(tag) =	ssettag $0x2  }
0x193: {  	s0 =	rddreg [dreg:$0x0];
	s2 =	stileid.u32  }
0x194: {  	s1 =	rddreg [dreg:$0x1];
	p0 =	sne.s32 s2, $0x0  }
0x195: {  	s3 =	rddreg [dreg:$0x2];
	[bflag:$0x3] =	sbarrier.arrive $0xFFFF;
	s2 =	simm.s32 @!p0 $0x1C07  }
0x196: {  	[timem:s3], [sflag:s2] =	dma.local @!p0 [hbm:s0], s1  }
0x197: {  	s0 =	simm.s32 @!p0 $0x7  }
0x198: {  	_ =	swait.ge @!p0 [sflag:s0], s1  }
0x199: {  	s1 =	ssub.s32 @!p0 $0x0, s1;
	[sflag:s0] =	ssyncset.done @!p0 $0x0  }
0x19a: {  	[sflag:s0] =	ssyncadd.s32 @!p0 s1  }
0x19b: {  	[bflag:$0x3] =	sbarrier.arrive $0xFFFF  }
0x19c: {  	_ =	shalt  }

// kernel: sparse-core-data-format-call.cloned.1.call-start
scs
called_computation_lowered:
.L_overlay_start_0:
0x0: {  	s2 =	sld [smem:$0x3FD9]  }
0x1: {  	s3 =	sld [smem:$0x3FFE];
	_ =	sdelay $0x1  }
0x2: {  	s1 =	srdreg.scid  }
0x3: {  	s0 =	sand.u32 $0x1, s1  }
0x4: {  	s18 =	sshll.u32 s0, $0xA;
	s2 =	sadd.s32 s3, s2  }
0x5: {  	s2 =	sadd.s32 s2, s18  }
0x6: {  	[smem:$0x3FC6] =	sst s2  }
0x7: {  	_ = 	snop  }
0x8: {  	s2 =	sld [smem:$0x3FD0];
	(tm) =	ssettm $0x1  }
0x9: {  	s19 =	sld [smem:$0x3FFB];
	_ =	sdelay $0x3  }
0xa: {  	_ =	strace s19  }
0xb: {  	s3 =	sld [smem:$0x3FFC];
	_ =	sdelay $0x3  }
0xc: {  	_ =	strace s3  }
0xd: {  	s3 =	sld [smem:$0x3FFD];
	_ =	sdelay $0x3  }
0xe: {  	_ =	strace s3  }
0xf: {  	_ =	strace $0x8FFFFFFF  }
0x10: {  	s20 =	sld [smem:$0x3FDB];
	_ =	sdelay $0x1  }
0x11: {  	s4 =	simm.s32 $_scs_section_size  }
0x12: {  	s5 =	simm.s32 $_size__tile_overlayer_lowered;
	s6 =	simm.s32 $_tile_overlayer_lowered  }
0x13: {  	s23 =	simm.s32 $0x1BFF;
	s22 =	sshll.u32 s6, $0x1;
	s3 =	sadd.s32 s4, s20  }
0x14: {  	s7 =	simm.s32 $0x0;
	s21 =	sshll.u32 s5, $0x1;
	s5 =	sadd.s32 s22, s3  }
0x15: {  	[timem:s7], [sflag:s23] =	dma.local [hbm:s5], s21  }
0x16: {  	_ =	swait.ge [sflag:s23], s21  }
0x17: {  	s4 =	ssub.s32 $0x0, s21;
	[sflag:s23] =	ssyncset.done $0x0  }
0x18: {  	[sflag:s23] =	ssyncadd.s32 s4;
	_ =	sdelay $0x1  }
0x19: {  	s24 =	simm.s32 $0x1B8B  }
0x1a: {  	_ =	swait.ge [sflag:s24], $0x1  }
0x1b: {  	[sflag:s24] =	ssyncset.done $0x0  }
0x1c: {  	s26 =	simm.s32 $0x1B8E;
	s25 =	sld [smem:$0x3FFE];
	[sflag:s24] =	ssyncadd.s32 $0xFFFFFFFF  }
0x1d: {  	s27 =	simm.s32 $execute0_lowered;
	[smem:$0x3FD2] =	sst s26  }
0x1e: {  	s5 =	sshll.u32 s27, $0x1;
	_ =	strace $0x80000049;
	[dreg:$0x1] =	wrdreg $0xFFFFFFFF  }
0x1f: {  	s28 =	simm.s32 $_size_execute0_lowered;
	s3 =	sadd.s32 s3, s5;
	[dreg:$0x0] =	wrdreg $0x0  }
0x20: {  	s5 =	sshll.u32 s28, $0x1;
	[dreg:$0x2] =	wrdreg s3  }
0x21: {  	[dreg:$0x3] =	wrdreg s5  }
0x22: {  	[dreg:$0x4] =	wrdreg $0xC0  }
0x23: {  	_ =	task [dreg:s7], $0x5FFFF  }
0x24: {  	[dreg:$0x1] =	wrdreg $0xFFFFFFFF  }
0x25: {  	[dreg:$0x0] =	wrdreg $0x60  }
0x26: {  	[dreg:$0x2] =	wrdreg s25  }
0x27: {  	[dreg:$0x3] =	wrdreg s2  }
0x28: {  	[dreg:$0x4] =	wrdreg $0x9  }
0x29: {  	_ =	task.clear_ibuf [dreg:s7], $0x5FFFF;
	_ =	strace $0x90000049  }
0x2a: {  	s29 =	simm.s32 $0x9;
	_ =	strace $0x8000004B  }
0x2b: {  	_ =	swait.ge [sflag:s29], $0x1  }
0x2c: {  	[sflag:s29] =	ssyncadd.s32 $0xFFFFFFFF  }
0x2d: {  	_ =	strace $0x9000004B  }
0x2e: {  	_ =	sfence  }
0x2f: {  	s30 =	sld [smem:$0x0];
	_ =	sdelay $0x2  }
0x30: {  	s31 =	sshll.u32 s1, $0xD;
	s1 =	sshrl.u32 s1, $0x2  }
0x31: {  	s3 =	sand.u32 $0x4000, s31;
	s1 =	sadd.s32 s1, s30  }
0x32: {  	s0 =	sor.u32 s3, s0;
	s1 =	sshll.u32 s1, $0x11  }
0x33: {  	s0 =	sor.u32 s1, s0  }
0x34: {  	s0 =	sadd.s32 $0x8F2B, s0  }
0x35: {  	[sflag:s0] =	ssyncadd.remote.s32 $0x1  }
0x36: {  	_ =	sfence.sel $0xFFFF  }
0x37: {  	[dreg:$0x0] =	wrdreg $0xFFFFFFFF;
	(pc) =	sbr.abs _section_cstart, $3  }
0x38: {  	[dreg:$0x1] =	wrdreg $0xFFFFFFFF  }
0x39: {  	_ =	task.clear_ibuf [dreg:s7], $0x2FFFF;
	_ =	strace $0x9FFFFFFF  }
0x3a: {  	(tm) =	ssettm $0x7FFFFFFF  }
0x3b: {  	_ =	shalt  }
tec
execute0_lowered:
.L_overlay_start_1:
0x0: {  	(tag) =	ssettag $0x1  }
0x1: {  	s0 =	srdreg.scid  }
0x2: {  	s1 =	sshll.u32 s0, $0x4  }
0x3: {  	s0 =	stileid.u32;
	s1 =	sand.u32 $0x10, s1  }
0x4: {  	s1 =	sor.u32 s0, s1  }
0x5: {  	s6 =	rddreg [dreg:$0x0];
	s4 =	simm.s32 $0x1;
	s2 =	sshll.u32 s1, $0x7  }
0x6: {  	s7 =	simm.s32 $0x2;
	s12 =	simm.s32 $0x0;
	s1 =	ssub.s32 $0x4000, s2  }
0x7: {  	s8 =	simm.s32 $0x20000;
	s13 =	simm.s32 $0x0;
	s3 =	sand.u32 $0xF80, s1  }
0x8: {  	s9 =	simm.s32 $0x0;
	s5 =	sshrl.u32 s1, $0xC;
	p0 =	sne.s32 s3, $0x0  }
.Ltmp0:
0x9: {  	s1 =	rddreg [dreg:$0x2];
	s4 =	simm.s32 @!p0 $0x0;
	(pc) =	sbr.rel .LBB1_1-.Ltmp0, $4  }
0xa: {  	s11 =	simm.s32 $0x0;
	s3 =	rddreg [dreg:$0x1];
	s5 =	sadd.s32 s4, s5  }
0xb: {  	_ =	strace $0x8000004A;
	s4 =	simm.s32 $0x1;
	s5 =	smul.u32 $0xC8, s5  }
0xc: {  	s6 =	sadd.s32 $0x805A00, s6;
	s10 =	smov.u32 s2;
	[sflag:s4] =	ssyncpa.u1 $0x0  }
0xd: {  	p0 =	por $0x0, $0x0;
	[sflag:s7] =	ssyncpa.u1 $0x0;
	s7 =	sor.u32 $0x1, s5  }
.LBB1_4:
0xe: {  	s16 =	sshll.u32 s13, $0x3;
	s17 =	sand.u32 $0x78, s13  }
0xf: {  	s30 =	sand.u32 $0x1F800, s13;
	s12 =	sshll.u32 s12, $0x11;
	s16 =	sand.u32 $0x3C00, s16  }
0x10: {  	[tilespmem:s15+$0x810 ss:$0x81] =	vst.msk $0xffff, v2;
	s31 =	sand.u32 $0x7, s13;
	s16 =	sor.u32 s17, s16;
	s17 =	sadd.s32 s3, s30  }
0x11: {  	[tilespmem:s15+$0x1020 ss:$0x81] =	vst.msk $0xffff, v0;
	s13 =	sshll.u32 s31, $0x12;
	s12 =	sadd.s32 s12, s17;
	s16 =	sshrl.u32 s16, $0x3  }
0x12: {  	[tilespmem:s15+$0x0 ss:$0x81] =	vst.msk $0xffff, v1;
	s13 =	sor.u32 $0x400, s13;
	s12 =	sadd.s32 s16, s12  }
0x13: {  	[hbm4b:s12+s13] =	stream.strided.scatter [tilespmem:s14], [sflag:$0x2], $0x2000, s8, s13, $0x20;
	[tilespmem:$0x8080] =	vst v63  }
.LBB1_5:
0x14: {  	s14 =	sadd.s32 $0x1, s9  }
0x15: {  	s12 =	sadd.s32 $0x1000, s10;
	s16 =	smov.u32 s10;
	p2 =	sgt.s32 s14, $0xC7  }
0x16: {  	s16 =	smov.u32 @p2 s12  }
0x17: {  	s14 =	simm.s32 @p2 $0x0;
	p2 =	sgt.s32 s16, $0x3FFF  }
0x18: {  	s16 =	smov.u32 @p2 s2;
	p2 =	sne.s32 s11, s7  }
.Ltmp1:
0x19: {  	p1 =	slt.u32 s11, $0x2;
	(pc) =	sbr.rel @!p2 .LBB1_6-.Ltmp1, $4  }
0x1a: {  	s15 =	simm.s32 @!p1 $0x2  }
0x1b: {  	s13 =	smov.u32 s10;
	p0 =	por !p0, !p0;
	_ =	swait.ge @!p1 [sflag:s15], $0x2000  }
0x1c: {  	s12 =	smov.u32 s9;
	[sflag:s15] =	ssyncset.done @!p1 $0x0;
	s9 =	smov.u32 s14  }
0x1d: {  	s11 =	sadd.s32 $0x1, s11;
	[sflag:s15] =	ssyncadd.s32 @!p1 $0xFFFFE000;
	s10 =	smov.u32 s16  }
.LBB1_1:
0x1e: {  	p1 =	sge.u32 s11, s5  }
0x1f: {  	s14 =	sand.u32 @!p1 $0x1FFFFFF, s9  }
0x20: {  	s15 =	smulhi.u32 @!p1 $0x147AE15, s14;
	_ =	sdelay $0x1  }
0x21: {  	s15 =	smul.u32 @!p1 $0xC8, s15  }
0x22: {  	s16 =	sxor.u32 @!p1 $0xFFFFFFFF, s11;
	s17 =	smul.u32 @!p1 $0xC80, s10  }
0x23: {  	s31 =	sadd.s32 $0xFFFFFFFF, s11;
	s16 =	sshll.u32 @!p1 s16, $0xD;
	s14 =	ssub.s32 @!p1 s14, s15  }
0x24: {  	s15 =	sand.u32 @!p1 $0x2000, s16;
	s16 =	sadd.s32 @!p1 s6, s17;
	s14 =	sshll.u32 @!p1 s14, $0x4  }
0x25: {  	s17 =	simm.s32 @!p1 $0x6400;
	s14 =	sadd.s32 @!p1 s14, s16;
	s16 =	simm.s32 @!p1 $0x40  }
0x26: {  	[tilespmem:s15], [sflag:$0x1] =	stream.strided.gather @!p1 [hbm4b:s14+s16], $0x2000, s17, s16, $0x38;
	[tilespmem:$0x8080] =	vst v63  }
0x27: {  	p1 =	sge.u32 s31, s5  }
.Ltmp2:
0x28: {  	_ = 	snop;
	(pc) =	sbr.rel @p1 .LBB1_5-.Ltmp2, $1  }
0x29: {  	_ =	sdelay $0x3  }
0x2a: {  	s14 =	simm.s32 $0x1  }
0x2b: {  	_ =	swait.ge [sflag:s4], $0x2000;
	s14 =	simm.s32 @!p0 $0x0  }
0x2c: {  	[sflag:s4] =	ssyncset.done $0x0;
	s15 =	sshll.u32 s14, $0xD  }
0x2d: {  	[sflag:s4] =	ssyncadd.s32 $0xFFFFE000;
	s18 =	sor.u32 $0x20, s15  }
0x2e: {  	s14 =	smul.u32 $0x8100, s14;
	v3 =	vld [tilespmem:s18+$0x10]  }
0x2f: {  	s30 =	sand.u32 $0x1, s11;
	v2 =	vld [tilespmem:s18+$0xFFFFFFF0]  }
0x30: {  	s15 =	smul.u32 $0x8100, s30;
	s14 =	sshrl.u32 s14, $0x2;
	v0 =	vld [tilespmem:s18+$0x0]  }
0x31: {  	v1 =	vld [tilespmem:s18+$0xFFFFFFE0];
	s16 =	sor.u32 $0x4000, s14  }
0x32: {  	s31 =	sshrl.u32 s15, $0x2;
	s15 =	sadd.s32 $0x0, s16  }
0x33: {  	s17 =	simm.s32 $0x4;
	s18 =	sadd.s32 $0x40, s18;
	s14 =	sor.u32 $0x4000, s31;
	[tilespmem:s15+$0x1830 ss:$0x81] =	vst.msk $0xffff, v3  }
.LBB1_3:
0x34: {  	v3 =	vld [tilespmem:s18+$0x10];
	p1 =	sne.s32 s17, $0x1FC;
	[tilespmem:s15+$0x810 ss:$0x81] =	vst.msk $0xffff, v2;
	s19 =	smov.u32 s17;
	s17 =	sadd.s32 $0x4, s17  }
.Ltmp3:
0x35: {  	v2 =	vld [tilespmem:s18+$0xFFFFFFF0];
	[tilespmem:s15+$0x1020 ss:$0x81] =	vst.msk $0xffff, v0;
	(pc) =	sbr.rel @p1 .LBB1_3-.Ltmp3, $4  }
0x36: {  	v0 =	vld [tilespmem:s18+$0x0];
	[tilespmem:s15+$0x0 ss:$0x81] =	vst.msk $0xffff, v1  }
0x37: {  	s15 =	sshra.s32 s19, $0x2;
	v1 =	vld [tilespmem:s18+$0xFFFFFFE0]  }
0x38: {  	s15 =	sadd.s32 s15, s16  }
0x39: {  	s18 =	sadd.s32 $0x40, s18;
	[tilespmem:s15+$0x1830 ss:$0x81] =	vst.msk $0xffff, v3  }
.Ltmp4:
0x3a: {  	_ = 	snop;
	(pc) =	sbr.rel .LBB1_4-.Ltmp4, $1  }
0x3b: {  	_ =	sdelay $0x3  }
.LBB1_6:
0x3c: {  	_ =	sfence.sel $0x180000  }
0x3d: {  	s2 =	simm.s32 $0x1;
	[bflag:$0x0] =	sbarrier.arrive $0xFFFF  }
0x3e: {  	s31 =	simm.s32 $0x2;
	[sflag:s2] =	ssyncpa.u1 $0x1  }
0x3f: {  	[sflag:s31] =	ssyncpa.u1 $0x1  }
0x40: {  	p0 =	sne.s32 s0, $0x0;
	_ =	strace $0x9000004A  }
0x41: {  	s0 =	sadd.s32 @!p0 $0x100000, s1;
	[bflag:$0x2] =	sbarrier.arrive $0xFFFF  }
0x42: {  	[sflag:s0] =	ssyncadd.tile.s32 @!p0 $0x1;
	_ =	shalt  }
.Lfunc_end1:
_tile_overlayer_lowered:
.L_overlay_start_2:
0x43: {  	(tag) =	ssettag $0x2  }
0x44: {  	s0 =	rddreg [dreg:$0x0];
	s2 =	stileid.u32  }
0x45: {  	s1 =	rddreg [dreg:$0x1];
	p0 =	sne.s32 s2, $0x0  }
0x46: {  	s3 =	rddreg [dreg:$0x2];
	[bflag:$0x3] =	sbarrier.arrive $0xFFFF;
	s2 =	simm.s32 @!p0 $0x1C01  }
0x47: {  	[timem:s3], [sflag:s2] =	dma.local @!p0 [hbm:s0], s1  }
0x48: {  	s0 =	simm.s32 @!p0 $0x1  }
0x49: {  	_ =	swait.ge @!p0 [sflag:s0], s1  }
0x4a: {  	s1 =	ssub.s32 @!p0 $0x0, s1;
	[sflag:s0] =	ssyncset.done @!p0 $0x0  }
0x4b: {  	[sflag:s0] =	ssyncadd.s32 @!p0 s1  }
0x4c: {  	[bflag:$0x3] =	sbarrier.arrive $0xFFFF  }
0x4d: {  	_ =	shalt  }

</sc_bundles>
